<compile_context>
chip_gen: v7x
topology: tpu7x:2x2x1
jax: 0.10.2.dev20260603
libtpu: 0.0.44.dev20260713+nightly
codegen_flags: <defaults>
</compile_context>

<pallas_src>
import functools

import jax
import jax.numpy as jnp
import numpy as np
from jax import lax
from jax.experimental import pallas as pl
from jax.experimental.pallas import tpu as pltpu
from jax.experimental.pallas import tpu_sc as plsc

N = 10000
T = 10000
E1 = 320000
E2 = 320000
DIM = 128
ALPHA = 0.2

NC = 2
NS = 16
NW = NC * NS
L = 16

C1 = 80
C2 = 80
EPT1 = E1 // NS
EPW2 = E2 // NW
RPT = 632
CH = 40

_mesh = plsc.VectorSubcoreMesh(core_axis_name="c", subcore_axis_name="s")


_LANE_PERMS = np.stack(
    [np.arange(L, dtype=np.int32) ^ sh for sh in (8, 4, 2, 1)] * 2)


def _lanesum(v, perms):
    for p in perms:
        v = v + jnp.take_along_axis(v, p, axis=0)
    return v


@functools.partial(
    pl.kernel,
    out_type=jax.ShapeDtypeStruct((NC, N, DIM), jnp.float32),
    mesh=_mesh,
    scratch_types=[
        pltpu.VMEM((C1,), jnp.int32),
        pltpu.VMEM((C1,), jnp.int32),
        pltpu.VMEM((C1, DIM), jnp.float32),
        pltpu.VMEM((C1, DIM), jnp.float32),
        pltpu.VMEM((C1, DIM), jnp.float32),
        pltpu.VMEM((DIM,), jnp.float32),
        pltpu.VMEM((8, L), jnp.int32),
        pltpu.VMEM_SHARED((N, DIM), jnp.float32),
        pltpu.SemaphoreType.DMA,
        pltpu.SemaphoreType.DMA,
    ],
)
def _phase1(hn_hbm, src_hbm, dst_hbm, wp_hbm, lidx_hbm,
            o_hbm,
            srcv, dstv, hs, hd, sb, wbuf, lbuf, acc, sem1, sem2):
    cid = lax.axis_index("c")
    sid = lax.axis_index("s")

    zv = jnp.zeros((L,), jnp.float32)

    def zrow(i, _):
        for k in range(DIM // L):
            sb[i, pl.ds(k * L, L)] = zv
        return 0

    lax.fori_loop(0, C1, zrow, 0)
    r0 = jnp.minimum(sid * RPT, N - RPT)

    def zchunk(j, _):
        off = jnp.minimum(r0 + j * CH, N - CH)
        pltpu.sync_copy(sb.at[pl.ds(0, CH)], acc.at[pl.ds(off, CH)])
        return 0

    lax.fori_loop(0, RPT // CH + 1, zchunk, 0)
    pltpu.sync_copy(wp_hbm, wbuf)
    pltpu.sync_copy(lidx_hbm, lbuf)
    plsc.subcore_barrier()

    wv = [wbuf[pl.ds(k * L, L)] for k in range(DIM // L)]
    perms = [lbuf[k, pl.ds(0, L)] for k in range(4)]
    lane0 = jnp.bitwise_xor(perms[0], 8) == 0

    ebase = sid * EPT1

    def chunk(ci, _):
        base = ebase + ci * C1
        ci1 = pltpu.async_copy(src_hbm.at[pl.ds(base, C1)], srcv, sem1)
        ci2 = pltpu.async_copy(dst_hbm.at[pl.ds(base, C1)], dstv, sem2)
        ci1.wait()
        ci2.wait()
        cp1 = pltpu.async_copy(hn_hbm.at[srcv], hs, sem1)
        cp2 = pltpu.async_copy(hn_hbm.at[dstv], hd, sem2)
        cp1.wait()
        cp2.wait()

        def edge_body(e, _):
            av = wv[0] * hs[e, pl.ds(0, L)] * hd[e, pl.ds(0, L)]
            for k in range(1, DIM // L):
                av = av + wv[k] * hs[e, pl.ds(k * L, L)] * hd[e, pl.ds(k * L, L)]
            d = _lanesum(av, perms)
            d = jnp.where(d >= 0.0, d, ALPHA * d)
            ev = jnp.exp(d)

            @pl.when(cid == 0)
            def _():
                for k in range(DIM // L):
                    sb[e, pl.ds(k * L, L)] = hs[e, pl.ds(k * L, L)] * ev

            @pl.when(cid == 1)
            def _():
                sb[e, pl.ds(0, L)] = jnp.where(lane0, ev, 0.0)

            return 0

        lax.fori_loop(0, C1, edge_body, 0)

        pltpu.sync_copy(sb, acc.at[dstv], add=True)
        return 0

    lax.fori_loop(0, EPT1 // C1, chunk, 0)

    plsc.subcore_barrier()

    def ochunk(j, _):
        off = jnp.minimum(r0 + j * CH, N - CH)
        pltpu.sync_copy(acc.at[pl.ds(off, CH)], sb.at[pl.ds(0, CH)])
        pltpu.sync_copy(sb.at[pl.ds(0, CH)], o_hbm.at[cid, pl.ds(off, CH)])
        return 0

    lax.fori_loop(0, RPT // CH + 1, ochunk, 0)


def _combine_body(p_ref, wq_ref, gft_ref):
    num = p_ref[0]
    den = p_ref[1][:, 0:1]
    ft = num / (den + 1e-16)
    g = lax.dot_general(ft, wq_ref[:, :DIM],
                        dimension_numbers=(((1,), (1,)), ((), ())),
                        preferred_element_type=jnp.float32)
    gft_ref[:, :DIM] = g
    gft_ref[:, DIM:] = ft


def _combine(part, W_q):
    BN = 1000
    return pl.pallas_call(
        _combine_body,
        grid=(N // BN,),
        in_specs=[
            pl.BlockSpec((NC, BN, DIM), lambda i: (0, i, 0)),
            pl.BlockSpec((DIM, 2 * DIM), lambda i: (0, 0)),
        ],
        out_specs=pl.BlockSpec((BN, 2 * DIM), lambda i: (i, 0)),
        out_shape=jax.ShapeDtypeStruct((N, 2 * DIM), jnp.float32),
    )(part, W_q)


def _p2_body(hp_ref, wq_ref, p2_ref):
    p2_ref[...] = lax.dot_general(hp_ref[...], wq_ref[:, DIM:],
                                  dimension_numbers=(((1,), (1,)), ((), ())),
                                  preferred_element_type=jnp.float32)


def _p2(h_p, W_q):
    BE = 2000
    return pl.pallas_call(
        _p2_body,
        grid=(E2 // BE,),
        in_specs=[
            pl.BlockSpec((BE, DIM), lambda i: (i, 0)),
            pl.BlockSpec((DIM, 2 * DIM), lambda i: (0, 0)),
        ],
        out_specs=pl.BlockSpec((BE, DIM), lambda i: (i, 0)),
        out_shape=jax.ShapeDtypeStruct((E2, DIM), jnp.float32),
    )(h_p, W_q)


@functools.partial(
    pl.kernel,
    out_type=jax.ShapeDtypeStruct((NC, T, DIM), jnp.float32),
    mesh=_mesh,
    scratch_types=[
        pltpu.VMEM((C2,), jnp.int32),
        pltpu.VMEM((C2,), jnp.int32),
        pltpu.VMEM((C2, 2 * DIM), jnp.float32),
        pltpu.VMEM((C2, DIM), jnp.float32),
        pltpu.VMEM((C2, DIM), jnp.float32),
        pltpu.VMEM((8, L), jnp.int32),
        pltpu.VMEM_SHARED((T, DIM), jnp.float32),
        pltpu.SemaphoreType.DMA,
        pltpu.SemaphoreType.DMA,
    ],
)
def _phase2(gft_hbm, ht_hbm, p2_hbm, src_hbm, dst_hbm, lidx_hbm,
            out_hbm,
            srcv, dstv, gf, ht, p2v, lbuf, acc, sem1, sem2):
    cid = lax.axis_index("c")
    sid = lax.axis_index("s")
    wid = sid * NC + cid

    zv = jnp.zeros((L,), jnp.float32)

    def zrow(i, _):
        for k in range(DIM // L):
            p2v[i, pl.ds(k * L, L)] = zv
        return 0

    lax.fori_loop(0, C2, zrow, 0)
    r0 = jnp.minimum(sid * RPT, T - RPT)

    def zchunk(j, _):
        off = jnp.minimum(r0 + j * CH, T - CH)
        pltpu.sync_copy(p2v.at[pl.ds(0, CH)], acc.at[pl.ds(off, CH)])
        return 0

    lax.fori_loop(0, RPT // CH + 1, zchunk, 0)
    pltpu.sync_copy(lidx_hbm, lbuf)
    plsc.subcore_barrier()

    perms = [lbuf[k, pl.ds(0, L)] for k in range(4)]
    ebase = wid * EPW2

    def chunk(ci, _):
        base = ebase + ci * C2
        ci1 = pltpu.async_copy(src_hbm.at[pl.ds(base, C2)], srcv, sem1)
        ci2 = pltpu.async_copy(dst_hbm.at[pl.ds(base, C2)], dstv, sem2)
        ci1.wait()
        ci2.wait()
        cp1 = pltpu.async_copy(gft_hbm.at[srcv], gf, sem1)
        cp2 = pltpu.async_copy(ht_hbm.at[dstv], ht, sem2)
        pltpu.sync_copy(p2_hbm.at[pl.ds(base, C2)], p2v)
        cp1.wait()
        cp2.wait()

        def edge(e, _):
            av = jnp.zeros((L,), jnp.float32)
            for k in range(DIM // L):
                x = gf[e, pl.ds(k * L, L)] + p2v[e, pl.ds(k * L, L)]
                a = jnp.exp(-2.0 * jnp.abs(x))
                t = (1.0 - a) / (1.0 + a)
                t = jnp.where(x >= 0.0, t, -t)
                av = av + t * ht[e, pl.ds(k * L, L)]
            s = _lanesum(av, perms)
            for k in range(DIM // L):
                p2v[e, pl.ds(k * L, L)] = gf[e, pl.ds(DIM + k * L, L)] * s
            return 0

        lax.fori_loop(0, C2, edge, 0)
        pltpu.sync_copy(p2v, acc.at[dstv], add=True)
        return 0

    lax.fori_loop(0, EPW2 // C2, chunk, 0)

    plsc.subcore_barrier()

    def ochunk(j, _):
        off = jnp.minimum(r0 + j * CH, T - CH)
        pltpu.sync_copy(acc.at[pl.ds(off, CH)], p2v.at[pl.ds(0, CH)])
        pltpu.sync_copy(p2v.at[pl.ds(0, CH)], out_hbm.at[cid, pl.ds(off, CH)])
        return 0

    lax.fori_loop(0, RPT // CH + 1, ochunk, 0)


def _add_body(p_ref, o_ref):
    o_ref[...] = p_ref[0] + p_ref[1]


def _final_add(part):
    BT = 1000
    return pl.pallas_call(
        _add_body,
        grid=(T // BT,),
        in_specs=[pl.BlockSpec((NC, BT, DIM), lambda i: (0, i, 0))],
        out_specs=pl.BlockSpec((BT, DIM), lambda i: (i, 0)),
        out_shape=jax.ShapeDtypeStruct((T, DIM), jnp.float32),
    )(part)


def kernel(h_n, h_p, h_t, W_p, W_q, edge_index_interacts, edge_index_agg):
    src1 = edge_index_interacts[0]
    dst1 = edge_index_interacts[1]
    src2 = edge_index_agg[0]
    dst2 = edge_index_agg[1]
    wp = W_p.reshape(DIM)
    lidx = jnp.asarray(_LANE_PERMS)

    part1 = _phase1(h_n, src1, dst1, wp, lidx)
    gft = _combine(part1, W_q)
    p2 = _p2(h_p, W_q)
    part = _phase2(gft, h_t, p2, src2, dst2, lidx)
    return _final_add(part)

# --- scband reference (transcript-rebuilt; emitter-appended) ---
"""Pipeline reference for scband-dgl-aggregator-40845138985477 (READ-ONLY COPY).

The authoritative reference and input builder live on the scoring server;
editing this copy changes nothing except your own understanding.
"""

import jax, jax.numpy as jnp
import numpy as np

N = 10000
T = 10000
E1 = 320000
E2 = 320000
DIM = 128
ALPHA = 0.2


def setup_inputs(seed: int = 0) -> dict:
    key = jax.random.key(seed)
    ks = jax.random.split(key, 7)
    h_n = jax.random.normal(ks[0], (N, DIM), dtype=jnp.float32)
    h_p = jax.random.normal(ks[1], (E2, DIM), dtype=jnp.float32)
    h_t = jax.random.normal(ks[2], (T, DIM), dtype=jnp.float32)
    edge_index_interacts = jax.random.randint(ks[3], (2, E1), 0, N).astype(jnp.int32)
    edge_index_agg = jax.random.randint(ks[4], (2, E2), 0, N).astype(jnp.int32)
    # learned params: p = Linear(dim, 1, bias=False), q = Linear(2*dim, dim, bias=False)
    W_p = jax.random.normal(ks[5], (1, DIM), dtype=jnp.float32) * (1.0 / np.sqrt(DIM))
    W_q = jax.random.normal(ks[6], (DIM, 2 * DIM), dtype=jnp.float32) * (1.0 / np.sqrt(2 * DIM))
    return {
        'h_n': h_n,
        'h_p': h_p,
        'h_t': h_t,
        'W_p': W_p,
        'W_q': W_q,
        'edge_index_interacts': edge_index_interacts,
        'edge_index_agg': edge_index_agg,
    }


def reference(h_n, h_p, h_t, W_p, W_q, edge_index_interacts, edge_index_agg):
    n_nodes = h_n.shape[0]
    n_targets = h_t.shape[0]
    src1 = edge_index_interacts[0]
    dst1 = edge_index_interacts[1]
    # --- 'interacts' subgraph: GAT-like attention among item nodes ---
    # apply_edges u_mul_v: e = ft[src] * ft[dst], then p(e), leakyrelu
    e = (h_n[src1] * h_n[dst1]) @ W_p.T  # [E1, 1]
    e = jnp.where(e >= 0, e, ALPHA * e)  # LeakyReLU
    # edge_softmax: softmax over incoming edges per dst node
    seg_max = jax.ops.segment_max(e, dst1, num_segments=n_nodes)
    seg_max = jnp.where(jnp.isfinite(seg_max), seg_max, 0.0)
    ex = jnp.exp(e - jax.lax.stop_gradient(seg_max)[dst1])
    denom = jax.ops.segment_sum(ex, dst1, num_segments=n_nodes)
    a = ex / (denom[dst1] + 1e-16)  # [E1, 1]
    # update_all(u_mul_e('ft','a','m'), sum('m','ft'))
    m = h_n[src1] * a
    ft = jax.ops.segment_sum(m, dst1, num_segments=n_nodes)  # [N, dim]
    # --- 'agg' subgraph: item -> target aggregation ---
    src2 = edge_index_agg[0]
    dst2 = edge_index_agg[1]
    ft_e = ft[src2]  # copy_src('ft','ft')  [E2, dim]
    e2 = jnp.tanh(jnp.concatenate([ft_e, h_p], axis=-1) @ W_q.T)  # [E2, dim]
    # udf_agg: m = src['ft'] * sum(e * dst['ft'], -1, keepdim=True)
    s = jnp.sum(e2 * h_t[dst2], axis=-1, keepdims=True)  # [E2, 1]
    m2 = ft_e * s
    out = jax.ops.segment_sum(m2, dst2, num_segments=n_targets)  # [T, dim]
    return out

if __name__ == "__main__":
    import jax
    _d = setup_inputs()
    print(jax.jit(kernel)(*tuple(_d.values())))

</pallas_src>

<mosaic_0001>
#map = affine_map<(d0, d1) -> (0, 0)>
#map1 = affine_map<(d0, d1) -> (0)>
#map2 = affine_map<(d0, d1) -> (0, 0, 0)>
module attributes {stable_mosaic.version = 14 : i64} {
  func.func @_phase1(%arg0: i32, %arg1: i32, %arg2: memref<10000x128xf32, #tpu.memory_space<hbm>>, %arg3: memref<320000xi32, #tpu.memory_space<hbm>>, %arg4: memref<320000xi32, #tpu.memory_space<hbm>>, %arg5: memref<128xf32, #tpu.memory_space<hbm>>, %arg6: memref<8x16xi32, #tpu.memory_space<hbm>>, %arg7: memref<2x10000x128xf32, #tpu.memory_space<hbm>>, %arg8: memref<80xi32, #tpu.memory_space<vmem>>, %arg9: memref<80xi32, #tpu.memory_space<vmem>>, %arg10: memref<80x128xf32, #tpu.memory_space<vmem>>, %arg11: memref<80x128xf32, #tpu.memory_space<vmem>>, %arg12: memref<80x128xf32, #tpu.memory_space<vmem>>, %arg13: memref<128xf32, #tpu.memory_space<vmem>>, %arg14: memref<8x16xi32, #tpu.memory_space<vmem>>, %arg15: memref<10000x128xf32, #tpu.memory_space<vmem_shared>>, %arg16: memref<!tpu.dma_semaphore, #tpu.memory_space<semaphore_mem>>, %arg17: memref<!tpu.dma_semaphore, #tpu.memory_space<semaphore_mem>>) attributes {dimension_semantics = [#tpu.dimension_semantics<core_parallel>, #tpu.dimension_semantics<subcore_parallel>], iteration_bounds = array<i64: 2, 16>, scalar_prefetch = 0 : i64, scratch_operands = 10 : i64, tpu.core_type = #tpu.core_type<sc_vector_subcore>, window_params = [{transform_indices = #map}, {transform_indices = #map1}, {transform_indices = #map1}, {transform_indices = #map1}, {transform_indices = #map}, {transform_indices = #map2}]} {
    %broadcast_in_dim3A = arith.constant 0.000000e+00 : f32
    %broadcast_in_dim3A_0 = vector.broadcast %broadcast_in_dim3A : f32 to vector<16xf32>
    %scan3A = arith.constant 0 : i32
    %scan3A_1 = arith.constant 0 : i32
    %scan3A_2 = arith.constant 80 : i32
    %scan3A_3 = arith.addi %scan3A_1, %scan3A_2 : i32
    %scan3A_4 = arith.constant 1 : i32
    %scan3A_5 = scf.for %scan3A_80 = %scan3A_1 to %scan3A_3 step %scan3A_4 iter_args(%scan3A_81 = %scan3A) -> (i32)  : i32 {
      %swap3A = arith.index_cast %scan3A_80 : i32 to index
      %swap3A_82 = arith.constant 0 : index
      %swap3A_83 = tpu.vector_load %arg12[%swap3A, %swap3A_82] {strides = array<i32>} : memref<80x128xf32, #tpu.memory_space<vmem>>, vector<1x16xf32>,
      %swap3A_84 = vector.shape_cast %swap3A_83 : vector<1x16xf32> to vector<16xf32>
      %swap3A_85 = vector.shape_cast %broadcast_in_dim3A_0 : vector<16xf32> to vector<1x16xf32>
      tpu.vector_store %arg12[%swap3A, %swap3A_82], %swap3A_85 {strides = array<i32>} : memref<80x128xf32, #tpu.memory_space<vmem>>, vector<1x16xf32>,
      %swap3A_86 = arith.index_cast %scan3A_80 : i32 to index
      %swap3A_87 = arith.constant 16 : index
      %swap3A_88 = tpu.vector_load %arg12[%swap3A_86, %swap3A_87] {strides = array<i32>} : memref<80x128xf32, #tpu.memory_space<vmem>>, vector<1x16xf32>,
      %swap3A_89 = vector.shape_cast %swap3A_88 : vector<1x16xf32> to vector<16xf32>
      %swap3A_90 = vector.shape_cast %broadcast_in_dim3A_0 : vector<16xf32> to vector<1x16xf32>
      tpu.vector_store %arg12[%swap3A_86, %swap3A_87], %swap3A_90 {strides = array<i32>} : memref<80x128xf32, #tpu.memory_space<vmem>>, vector<1x16xf32>,
      %swap3A_91 = arith.index_cast %scan3A_80 : i32 to index
      %swap3A_92 = arith.constant 32 : index
      %swap3A_93 = tpu.vector_load %arg12[%swap3A_91, %swap3A_92] {strides = array<i32>} : memref<80x128xf32, #tpu.memory_space<vmem>>, vector<1x16xf32>,
      %swap3A_94 = vector.shape_cast %swap3A_93 : vector<1x16xf32> to vector<16xf32>
      %swap3A_95 = vector.shape_cast %broadcast_in_dim3A_0 : vector<16xf32> to vector<1x16xf32>
      tpu.vector_store %arg12[%swap3A_91, %swap3A_92], %swap3A_95 {strides = array<i32>} : memref<80x128xf32, #tpu.memory_space<vmem>>, vector<1x16xf32>,
      %swap3A_96 = arith.index_cast %scan3A_80 : i32 to index
      %swap3A_97 = arith.constant 48 : index
      %swap3A_98 = tpu.vector_load %arg12[%swap3A_96, %swap3A_97] {strides = array<i32>} : memref<80x128xf32, #tpu.memory_space<vmem>>, vector<1x16xf32>,
      %swap3A_99 = vector.shape_cast %swap3A_98 : vector<1x16xf32> to vector<16xf32>
      %swap3A_100 = vector.shape_cast %broadcast_in_dim3A_0 : vector<16xf32> to vector<1x16xf32>
      tpu.vector_store %arg12[%swap3A_96, %swap3A_97], %swap3A_100 {strides = array<i32>} : memref<80x128xf32, #tpu.memory_space<vmem>>, vector<1x16xf32>,
      %swap3A_101 = arith.index_cast %scan3A_80 : i32 to index
      %swap3A_102 = arith.constant 64 : index
      %swap3A_103 = tpu.vector_load %arg12[%swap3A_101, %swap3A_102] {strides = array<i32>} : memref<80x128xf32, #tpu.memory_space<vmem>>, vector<1x16xf32>,
      %swap3A_104 = vector.shape_cast %swap3A_103 : vector<1x16xf32> to vector<16xf32>
      %swap3A_105 = vector.shape_cast %broadcast_in_dim3A_0 : vector<16xf32> to vector<1x16xf32>
      tpu.vector_store %arg12[%swap3A_101, %swap3A_102], %swap3A_105 {strides = array<i32>} : memref<80x128xf32, #tpu.memory_space<vmem>>, vector<1x16xf32>,
      %swap3A_106 = arith.index_cast %scan3A_80 : i32 to index
      %swap3A_107 = arith.constant 80 : index
      %swap3A_108 = tpu.vector_load %arg12[%swap3A_106, %swap3A_107] {strides = array<i32>} : memref<80x128xf32, #tpu.memory_space<vmem>>, vector<1x16xf32>,
      %swap3A_109 = vector.shape_cast %swap3A_108 : vector<1x16xf32> to vector<16xf32>
      %swap3A_110 = vector.shape_cast %broadcast_in_dim3A_0 : vector<16xf32> to vector<1x16xf32>
      tpu.vector_store %arg12[%swap3A_106, %swap3A_107], %swap3A_110 {strides = array<i32>} : memref<80x128xf32, #tpu.memory_space<vmem>>, vector<1x16xf32>,
      %swap3A_111 = arith.index_cast %scan3A_80 : i32 to index
      %swap3A_112 = arith.constant 96 : index
      %swap3A_113 = tpu.vector_load %arg12[%swap3A_111, %swap3A_112] {strides = array<i32>} : memref<80x128xf32, #tpu.memory_space<vmem>>, vector<1x16xf32>,
      %swap3A_114 = vector.shape_cast %swap3A_113 : vector<1x16xf32> to vector<16xf32>
      %swap3A_115 = vector.shape_cast %broadcast_in_dim3A_0 : vector<16xf32> to vector<1x16xf32>
      tpu.vector_store %arg12[%swap3A_111, %swap3A_112], %swap3A_115 {strides = array<i32>} : memref<80x128xf32, #tpu.memory_space<vmem>>, vector<1x16xf32>,
      %swap3A_116 = arith.index_cast %scan3A_80 : i32 to index
      %swap3A_117 = arith.constant 112 : index
      %swap3A_118 = tpu.vector_load %arg12[%swap3A_116, %swap3A_117] {strides = array<i32>} : memref<80x128xf32, #tpu.memory_space<vmem>>, vector<1x16xf32>,
      %swap3A_119 = vector.shape_cast %swap3A_118 : vector<1x16xf32> to vector<16xf32>
      %swap3A_120 = vector.shape_cast %broadcast_in_dim3A_0 : vector<16xf32> to vector<1x16xf32>
      tpu.vector_store %arg12[%swap3A_116, %swap3A_117], %swap3A_120 {strides = array<i32>} : memref<80x128xf32, #tpu.memory_space<vmem>>, vector<1x16xf32>,
      %scan3A_121 = arith.constant 0 : i32
      scf.yield %scan3A_121 : i32
    }
    %scan3A_6 = arith.constant 80 : i32
    %mul3A = arith.constant 632 : i32
    %mul3A_7 = arith.muli %arg1, %mul3A : i32
    %min3A = arith.constant 9368 : i32
    %min3A_8 = arith.minsi %mul3A_7, %min3A : i32
    %scan3A_9 = arith.constant 0 : i32
    %scan3A_10 = arith.constant 0 : i32
    %scan3A_11 = arith.constant 16 : i32
    %scan3A_12 = arith.addi %scan3A_10, %scan3A_11 : i32
    %scan3A_13 = arith.constant 1 : i32
    %scan3A_14 = scf.for %scan3A_80 = %scan3A_10 to %scan3A_12 step %scan3A_13 iter_args(%scan3A_81 = %scan3A_9) -> (i32)  : i32 {
      %mul3A_82 = arith.constant 40 : i32
      %mul3A_83 = arith.muli %scan3A_80, %mul3A_82 : i32
      %add3A = arith.addi %min3A_8, %mul3A_83 : i32
      %min3A_84 = arith.constant 9960 : i32
      %min3A_85 = arith.minsi %add3A, %min3A_84 : i32
      "tpu.region"() ({
        %run_scoped3A = tpu.sem_alloc : memref<!tpu.dma_semaphore, #tpu.memory_space<semaphore_mem>>
        %dma_start3A = arith.constant 0 : i32
        %dma_start3A_87 = arith.constant 0 : i32
        %dma_start3A_88 = tpu.memref_slice %arg12[%dma_start3A, %dma_start3A_87] : memref<80x128xf32, #tpu.memory_space<vmem>> -> memref<40x128xf32, #tpu.memory_space<vmem>>
        %dma_start3A_89 = arith.constant 0 : i32
        %dma_start3A_90 = tpu.memref_slice %arg15[%min3A_85, %dma_start3A_89] : memref<10000x128xf32, #tpu.memory_space<vmem_shared>> -> memref<40x128xf32, #tpu.memory_space<vmem_shared>>
        %dma_start3A_91 = arith.constant 0 : i32
        %dma_start3A_92 = tpu.memref_slice %arg15[%min3A_85, %dma_start3A_91] : memref<10000x128xf32, #tpu.memory_space<vmem_shared>> -> memref<40x128xf32, #tpu.memory_space<vmem_shared>>
        %dma_start3A_93 = arith.constant 0 : i32
        %dma_start3A_94 = arith.constant 0 : i32
        %dma_start3A_95 = tpu.memref_slice %arg12[%dma_start3A_93, %dma_start3A_94] : memref<80x128xf32, #tpu.memory_space<vmem>> -> memref<40x128xf32, #tpu.memory_space<vmem>>
        tpu.enqueue_dma source(%dma_start3A_95 : memref<40x128xf32, #tpu.memory_space<vmem>>) target(%dma_start3A_92 : memref<40x128xf32, #tpu.memory_space<vmem_shared>>) target_semaphore(%run_scoped3A : memref<!tpu.dma_semaphore, #tpu.memory_space<semaphore_mem>>)
        %dma_wait3A = arith.constant 0 : i32
        %dma_wait3A_96 = arith.constant 0 : i32
        %dma_wait3A_97 = tpu.memref_slice %arg12[%dma_wait3A, %dma_wait3A_96] : memref<80x128xf32, #tpu.memory_space<vmem>> -> memref<40x128xf32, #tpu.memory_space<vmem>>
        %dma_wait3A_98 = arith.constant 0 : i32
        %dma_wait3A_99 = tpu.memref_slice %arg15[%min3A_85, %dma_wait3A_98] : memref<10000x128xf32, #tpu.memory_space<vmem_shared>> -> memref<40x128xf32, #tpu.memory_space<vmem_shared>>
        %dma_wait3A_100 = arith.constant 0 : i32
        %dma_wait3A_101 = tpu.memref_slice %arg15[%min3A_85, %dma_wait3A_100] : memref<10000x128xf32, #tpu.memory_space<vmem_shared>> -> memref<40x128xf32, #tpu.memory_space<vmem_shared>>
        %dma_wait3A_102 = arith.constant 0 : i32
        %dma_wait3A_103 = arith.constant 0 : i32
        %dma_wait3A_104 = tpu.memref_slice %arg12[%dma_wait3A_102, %dma_wait3A_103] : memref<80x128xf32, #tpu.memory_space<vmem>> -> memref<40x128xf32, #tpu.memory_space<vmem>>
        tpu.wait_dma2 semaphore(%run_scoped3A : memref<!tpu.dma_semaphore, #tpu.memory_space<semaphore_mem>>) src(%dma_wait3A_104 : memref<40x128xf32, #tpu.memory_space<vmem>>) dst(%dma_wait3A_101 : memref<40x128xf32, #tpu.memory_space<vmem_shared>>)
        tpu.yield
      }) : () -> ()
      %scan3A_86 = arith.constant 0 : i32
      scf.yield %scan3A_86 : i32
    }
    %scan3A_15 = arith.constant 16 : i32
    "tpu.region"() ({
      %run_scoped3A = tpu.sem_alloc : memref<!tpu.dma_semaphore, #tpu.memory_space<semaphore_mem>>
      tpu.enqueue_dma source(%arg5 : memref<128xf32, #tpu.memory_space<hbm>>) target(%arg13 : memref<128xf32, #tpu.memory_space<vmem>>) target_semaphore(%run_scoped3A : memref<!tpu.dma_semaphore, #tpu.memory_space<semaphore_mem>>)
      tpu.wait_dma2 semaphore(%run_scoped3A : memref<!tpu.dma_semaphore, #tpu.memory_space<semaphore_mem>>) src(%arg5 : memref<128xf32, #tpu.memory_space<hbm>>) dst(%arg13 : memref<128xf32, #tpu.memory_space<vmem>>)
      tpu.yield
    }) : () -> ()
    "tpu.region"() ({
      %run_scoped3A = tpu.sem_alloc : memref<!tpu.dma_semaphore, #tpu.memory_space<semaphore_mem>>
      tpu.enqueue_dma source(%arg6 : memref<8x16xi32, #tpu.memory_space<hbm>>) target(%arg14 : memref<8x16xi32, #tpu.memory_space<vmem>>) target_semaphore(%run_scoped3A : memref<!tpu.dma_semaphore, #tpu.memory_space<semaphore_mem>>)
      tpu.wait_dma2 semaphore(%run_scoped3A : memref<!tpu.dma_semaphore, #tpu.memory_space<semaphore_mem>>) src(%arg6 : memref<8x16xi32, #tpu.memory_space<hbm>>) dst(%arg14 : memref<8x16xi32, #tpu.memory_space<vmem>>)
      tpu.yield
    }) : () -> ()
    %barrier3A = arith.constant 0 : index
    tpu.barrier barrier_id(%barrier3A)
    %get3A = arith.constant 0 : index
    %get3A_16 = tpu.vector_load %arg13[%get3A] {strides = array<i32>} : memref<128xf32, #tpu.memory_space<vmem>>, vector<16xf32>,
    %get3A_17 = vector.shape_cast %get3A_16 : vector<16xf32> to vector<16xf32>
    %get3A_18 = arith.constant 16 : index
    %get3A_19 = tpu.vector_load %arg13[%get3A_18] {strides = array<i32>} : memref<128xf32, #tpu.memory_space<vmem>>, vector<16xf32>,
    %get3A_20 = vector.shape_cast %get3A_19 : vector<16xf32> to vector<16xf32>
    %get3A_21 = arith.constant 32 : index
    %get3A_22 = tpu.vector_load %arg13[%get3A_21] {strides = array<i32>} : memref<128xf32, #tpu.memory_space<vmem>>, vector<16xf32>,
    %get3A_23 = vector.shape_cast %get3A_22 : vector<16xf32> to vector<16xf32>
    %get3A_24 = arith.constant 48 : index
    %get3A_25 = tpu.vector_load %arg13[%get3A_24] {strides = array<i32>} : memref<128xf32, #tpu.memory_space<vmem>>, vector<16xf32>,
    %get3A_26 = vector.shape_cast %get3A_25 : vector<16xf32> to vector<16xf32>
    %get3A_27 = arith.constant 64 : index
    %get3A_28 = tpu.vector_load %arg13[%get3A_27] {strides = array<i32>} : memref<128xf32, #tpu.memory_space<vmem>>, vector<16xf32>,
    %get3A_29 = vector.shape_cast %get3A_28 : vector<16xf32> to vector<16xf32>
    %get3A_30 = arith.constant 80 : index
    %get3A_31 = tpu.vector_load %arg13[%get3A_30] {strides = array<i32>} : memref<128xf32, #tpu.memory_space<vmem>>, vector<16xf32>,
    %get3A_32 = vector.shape_cast %get3A_31 : vector<16xf32> to vector<16xf32>
    %get3A_33 = arith.constant 96 : index
    %get3A_34 = tpu.vector_load %arg13[%get3A_33] {strides = array<i32>} : memref<128xf32, #tpu.memory_space<vmem>>, vector<16xf32>,
    %get3A_35 = vector.shape_cast %get3A_34 : vector<16xf32> to vector<16xf32>
    %get3A_36 = arith.constant 112 : index
    %get3A_37 = tpu.vector_load %arg13[%get3A_36] {strides = array<i32>} : memref<128xf32, #tpu.memory_space<vmem>>, vector<16xf32>,
    %get3A_38 = vector.shape_cast %get3A_37 : vector<16xf32> to vector<16xf32>
    %get3A_39 = arith.constant 0 : i32
    %get3A_40 = arith.index_cast %get3A_39 : i32 to index
    %get3A_41 = arith.constant 0 : index
    %get3A_42 = tpu.vector_load %arg14[%get3A_40, %get3A_41] {strides = array<i32>} : memref<8x16xi32, #tpu.memory_space<vmem>>, vector<1x16xi32>,
    %get3A_43 = vector.shape_cast %get3A_42 : vector<1x16xi32> to vector<16xi32>
    %get3A_44 = arith.constant 1 : i32
    %get3A_45 = arith.index_cast %get3A_44 : i32 to index
    %get3A_46 = arith.constant 0 : index
    %get3A_47 = tpu.vector_load %arg14[%get3A_45, %get3A_46] {strides = array<i32>} : memref<8x16xi32, #tpu.memory_space<vmem>>, vector<1x16xi32>,
    %get3A_48 = vector.shape_cast %get3A_47 : vector<1x16xi32> to vector<16xi32>
    %get3A_49 = arith.constant 2 : i32
    %get3A_50 = arith.index_cast %get3A_49 : i32 to index
    %get3A_51 = arith.constant 0 : index
    %get3A_52 = tpu.vector_load %arg14[%get3A_50, %get3A_51] {strides = array<i32>} : memref<8x16xi32, #tpu.memory_space<vmem>>, vector<1x16xi32>,
    %get3A_53 = vector.shape_cast %get3A_52 : vector<1x16xi32> to vector<16xi32>
    %get3A_54 = arith.constant 3 : i32
    %get3A_55 = arith.index_cast %get3A_54 : i32 to index
    %get3A_56 = arith.constant 0 : index
    %get3A_57 = tpu.vector_load %arg14[%get3A_55, %get3A_56] {strides = array<i32>} : memref<8x16xi32, #tpu.memory_space<vmem>>, vector<1x16xi32>,
    %get3A_58 = vector.shape_cast %get3A_57 : vector<1x16xi32> to vector<16xi32>
    %xor3A = arith.constant 8 : i32
    %xor3A_59 = vector.broadcast %xor3A : i32 to vector<16xi32>
    %xor3A_60 = arith.xori %get3A_43, %xor3A_59 : vector<16xi32>
    %eq3A = arith.constant 0 : i32
    %eq3A_61 = vector.broadcast %eq3A : i32 to vector<16xi32>
    %eq3A_62 = arith.cmpi eq, %xor3A_60, %eq3A_61 : vector<16xi32>
    %mul3A_63 = arith.constant 20000 : i32
    %mul3A_64 = arith.muli %arg1, %mul3A_63 : i32
    %scan3A_65 = arith.constant 0 : i32
    %scan3A_66 = arith.constant 0 : i32
    %scan3A_67 = arith.constant 250 : i32
    %scan3A_68 = arith.addi %scan3A_66, %scan3A_67 : i32
    %scan3A_69 = arith.constant 1 : i32
    %scan3A_70 = scf.for %scan3A_80 = %scan3A_66 to %scan3A_68 step %scan3A_69 iter_args(%scan3A_81 = %scan3A_65) -> (i32)  : i32 {
      %mul3A_82 = arith.constant 80 : i32
      %mul3A_83 = arith.muli %scan3A_80, %mul3A_82 : i32
      %add3A = arith.addi %mul3A_64, %mul3A_83 : i32
      %dma_start3A = tpu.memref_slice %arg3[%add3A] : memref<320000xi32, #tpu.memory_space<hbm>> -> memref<80xi32, #tpu.memory_space<hbm>>
      %dma_start3A_84 = tpu.memref_slice %arg3[%add3A] : memref<320000xi32, #tpu.memory_space<hbm>> -> memref<80xi32, #tpu.memory_space<hbm>>
      tpu.enqueue_dma source(%dma_start3A_84 : memref<80xi32, #tpu.memory_space<hbm>>) target(%arg8 : memref<80xi32, #tpu.memory_space<vmem>>) target_semaphore(%arg16 : memref<!tpu.dma_semaphore, #tpu.memory_space<semaphore_mem>>)
      %dma_start3A_85 = tpu.memref_slice %arg4[%add3A] : memref<320000xi32, #tpu.memory_space<hbm>> -> memref<80xi32, #tpu.memory_space<hbm>>
      %dma_start3A_86 = tpu.memref_slice %arg4[%add3A] : memref<320000xi32, #tpu.memory_space<hbm>> -> memref<80xi32, #tpu.memory_space<hbm>>
      tpu.enqueue_dma source(%dma_start3A_86 : memref<80xi32, #tpu.memory_space<hbm>>) target(%arg9 : memref<80xi32, #tpu.memory_space<vmem>>) target_semaphore(%arg17 : memref<!tpu.dma_semaphore, #tpu.memory_space<semaphore_mem>>)
      %dma_wait3A = tpu.memref_slice %arg3[%add3A] : memref<320000xi32, #tpu.memory_space<hbm>> -> memref<80xi32, #tpu.memory_space<hbm>>
      %dma_wait3A_87 = tpu.memref_slice %arg3[%add3A] : memref<320000xi32, #tpu.memory_space<hbm>> -> memref<80xi32, #tpu.memory_space<hbm>>
      tpu.wait_dma2 semaphore(%arg16 : memref<!tpu.dma_semaphore, #tpu.memory_space<semaphore_mem>>) src(%dma_wait3A_87 : memref<80xi32, #tpu.memory_space<hbm>>) dst(%arg8 : memref<80xi32, #tpu.memory_space<vmem>>)
      %dma_wait3A_88 = tpu.memref_slice %arg4[%add3A] : memref<320000xi32, #tpu.memory_space<hbm>> -> memref<80xi32, #tpu.memory_space<hbm>>
      %dma_wait3A_89 = tpu.memref_slice %arg4[%add3A] : memref<320000xi32, #tpu.memory_space<hbm>> -> memref<80xi32, #tpu.memory_space<hbm>>
      tpu.wait_dma2 semaphore(%arg17 : memref<!tpu.dma_semaphore, #tpu.memory_space<semaphore_mem>>) src(%dma_wait3A_89 : memref<80xi32, #tpu.memory_space<hbm>>) dst(%arg9 : memref<80xi32, #tpu.memory_space<vmem>>)
      %dma_start3A_90 = arith.constant 0 : i32
      %dma_start3A_91 = arith.constant 0 : i32
      %dma_start3A_92 = tpu.memref_slice %arg2[%dma_start3A_90, %dma_start3A_91] : memref<10000x128xf32, #tpu.memory_space<hbm>> -> memref<10000x128xf32, #tpu.memory_space<hbm>>
      tpu.enqueue_indirect_dma source(%dma_start3A_92 : memref<10000x128xf32, #tpu.memory_space<hbm>>) target(%arg10 : memref<80x128xf32, #tpu.memory_space<vmem>>) offsets(%arg8 : memref<80xi32, #tpu.memory_space<vmem>>) semaphore(%arg16 : memref<!tpu.dma_semaphore, #tpu.memory_space<semaphore_mem>>)
      %dma_start3A_93 = arith.constant 0 : i32
      %dma_start3A_94 = arith.constant 0 : i32
      %dma_start3A_95 = tpu.memref_slice %arg2[%dma_start3A_93, %dma_start3A_94] : memref<10000x128xf32, #tpu.memory_space<hbm>> -> memref<10000x128xf32, #tpu.memory_space<hbm>>
      tpu.enqueue_indirect_dma source(%dma_start3A_95 : memref<10000x128xf32, #tpu.memory_space<hbm>>) target(%arg11 : memref<80x128xf32, #tpu.memory_space<vmem>>) offsets(%arg9 : memref<80xi32, #tpu.memory_space<vmem>>) semaphore(%arg17 : memref<!tpu.dma_semaphore, #tpu.memory_space<semaphore_mem>>)
      %dma_wait3A_96 = arith.constant 0 : i32
      %dma_wait3A_97 = arith.constant 0 : i32
      %dma_wait3A_98 = tpu.memref_slice %arg2[%dma_wait3A_96, %dma_wait3A_97] : memref<10000x128xf32, #tpu.memory_space<hbm>> -> memref<10000x128xf32, #tpu.memory_space<hbm>>
      tpu.wait_indirect_dma semaphore(%arg16 : memref<!tpu.dma_semaphore, #tpu.memory_space<semaphore_mem>>) src(%dma_wait3A_98 : memref<10000x128xf32, #tpu.memory_space<hbm>>) dst(%arg10 : memref<80x128xf32, #tpu.memory_space<vmem>>)
      %dma_wait3A_99 = arith.constant 0 : i32
      %dma_wait3A_100 = arith.constant 0 : i32
      %dma_wait3A_101 = tpu.memref_slice %arg2[%dma_wait3A_99, %dma_wait3A_100] : memref<10000x128xf32, #tpu.memory_space<hbm>> -> memref<10000x128xf32, #tpu.memory_space<hbm>>
      tpu.wait_indirect_dma semaphore(%arg17 : memref<!tpu.dma_semaphore, #tpu.memory_space<semaphore_mem>>) src(%dma_wait3A_101 : memref<10000x128xf32, #tpu.memory_space<hbm>>) dst(%arg11 : memref<80x128xf32, #tpu.memory_space<vmem>>)
      %scan3A_102 = arith.constant 0 : i32
      %scan3A_103 = arith.constant 0 : i32
      %scan3A_104 = arith.constant 80 : i32
      %scan3A_105 = arith.addi %scan3A_103, %scan3A_104 : i32
      %scan3A_106 = arith.constant 1 : i32
      %scan3A_107 = scf.for %scan3A_110 = %scan3A_103 to %scan3A_105 step %scan3A_106 iter_args(%scan3A_111 = %scan3A_102) -> (i32)  : i32 {
        %get3A_112 = arith.index_cast %scan3A_110 : i32 to index
        %get3A_113 = arith.constant 0 : index
        %get3A_114 = tpu.vector_load %arg10[%get3A_112, %get3A_113] {strides = array<i32>} : memref<80x128xf32, #tpu.memory_space<vmem>>, vector<1x16xf32>,
        %get3A_115 = vector.shape_cast %get3A_114 : vector<1x16xf32> to vector<16xf32>
        %mul3A_116 = arith.mulf %get3A_17, %get3A_115 : vector<16xf32>
        %get3A_117 = arith.index_cast %scan3A_110 : i32 to index
        %get3A_118 = arith.constant 0 : index
        %get3A_119 = tpu.vector_load %arg11[%get3A_117, %get3A_118] {strides = array<i32>} : memref<80x128xf32, #tpu.memory_space<vmem>>, vector<1x16xf32>,
        %get3A_120 = vector.shape_cast %get3A_119 : vector<1x16xf32> to vector<16xf32>
        %mul3A_121 = arith.mulf %mul3A_116, %get3A_120 : vector<16xf32>
        %get3A_122 = arith.index_cast %scan3A_110 : i32 to index
        %get3A_123 = arith.constant 16 : index
        %get3A_124 = tpu.vector_load %arg10[%get3A_122, %get3A_123] {strides = array<i32>} : memref<80x128xf32, #tpu.memory_space<vmem>>, vector<1x16xf32>,
        %get3A_125 = vector.shape_cast %get3A_124 : vector<1x16xf32> to vector<16xf32>
        %mul3A_126 = arith.mulf %get3A_20, %get3A_125 : vector<16xf32>
        %get3A_127 = arith.index_cast %scan3A_110 : i32 to index
        %get3A_128 = arith.constant 16 : index
        %get3A_129 = tpu.vector_load %arg11[%get3A_127, %get3A_128] {strides = array<i32>} : memref<80x128xf32, #tpu.memory_space<vmem>>, vector<1x16xf32>,
        %get3A_130 = vector.shape_cast %get3A_129 : vector<1x16xf32> to vector<16xf32>
        %mul3A_131 = arith.mulf %mul3A_126, %get3A_130 : vector<16xf32>
        %add3A_132 = arith.addf %mul3A_121, %mul3A_131 : vector<16xf32>
        %get3A_133 = arith.index_cast %scan3A_110 : i32 to index
        %get3A_134 = arith.constant 32 : index
        %get3A_135 = tpu.vector_load %arg10[%get3A_133, %get3A_134] {strides = array<i32>} : memref<80x128xf32, #tpu.memory_space<vmem>>, vector<1x16xf32>,
        %get3A_136 = vector.shape_cast %get3A_135 : vector<1x16xf32> to vector<16xf32>
        %mul3A_137 = arith.mulf %get3A_23, %get3A_136 : vector<16xf32>
        %get3A_138 = arith.index_cast %scan3A_110 : i32 to index
        %get3A_139 = arith.constant 32 : index
        %get3A_140 = tpu.vector_load %arg11[%get3A_138, %get3A_139] {strides = array<i32>} : memref<80x128xf32, #tpu.memory_space<vmem>>, vector<1x16xf32>,
        %get3A_141 = vector.shape_cast %get3A_140 : vector<1x16xf32> to vector<16xf32>
        %mul3A_142 = arith.mulf %mul3A_137, %get3A_141 : vector<16xf32>
        %add3A_143 = arith.addf %add3A_132, %mul3A_142 : vector<16xf32>
        %get3A_144 = arith.index_cast %scan3A_110 : i32 to index
        %get3A_145 = arith.constant 48 : index
        %get3A_146 = tpu.vector_load %arg10[%get3A_144, %get3A_145] {strides = array<i32>} : memref<80x128xf32, #tpu.memory_space<vmem>>, vector<1x16xf32>,
        %get3A_147 = vector.shape_cast %get3A_146 : vector<1x16xf32> to vector<16xf32>
        %mul3A_148 = arith.mulf %get3A_26, %get3A_147 : vector<16xf32>
        %get3A_149 = arith.index_cast %scan3A_110 : i32 to index
        %get3A_150 = arith.constant 48 : index
        %get3A_151 = tpu.vector_load %arg11[%get3A_149, %get3A_150] {strides = array<i32>} : memref<80x128xf32, #tpu.memory_space<vmem>>, vector<1x16xf32>,
        %get3A_152 = vector.shape_cast %get3A_151 : vector<1x16xf32> to vector<16xf32>
        %mul3A_153 = arith.mulf %mul3A_148, %get3A_152 : vector<16xf32>
        %add3A_154 = arith.addf %add3A_143, %mul3A_153 : vector<16xf32>
        %get3A_155 = arith.index_cast %scan3A_110 : i32 to index
        %get3A_156 = arith.constant 64 : index
        %get3A_157 = tpu.vector_load %arg10[%get3A_155, %get3A_156] {strides = array<i32>} : memref<80x128xf32, #tpu.memory_space<vmem>>, vector<1x16xf32>,
        %get3A_158 = vector.shape_cast %get3A_157 : vector<1x16xf32> to vector<16xf32>
        %mul3A_159 = arith.mulf %get3A_29, %get3A_158 : vector<16xf32>
        %get3A_160 = arith.index_cast %scan3A_110 : i32 to index
        %get3A_161 = arith.constant 64 : index
        %get3A_162 = tpu.vector_load %arg11[%get3A_160, %get3A_161] {strides = array<i32>} : memref<80x128xf32, #tpu.memory_space<vmem>>, vector<1x16xf32>,
        %get3A_163 = vector.shape_cast %get3A_162 : vector<1x16xf32> to vector<16xf32>
        %mul3A_164 = arith.mulf %mul3A_159, %get3A_163 : vector<16xf32>
        %add3A_165 = arith.addf %add3A_154, %mul3A_164 : vector<16xf32>
        %get3A_166 = arith.index_cast %scan3A_110 : i32 to index
        %get3A_167 = arith.constant 80 : index
        %get3A_168 = tpu.vector_load %arg10[%get3A_166, %get3A_167] {strides = array<i32>} : memref<80x128xf32, #tpu.memory_space<vmem>>, vector<1x16xf32>,
        %get3A_169 = vector.shape_cast %get3A_168 : vector<1x16xf32> to vector<16xf32>
        %mul3A_170 = arith.mulf %get3A_32, %get3A_169 : vector<16xf32>
        %get3A_171 = arith.index_cast %scan3A_110 : i32 to index
        %get3A_172 = arith.constant 80 : index
        %get3A_173 = tpu.vector_load %arg11[%get3A_171, %get3A_172] {strides = array<i32>} : memref<80x128xf32, #tpu.memory_space<vmem>>, vector<1x16xf32>,
        %get3A_174 = vector.shape_cast %get3A_173 : vector<1x16xf32> to vector<16xf32>
        %mul3A_175 = arith.mulf %mul3A_170, %get3A_174 : vector<16xf32>
        %add3A_176 = arith.addf %add3A_165, %mul3A_175 : vector<16xf32>
        %get3A_177 = arith.index_cast %scan3A_110 : i32 to index
        %get3A_178 = arith.constant 96 : index
        %get3A_179 = tpu.vector_load %arg10[%get3A_177, %get3A_178] {strides = array<i32>} : memref<80x128xf32, #tpu.memory_space<vmem>>, vector<1x16xf32>,
        %get3A_180 = vector.shape_cast %get3A_179 : vector<1x16xf32> to vector<16xf32>
        %mul3A_181 = arith.mulf %get3A_35, %get3A_180 : vector<16xf32>
        %get3A_182 = arith.index_cast %scan3A_110 : i32 to index
        %get3A_183 = arith.constant 96 : index
        %get3A_184 = tpu.vector_load %arg11[%get3A_182, %get3A_183] {strides = array<i32>} : memref<80x128xf32, #tpu.memory_space<vmem>>, vector<1x16xf32>,
        %get3A_185 = vector.shape_cast %get3A_184 : vector<1x16xf32> to vector<16xf32>
        %mul3A_186 = arith.mulf %mul3A_181, %get3A_185 : vector<16xf32>
        %add3A_187 = arith.addf %add3A_176, %mul3A_186 : vector<16xf32>
        %get3A_188 = arith.index_cast %scan3A_110 : i32 to index
        %get3A_189 = arith.constant 112 : index
        %get3A_190 = tpu.vector_load %arg10[%get3A_188, %get3A_189] {strides = array<i32>} : memref<80x128xf32, #tpu.memory_space<vmem>>, vector<1x16xf32>,
        %get3A_191 = vector.shape_cast %get3A_190 : vector<1x16xf32> to vector<16xf32>
        %mul3A_192 = arith.mulf %get3A_38, %get3A_191 : vector<16xf32>
        %get3A_193 = arith.index_cast %scan3A_110 : i32 to index
        %get3A_194 = arith.constant 112 : index
        %get3A_195 = tpu.vector_load %arg11[%get3A_193, %get3A_194] {strides = array<i32>} : memref<80x128xf32, #tpu.memory_space<vmem>>, vector<1x16xf32>,
        %get3A_196 = vector.shape_cast %get3A_195 : vector<1x16xf32> to vector<16xf32>
        %mul3A_197 = arith.mulf %mul3A_192, %get3A_196 : vector<16xf32>
        %add3A_198 = arith.addf %add3A_187, %mul3A_197 : vector<16xf32>
        %lt3A = arith.constant 0 : i32
        %lt3A_199 = vector.broadcast %lt3A : i32 to vector<16xi32>
        %lt3A_200 = arith.cmpi slt, %get3A_43, %lt3A_199 : vector<16xi32>
        %add3A_201 = arith.constant 16 : i32
        %add3A_202 = vector.broadcast %add3A_201 : i32 to vector<16xi32>
        %add3A_203 = arith.addi %get3A_43, %add3A_202 : vector<16xi32>
        %select_n3A = arith.select %lt3A_200, %add3A_203, %get3A_43 : vector<16xi1>, vector<16xi32>
        %reshape3A = vector.shape_cast %select_n3A : vector<16xi32> to vector<16x1xi32>
        %gather3A = vector.shape_cast %reshape3A : vector<16x1xi32> to vector<16xi32>
        %gather3A_204 = tpu.dynamic_gather %add3A_198[%gather3A] in [0] : vector<16xf32>, vector<16xi32> -> vector<16xf32>
        %add3A_205 = arith.addf %add3A_198, %gather3A_204 : vector<16xf32>
        %lt3A_206 = arith.constant 0 : i32
        %lt3A_207 = vector.broadcast %lt3A_206 : i32 to vector<16xi32>
        %lt3A_208 = arith.cmpi slt, %get3A_48, %lt3A_207 : vector<16xi32>
        %add3A_209 = arith.constant 16 : i32
        %add3A_210 = vector.broadcast %add3A_209 : i32 to vector<16xi32>
        %add3A_211 = arith.addi %get3A_48, %add3A_210 : vector<16xi32>
        %select_n3A_212 = arith.select %lt3A_208, %add3A_211, %get3A_48 : vector<16xi1>, vector<16xi32>
        %reshape3A_213 = vector.shape_cast %select_n3A_212 : vector<16xi32> to vector<16x1xi32>
        %gather3A_214 = vector.shape_cast %reshape3A_213 : vector<16x1xi32> to vector<16xi32>
        %gather3A_215 = tpu.dynamic_gather %add3A_205[%gather3A_214] in [0] : vector<16xf32>, vector<16xi32> -> vector<16xf32>
        %add3A_216 = arith.addf %add3A_205, %gather3A_215 : vector<16xf32>
        %lt3A_217 = arith.constant 0 : i32
        %lt3A_218 = vector.broadcast %lt3A_217 : i32 to vector<16xi32>
        %lt3A_219 = arith.cmpi slt, %get3A_53, %lt3A_218 : vector<16xi32>
        %add3A_220 = arith.constant 16 : i32
        %add3A_221 = vector.broadcast %add3A_220 : i32 to vector<16xi32>
        %add3A_222 = arith.addi %get3A_53, %add3A_221 : vector<16xi32>
        %select_n3A_223 = arith.select %lt3A_219, %add3A_222, %get3A_53 : vector<16xi1>, vector<16xi32>
        %reshape3A_224 = vector.shape_cast %select_n3A_223 : vector<16xi32> to vector<16x1xi32>
        %gather3A_225 = vector.shape_cast %reshape3A_224 : vector<16x1xi32> to vector<16xi32>
        %gather3A_226 = tpu.dynamic_gather %add3A_216[%gather3A_225] in [0] : vector<16xf32>, vector<16xi32> -> vector<16xf32>
        %add3A_227 = arith.addf %add3A_216, %gather3A_226 : vector<16xf32>
        %lt3A_228 = arith.constant 0 : i32
        %lt3A_229 = vector.broadcast %lt3A_228 : i32 to vector<16xi32>
        %lt3A_230 = arith.cmpi slt, %get3A_58, %lt3A_229 : vector<16xi32>
        %add3A_231 = arith.constant 16 : i32
        %add3A_232 = vector.broadcast %add3A_231 : i32 to vector<16xi32>
        %add3A_233 = arith.addi %get3A_58, %add3A_232 : vector<16xi32>
        %select_n3A_234 = arith.select %lt3A_230, %add3A_233, %get3A_58 : vector<16xi1>, vector<16xi32>
        %reshape3A_235 = vector.shape_cast %select_n3A_234 : vector<16xi32> to vector<16x1xi32>
        %gather3A_236 = vector.shape_cast %reshape3A_235 : vector<16x1xi32> to vector<16xi32>
        %gather3A_237 = tpu.dynamic_gather %add3A_227[%gather3A_236] in [0] : vector<16xf32>, vector<16xi32> -> vector<16xf32>
        %add3A_238 = arith.addf %add3A_227, %gather3A_237 : vector<16xf32>
        %ge3A = arith.constant 0.000000e+00 : f32
        %ge3A_239 = vector.broadcast %ge3A : f32 to vector<16xf32>
        %ge3A_240 = arith.cmpf oge, %add3A_238, %ge3A_239 : vector<16xf32>
        %mul3A_241 = arith.constant 2.000000e-01 : f32
        %mul3A_242 = vector.broadcast %mul3A_241 : f32 to vector<16xf32>
        %mul3A_243 = arith.mulf %mul3A_242, %add3A_238 : vector<16xf32>
        %select_n3A_244 = arith.select %ge3A_240, %add3A_238, %mul3A_243 : vector<16xi1>, vector<16xf32>
        %exp3A = math.exp %select_n3A_244 : vector<16xf32>
        %eq3A_245 = arith.constant 0 : i32
        %eq3A_246 = arith.cmpi eq, %arg0, %eq3A_245 : i32
        %convert_element_type3A = arith.extui %eq3A_246 : i1 to i32
        %cond3A = arith.constant 0 : i32
        %cond3A_247 = arith.cmpi ne, %convert_element_type3A, %cond3A : i32
        scf.if %cond3A_247 {
          %get3A_254 = arith.index_cast %scan3A_110 : i32 to index
          %get3A_255 = arith.constant 0 : index
          %get3A_256 = tpu.vector_load %arg10[%get3A_254, %get3A_255] {strides = array<i32>} : memref<80x128xf32, #tpu.memory_space<vmem>>, vector<1x16xf32>,
          %get3A_257 = vector.shape_cast %get3A_256 : vector<1x16xf32> to vector<16xf32>
          %mul3A_258 = arith.mulf %get3A_257, %exp3A : vector<16xf32>
          %swap3A = arith.index_cast %scan3A_110 : i32 to index
          %swap3A_259 = arith.constant 0 : index
          %swap3A_260 = tpu.vector_load %arg12[%swap3A, %swap3A_259] {strides = array<i32>} : memref<80x128xf32, #tpu.memory_space<vmem>>, vector<1x16xf32>,
          %swap3A_261 = vector.shape_cast %swap3A_260 : vector<1x16xf32> to vector<16xf32>
          %swap3A_262 = vector.shape_cast %mul3A_258 : vector<16xf32> to vector<1x16xf32>
          tpu.vector_store %arg12[%swap3A, %swap3A_259], %swap3A_262 {strides = array<i32>} : memref<80x128xf32, #tpu.memory_space<vmem>>, vector<1x16xf32>,
          %get3A_263 = arith.index_cast %scan3A_110 : i32 to index
          %get3A_264 = arith.constant 16 : index
          %get3A_265 = tpu.vector_load %arg10[%get3A_263, %get3A_264] {strides = array<i32>} : memref<80x128xf32, #tpu.memory_space<vmem>>, vector<1x16xf32>,
          %get3A_266 = vector.shape_cast %get3A_265 : vector<1x16xf32> to vector<16xf32>
          %mul3A_267 = arith.mulf %get3A_266, %exp3A : vector<16xf32>
          %swap3A_268 = arith.index_cast %scan3A_110 : i32 to index
          %swap3A_269 = arith.constant 16 : index
          %swap3A_270 = tpu.vector_load %arg12[%swap3A_268, %swap3A_269] {strides = array<i32>} : memref<80x128xf32, #tpu.memory_space<vmem>>, vector<1x16xf32>,
          %swap3A_271 = vector.shape_cast %swap3A_270 : vector<1x16xf32> to vector<16xf32>
          %swap3A_272 = vector.shape_cast %mul3A_267 : vector<16xf32> to vector<1x16xf32>
          tpu.vector_store %arg12[%swap3A_268, %swap3A_269], %swap3A_272 {strides = array<i32>} : memref<80x128xf32, #tpu.memory_space<vmem>>, vector<1x16xf32>,
          %get3A_273 = arith.index_cast %scan3A_110 : i32 to index
          %get3A_274 = arith.constant 32 : index
          %get3A_275 = tpu.vector_load %arg10[%get3A_273, %get3A_274] {strides = array<i32>} : memref<80x128xf32, #tpu.memory_space<vmem>>, vector<1x16xf32>,
          %get3A_276 = vector.shape_cast %get3A_275 : vector<1x16xf32> to vector<16xf32>
          %mul3A_277 = arith.mulf %get3A_276, %exp3A : vector<16xf32>
          %swap3A_278 = arith.index_cast %scan3A_110 : i32 to index
          %swap3A_279 = arith.constant 32 : index
          %swap3A_280 = tpu.vector_load %arg12[%swap3A_278, %swap3A_279] {strides = array<i32>} : memref<80x128xf32, #tpu.memory_space<vmem>>, vector<1x16xf32>,
          %swap3A_281 = vector.shape_cast %swap3A_280 : vector<1x16xf32> to vector<16xf32>
          %swap3A_282 = vector.shape_cast %mul3A_277 : vector<16xf32> to vector<1x16xf32>
          tpu.vector_store %arg12[%swap3A_278, %swap3A_279], %swap3A_282 {strides = array<i32>} : memref<80x128xf32, #tpu.memory_space<vmem>>, vector<1x16xf32>,
          %get3A_283 = arith.index_cast %scan3A_110 : i32 to index
          %get3A_284 = arith.constant 48 : index
          %get3A_285 = tpu.vector_load %arg10[%get3A_283, %get3A_284] {strides = array<i32>} : memref<80x128xf32, #tpu.memory_space<vmem>>, vector<1x16xf32>,
          %get3A_286 = vector.shape_cast %get3A_285 : vector<1x16xf32> to vector<16xf32>
          %mul3A_287 = arith.mulf %get3A_286, %exp3A : vector<16xf32>
          %swap3A_288 = arith.index_cast %scan3A_110 : i32 to index
          %swap3A_289 = arith.constant 48 : index
          %swap3A_290 = tpu.vector_load %arg12[%swap3A_288, %swap3A_289] {strides = array<i32>} : memref<80x128xf32, #tpu.memory_space<vmem>>, vector<1x16xf32>,
          %swap3A_291 = vector.shape_cast %swap3A_290 : vector<1x16xf32> to vector<16xf32>
          %swap3A_292 = vector.shape_cast %mul3A_287 : vector<16xf32> to vector<1x16xf32>
          tpu.vector_store %arg12[%swap3A_288, %swap3A_289], %swap3A_292 {strides = array<i32>} : memref<80x128xf32, #tpu.memory_space<vmem>>, vector<1x16xf32>,
          %get3A_293 = arith.index_cast %scan3A_110 : i32 to index
          %get3A_294 = arith.constant 64 : index
          %get3A_295 = tpu.vector_load %arg10[%get3A_293, %get3A_294] {strides = array<i32>} : memref<80x128xf32, #tpu.memory_space<vmem>>, vector<1x16xf32>,
          %get3A_296 = vector.shape_cast %get3A_295 : vector<1x16xf32> to vector<16xf32>
          %mul3A_297 = arith.mulf %get3A_296, %exp3A : vector<16xf32>
          %swap3A_298 = arith.index_cast %scan3A_110 : i32 to index
          %swap3A_299 = arith.constant 64 : index
          %swap3A_300 = tpu.vector_load %arg12[%swap3A_298, %swap3A_299] {strides = array<i32>} : memref<80x128xf32, #tpu.memory_space<vmem>>, vector<1x16xf32>,
          %swap3A_301 = vector.shape_cast %swap3A_300 : vector<1x16xf32> to vector<16xf32>
          %swap3A_302 = vector.shape_cast %mul3A_297 : vector<16xf32> to vector<1x16xf32>
          tpu.vector_store %arg12[%swap3A_298, %swap3A_299], %swap3A_302 {strides = array<i32>} : memref<80x128xf32, #tpu.memory_space<vmem>>, vector<1x16xf32>,
          %get3A_303 = arith.index_cast %scan3A_110 : i32 to index
          %get3A_304 = arith.constant 80 : index
          %get3A_305 = tpu.vector_load %arg10[%get3A_303, %get3A_304] {strides = array<i32>} : memref<80x128xf32, #tpu.memory_space<vmem>>, vector<1x16xf32>,
          %get3A_306 = vector.shape_cast %get3A_305 : vector<1x16xf32> to vector<16xf32>
          %mul3A_307 = arith.mulf %get3A_306, %exp3A : vector<16xf32>
          %swap3A_308 = arith.index_cast %scan3A_110 : i32 to index
          %swap3A_309 = arith.constant 80 : index
          %swap3A_310 = tpu.vector_load %arg12[%swap3A_308, %swap3A_309] {strides = array<i32>} : memref<80x128xf32, #tpu.memory_space<vmem>>, vector<1x16xf32>,
          %swap3A_311 = vector.shape_cast %swap3A_310 : vector<1x16xf32> to vector<16xf32>
          %swap3A_312 = vector.shape_cast %mul3A_307 : vector<16xf32> to vector<1x16xf32>
          tpu.vector_store %arg12[%swap3A_308, %swap3A_309], %swap3A_312 {strides = array<i32>} : memref<80x128xf32, #tpu.memory_space<vmem>>, vector<1x16xf32>,
          %get3A_313 = arith.index_cast %scan3A_110 : i32 to index
          %get3A_314 = arith.constant 96 : index
          %get3A_315 = tpu.vector_load %arg10[%get3A_313, %get3A_314] {strides = array<i32>} : memref<80x128xf32, #tpu.memory_space<vmem>>, vector<1x16xf32>,
          %get3A_316 = vector.shape_cast %get3A_315 : vector<1x16xf32> to vector<16xf32>
          %mul3A_317 = arith.mulf %get3A_316, %exp3A : vector<16xf32>
          %swap3A_318 = arith.index_cast %scan3A_110 : i32 to index
          %swap3A_319 = arith.constant 96 : index
          %swap3A_320 = tpu.vector_load %arg12[%swap3A_318, %swap3A_319] {strides = array<i32>} : memref<80x128xf32, #tpu.memory_space<vmem>>, vector<1x16xf32>,
          %swap3A_321 = vector.shape_cast %swap3A_320 : vector<1x16xf32> to vector<16xf32>
          %swap3A_322 = vector.shape_cast %mul3A_317 : vector<16xf32> to vector<1x16xf32>
          tpu.vector_store %arg12[%swap3A_318, %swap3A_319], %swap3A_322 {strides = array<i32>} : memref<80x128xf32, #tpu.memory_space<vmem>>, vector<1x16xf32>,
          %get3A_323 = arith.index_cast %scan3A_110 : i32 to index
          %get3A_324 = arith.constant 112 : index
          %get3A_325 = tpu.vector_load %arg10[%get3A_323, %get3A_324] {strides = array<i32>} : memref<80x128xf32, #tpu.memory_space<vmem>>, vector<1x16xf32>,
          %get3A_326 = vector.shape_cast %get3A_325 : vector<1x16xf32> to vector<16xf32>
          %mul3A_327 = arith.mulf %get3A_326, %exp3A : vector<16xf32>
          %swap3A_328 = arith.index_cast %scan3A_110 : i32 to index
          %swap3A_329 = arith.constant 112 : index
          %swap3A_330 = tpu.vector_load %arg12[%swap3A_328, %swap3A_329] {strides = array<i32>} : memref<80x128xf32, #tpu.memory_space<vmem>>, vector<1x16xf32>,
          %swap3A_331 = vector.shape_cast %swap3A_330 : vector<1x16xf32> to vector<16xf32>
          %swap3A_332 = vector.shape_cast %mul3A_327 : vector<16xf32> to vector<1x16xf32>
          tpu.vector_store %arg12[%swap3A_328, %swap3A_329], %swap3A_332 {strides = array<i32>} : memref<80x128xf32, #tpu.memory_space<vmem>>, vector<1x16xf32>,
        } else {
        }
        %eq3A_248 = arith.constant 1 : i32
        %eq3A_249 = arith.cmpi eq, %arg0, %eq3A_248 : i32
        %convert_element_type3A_250 = arith.extui %eq3A_249 : i1 to i32
        %cond3A_251 = arith.constant 0 : i32
        %cond3A_252 = arith.cmpi ne, %convert_element_type3A_250, %cond3A_251 : i32
        scf.if %cond3A_252 {
          %jit3A = arith.constant 0.000000e+00 : f32
          %broadcast_in_dim3A_254 = vector.broadcast %jit3A : f32 to vector<16xf32>
          %select_n3A_255 = arith.select %eq3A_62, %exp3A, %broadcast_in_dim3A_254 : vector<16xi1>, vector<16xf32>
          %swap3A = arith.index_cast %scan3A_110 : i32 to index
          %swap3A_256 = arith.constant 0 : index
          %swap3A_257 = tpu.vector_load %arg12[%swap3A, %swap3A_256] {strides = array<i32>} : memref<80x128xf32, #tpu.memory_space<vmem>>, vector<1x16xf32>,
          %swap3A_258 = vector.shape_cast %swap3A_257 : vector<1x16xf32> to vector<16xf32>
          %swap3A_259 = vector.shape_cast %select_n3A_255 : vector<16xf32> to vector<1x16xf32>
          tpu.vector_store %arg12[%swap3A, %swap3A_256], %swap3A_259 {strides = array<i32>} : memref<80x128xf32, #tpu.memory_space<vmem>>, vector<1x16xf32>,
        } else {
        }
        %scan3A_253 = arith.constant 0 : i32
        scf.yield %scan3A_253 : i32
      }
      %scan3A_108 = arith.constant 80 : i32
      "tpu.region"() ({
        %run_scoped3A = tpu.sem_alloc : memref<!tpu.dma_semaphore, #tpu.memory_space<semaphore_mem>>
        %dma_start3A_110 = arith.constant 0 : i32
        %dma_start3A_111 = arith.constant 0 : i32
        %dma_start3A_112 = tpu.memref_slice %arg15[%dma_start3A_110, %dma_start3A_111] : memref<10000x128xf32, #tpu.memory_space<vmem_shared>> -> memref<10000x128xf32, #tpu.memory_space<vmem_shared>>
        tpu.enqueue_indirect_dma source(%arg12 : memref<80x128xf32, #tpu.memory_space<vmem>>) target(%dma_start3A_112 : memref<10000x128xf32, #tpu.memory_space<vmem_shared>>) offsets(%arg9 : memref<80xi32, #tpu.memory_space<vmem>>) semaphore(%run_scoped3A : memref<!tpu.dma_semaphore, #tpu.memory_space<semaphore_mem>>) {add = true}
        %dma_wait3A_113 = arith.constant 0 : i32
        %dma_wait3A_114 = arith.constant 0 : i32
        %dma_wait3A_115 = tpu.memref_slice %arg15[%dma_wait3A_113, %dma_wait3A_114] : memref<10000x128xf32, #tpu.memory_space<vmem_shared>> -> memref<10000x128xf32, #tpu.memory_space<vmem_shared>>
        tpu.wait_indirect_dma semaphore(%run_scoped3A : memref<!tpu.dma_semaphore, #tpu.memory_space<semaphore_mem>>) src(%arg12 : memref<80x128xf32, #tpu.memory_space<vmem>>) dst(%dma_wait3A_115 : memref<10000x128xf32, #tpu.memory_space<vmem_shared>>)
        tpu.yield
      }) : () -> ()
      %scan3A_109 = arith.constant 0 : i32
      scf.yield %scan3A_109 : i32
    }
    %scan3A_71 = arith.constant 250 : i32
    %barrier3A_72 = arith.constant 0 : index
    tpu.barrier barrier_id(%barrier3A_72)
    %scan3A_73 = arith.constant 0 : i32
    %scan3A_74 = arith.constant 0 : i32
    %scan3A_75 = arith.constant 16 : i32
    %scan3A_76 = arith.addi %scan3A_74, %scan3A_75 : i32
    %scan3A_77 = arith.constant 1 : i32
    %scan3A_78 = scf.for %scan3A_80 = %scan3A_74 to %scan3A_76 step %scan3A_77 iter_args(%scan3A_81 = %scan3A_73) -> (i32)  : i32 {
      %mul3A_82 = arith.constant 40 : i32
      %mul3A_83 = arith.muli %scan3A_80, %mul3A_82 : i32
      %add3A = arith.addi %min3A_8, %mul3A_83 : i32
      %min3A_84 = arith.constant 9960 : i32
      %min3A_85 = arith.minsi %add3A, %min3A_84 : i32
      "tpu.region"() ({
        %run_scoped3A = tpu.sem_alloc : memref<!tpu.dma_semaphore, #tpu.memory_space<semaphore_mem>>
        %dma_start3A = arith.constant 0 : i32
        %dma_start3A_87 = arith.constant 0 : i32
        %dma_start3A_88 = tpu.memref_slice %arg12[%dma_start3A, %dma_start3A_87] : memref<80x128xf32, #tpu.memory_space<vmem>> -> memref<40x128xf32, #tpu.memory_space<vmem>>
        %dma_start3A_89 = arith.constant 0 : i32
        %dma_start3A_90 = tpu.memref_slice %arg15[%min3A_85, %dma_start3A_89] : memref<10000x128xf32, #tpu.memory_space<vmem_shared>> -> memref<40x128xf32, #tpu.memory_space<vmem_shared>>
        %dma_start3A_91 = arith.constant 0 : i32
        %dma_start3A_92 = arith.constant 0 : i32
        %dma_start3A_93 = tpu.memref_slice %arg12[%dma_start3A_91, %dma_start3A_92] : memref<80x128xf32, #tpu.memory_space<vmem>> -> memref<40x128xf32, #tpu.memory_space<vmem>>
        %dma_start3A_94 = arith.constant 0 : i32
        %dma_start3A_95 = tpu.memref_slice %arg15[%min3A_85, %dma_start3A_94] : memref<10000x128xf32, #tpu.memory_space<vmem_shared>> -> memref<40x128xf32, #tpu.memory_space<vmem_shared>>
        tpu.enqueue_dma source(%dma_start3A_95 : memref<40x128xf32, #tpu.memory_space<vmem_shared>>) target(%dma_start3A_93 : memref<40x128xf32, #tpu.memory_space<vmem>>) target_semaphore(%run_scoped3A : memref<!tpu.dma_semaphore, #tpu.memory_space<semaphore_mem>>)
        %dma_wait3A = arith.constant 0 : i32
        %dma_wait3A_96 = arith.constant 0 : i32
        %dma_wait3A_97 = tpu.memref_slice %arg12[%dma_wait3A, %dma_wait3A_96] : memref<80x128xf32, #tpu.memory_space<vmem>> -> memref<40x128xf32, #tpu.memory_space<vmem>>
        %dma_wait3A_98 = arith.constant 0 : i32
        %dma_wait3A_99 = tpu.memref_slice %arg15[%min3A_85, %dma_wait3A_98] : memref<10000x128xf32, #tpu.memory_space<vmem_shared>> -> memref<40x128xf32, #tpu.memory_space<vmem_shared>>
        %dma_wait3A_100 = arith.constant 0 : i32
        %dma_wait3A_101 = arith.constant 0 : i32
        %dma_wait3A_102 = tpu.memref_slice %arg12[%dma_wait3A_100, %dma_wait3A_101] : memref<80x128xf32, #tpu.memory_space<vmem>> -> memref<40x128xf32, #tpu.memory_space<vmem>>
        %dma_wait3A_103 = arith.constant 0 : i32
        %dma_wait3A_104 = tpu.memref_slice %arg15[%min3A_85, %dma_wait3A_103] : memref<10000x128xf32, #tpu.memory_space<vmem_shared>> -> memref<40x128xf32, #tpu.memory_space<vmem_shared>>
        tpu.wait_dma2 semaphore(%run_scoped3A : memref<!tpu.dma_semaphore, #tpu.memory_space<semaphore_mem>>) src(%dma_wait3A_104 : memref<40x128xf32, #tpu.memory_space<vmem_shared>>) dst(%dma_wait3A_102 : memref<40x128xf32, #tpu.memory_space<vmem>>)
        tpu.yield
      }) : () -> ()
      "tpu.region"() ({
        %run_scoped3A = tpu.sem_alloc : memref<!tpu.dma_semaphore, #tpu.memory_space<semaphore_mem>>
        %dma_start3A = arith.constant 0 : i32
        %dma_start3A_87 = arith.constant 0 : i32
        %dma_start3A_88 = tpu.memref_slice %arg12[%dma_start3A, %dma_start3A_87] : memref<80x128xf32, #tpu.memory_space<vmem>> -> memref<40x128xf32, #tpu.memory_space<vmem>>
        %dma_start3A_89 = arith.constant 0 : i32
        %dma_start3A_90 = tpu.memref_slice %arg7[%arg0, %min3A_85, %dma_start3A_89] : memref<2x10000x128xf32, #tpu.memory_space<hbm>> -> memref<1x40x128xf32, #tpu.memory_space<hbm>>
        %dma_start3A_91 = tpu.memref_squeeze %dma_start3A_90 : memref<1x40x128xf32, #tpu.memory_space<hbm>> -> memref<40x128xf32, #tpu.memory_space<hbm>>
        %dma_start3A_92 = arith.constant 0 : i32
        %dma_start3A_93 = tpu.memref_slice %arg7[%arg0, %min3A_85, %dma_start3A_92] : memref<2x10000x128xf32, #tpu.memory_space<hbm>> -> memref<1x40x128xf32, #tpu.memory_space<hbm>>
        %dma_start3A_94 = tpu.memref_squeeze %dma_start3A_93 : memref<1x40x128xf32, #tpu.memory_space<hbm>> -> memref<40x128xf32, #tpu.memory_space<hbm>>
        %dma_start3A_95 = arith.constant 0 : i32
        %dma_start3A_96 = arith.constant 0 : i32
        %dma_start3A_97 = tpu.memref_slice %arg12[%dma_start3A_95, %dma_start3A_96] : memref<80x128xf32, #tpu.memory_space<vmem>> -> memref<40x128xf32, #tpu.memory_space<vmem>>
        tpu.enqueue_dma source(%dma_start3A_97 : memref<40x128xf32, #tpu.memory_space<vmem>>) target(%dma_start3A_94 : memref<40x128xf32, #tpu.memory_space<hbm>>) target_semaphore(%run_scoped3A : memref<!tpu.dma_semaphore, #tpu.memory_space<semaphore_mem>>)
        %dma_wait3A = arith.constant 0 : i32
        %dma_wait3A_98 = arith.constant 0 : i32
        %dma_wait3A_99 = tpu.memref_slice %arg12[%dma_wait3A, %dma_wait3A_98] : memref<80x128xf32, #tpu.memory_space<vmem>> -> memref<40x128xf32, #tpu.memory_space<vmem>>
        %dma_wait3A_100 = arith.constant 0 : i32
        %dma_wait3A_101 = tpu.memref_slice %arg7[%arg0, %min3A_85, %dma_wait3A_100] : memref<2x10000x128xf32, #tpu.memory_space<hbm>> -> memref<1x40x128xf32, #tpu.memory_space<hbm>>
        %dma_wait3A_102 = tpu.memref_squeeze %dma_wait3A_101 : memref<1x40x128xf32, #tpu.memory_space<hbm>> -> memref<40x128xf32, #tpu.memory_space<hbm>>
        %dma_wait3A_103 = arith.constant 0 : i32
        %dma_wait3A_104 = tpu.memref_slice %arg7[%arg0, %min3A_85, %dma_wait3A_103] : memref<2x10000x128xf32, #tpu.memory_space<hbm>> -> memref<1x40x128xf32, #tpu.memory_space<hbm>>
        %dma_wait3A_105 = tpu.memref_squeeze %dma_wait3A_104 : memref<1x40x128xf32, #tpu.memory_space<hbm>> -> memref<40x128xf32, #tpu.memory_space<hbm>>
        %dma_wait3A_106 = arith.constant 0 : i32
        %dma_wait3A_107 = arith.constant 0 : i32
        %dma_wait3A_108 = tpu.memref_slice %arg12[%dma_wait3A_106, %dma_wait3A_107] : memref<80x128xf32, #tpu.memory_space<vmem>> -> memref<40x128xf32, #tpu.memory_space<vmem>>
        tpu.wait_dma2 semaphore(%run_scoped3A : memref<!tpu.dma_semaphore, #tpu.memory_space<semaphore_mem>>) src(%dma_wait3A_108 : memref<40x128xf32, #tpu.memory_space<vmem>>) dst(%dma_wait3A_105 : memref<40x128xf32, #tpu.memory_space<hbm>>)
        tpu.yield
      }) : () -> ()
      %scan3A_86 = arith.constant 0 : i32
      scf.yield %scan3A_86 : i32
    }
    %scan3A_79 = arith.constant 16 : i32
    return
  }
}

#map = affine_map<(d0, d1) -> (0, 0)>
#map1 = affine_map<(d0, d1) -> (0)>
#map2 = affine_map<(d0, d1) -> (0, 0, 0)>
module attributes {stable_mosaic.version = 14 : i64} {
  func.func @_phase2(%arg0: i32, %arg1: i32, %arg2: memref<10000x256xf32, #tpu.memory_space<hbm>>, %arg3: memref<10000x128xf32, #tpu.memory_space<hbm>>, %arg4: memref<320000x128xf32, #tpu.memory_space<hbm>>, %arg5: memref<320000xi32, #tpu.memory_space<hbm>>, %arg6: memref<320000xi32, #tpu.memory_space<hbm>>, %arg7: memref<8x16xi32, #tpu.memory_space<hbm>>, %arg8: memref<2x10000x128xf32, #tpu.memory_space<hbm>>, %arg9: memref<80xi32, #tpu.memory_space<vmem>>, %arg10: memref<80xi32, #tpu.memory_space<vmem>>, %arg11: memref<80x256xf32, #tpu.memory_space<vmem>>, %arg12: memref<80x128xf32, #tpu.memory_space<vmem>>, %arg13: memref<80x128xf32, #tpu.memory_space<vmem>>, %arg14: memref<8x16xi32, #tpu.memory_space<vmem>>, %arg15: memref<10000x128xf32, #tpu.memory_space<vmem_shared>>, %arg16: memref<!tpu.dma_semaphore, #tpu.memory_space<semaphore_mem>>, %arg17: memref<!tpu.dma_semaphore, #tpu.memory_space<semaphore_mem>>) attributes {dimension_semantics = [#tpu.dimension_semantics<core_parallel>, #tpu.dimension_semantics<subcore_parallel>], iteration_bounds = array<i64: 2, 16>, scalar_prefetch = 0 : i64, scratch_operands = 9 : i64, tpu.core_type = #tpu.core_type<sc_vector_subcore>, window_params = [{transform_indices = #map}, {transform_indices = #map}, {transform_indices = #map}, {transform_indices = #map1}, {transform_indices = #map1}, {transform_indices = #map}, {transform_indices = #map2}]} {
    %mul3A = arith.constant 2 : i32
    %mul3A_0 = arith.muli %arg1, %mul3A : i32
    %add3A = arith.addi %mul3A_0, %arg0 : i32
    %broadcast_in_dim3A = arith.constant 0.000000e+00 : f32
    %broadcast_in_dim3A_1 = vector.broadcast %broadcast_in_dim3A : f32 to vector<16xf32>
    %scan3A = arith.constant 0 : i32
    %scan3A_2 = arith.constant 0 : i32
    %scan3A_3 = arith.constant 80 : i32
    %scan3A_4 = arith.addi %scan3A_2, %scan3A_3 : i32
    %scan3A_5 = arith.constant 1 : i32
    %scan3A_6 = scf.for %scan3A_54 = %scan3A_2 to %scan3A_4 step %scan3A_5 iter_args(%scan3A_55 = %scan3A) -> (i32)  : i32 {
      %swap3A = arith.index_cast %scan3A_54 : i32 to index
      %swap3A_56 = arith.constant 0 : index
      %swap3A_57 = tpu.vector_load %arg13[%swap3A, %swap3A_56] {strides = array<i32>} : memref<80x128xf32, #tpu.memory_space<vmem>>, vector<1x16xf32>,
      %swap3A_58 = vector.shape_cast %swap3A_57 : vector<1x16xf32> to vector<16xf32>
      %swap3A_59 = vector.shape_cast %broadcast_in_dim3A_1 : vector<16xf32> to vector<1x16xf32>
      tpu.vector_store %arg13[%swap3A, %swap3A_56], %swap3A_59 {strides = array<i32>} : memref<80x128xf32, #tpu.memory_space<vmem>>, vector<1x16xf32>,
      %swap3A_60 = arith.index_cast %scan3A_54 : i32 to index
      %swap3A_61 = arith.constant 16 : index
      %swap3A_62 = tpu.vector_load %arg13[%swap3A_60, %swap3A_61] {strides = array<i32>} : memref<80x128xf32, #tpu.memory_space<vmem>>, vector<1x16xf32>,
      %swap3A_63 = vector.shape_cast %swap3A_62 : vector<1x16xf32> to vector<16xf32>
      %swap3A_64 = vector.shape_cast %broadcast_in_dim3A_1 : vector<16xf32> to vector<1x16xf32>
      tpu.vector_store %arg13[%swap3A_60, %swap3A_61], %swap3A_64 {strides = array<i32>} : memref<80x128xf32, #tpu.memory_space<vmem>>, vector<1x16xf32>,
      %swap3A_65 = arith.index_cast %scan3A_54 : i32 to index
      %swap3A_66 = arith.constant 32 : index
      %swap3A_67 = tpu.vector_load %arg13[%swap3A_65, %swap3A_66] {strides = array<i32>} : memref<80x128xf32, #tpu.memory_space<vmem>>, vector<1x16xf32>,
      %swap3A_68 = vector.shape_cast %swap3A_67 : vector<1x16xf32> to vector<16xf32>
      %swap3A_69 = vector.shape_cast %broadcast_in_dim3A_1 : vector<16xf32> to vector<1x16xf32>
      tpu.vector_store %arg13[%swap3A_65, %swap3A_66], %swap3A_69 {strides = array<i32>} : memref<80x128xf32, #tpu.memory_space<vmem>>, vector<1x16xf32>,
      %swap3A_70 = arith.index_cast %scan3A_54 : i32 to index
      %swap3A_71 = arith.constant 48 : index
      %swap3A_72 = tpu.vector_load %arg13[%swap3A_70, %swap3A_71] {strides = array<i32>} : memref<80x128xf32, #tpu.memory_space<vmem>>, vector<1x16xf32>,
      %swap3A_73 = vector.shape_cast %swap3A_72 : vector<1x16xf32> to vector<16xf32>
      %swap3A_74 = vector.shape_cast %broadcast_in_dim3A_1 : vector<16xf32> to vector<1x16xf32>
      tpu.vector_store %arg13[%swap3A_70, %swap3A_71], %swap3A_74 {strides = array<i32>} : memref<80x128xf32, #tpu.memory_space<vmem>>, vector<1x16xf32>,
      %swap3A_75 = arith.index_cast %scan3A_54 : i32 to index
      %swap3A_76 = arith.constant 64 : index
      %swap3A_77 = tpu.vector_load %arg13[%swap3A_75, %swap3A_76] {strides = array<i32>} : memref<80x128xf32, #tpu.memory_space<vmem>>, vector<1x16xf32>,
      %swap3A_78 = vector.shape_cast %swap3A_77 : vector<1x16xf32> to vector<16xf32>
      %swap3A_79 = vector.shape_cast %broadcast_in_dim3A_1 : vector<16xf32> to vector<1x16xf32>
      tpu.vector_store %arg13[%swap3A_75, %swap3A_76], %swap3A_79 {strides = array<i32>} : memref<80x128xf32, #tpu.memory_space<vmem>>, vector<1x16xf32>,
      %swap3A_80 = arith.index_cast %scan3A_54 : i32 to index
      %swap3A_81 = arith.constant 80 : index
      %swap3A_82 = tpu.vector_load %arg13[%swap3A_80, %swap3A_81] {strides = array<i32>} : memref<80x128xf32, #tpu.memory_space<vmem>>, vector<1x16xf32>,
      %swap3A_83 = vector.shape_cast %swap3A_82 : vector<1x16xf32> to vector<16xf32>
      %swap3A_84 = vector.shape_cast %broadcast_in_dim3A_1 : vector<16xf32> to vector<1x16xf32>
      tpu.vector_store %arg13[%swap3A_80, %swap3A_81], %swap3A_84 {strides = array<i32>} : memref<80x128xf32, #tpu.memory_space<vmem>>, vector<1x16xf32>,
      %swap3A_85 = arith.index_cast %scan3A_54 : i32 to index
      %swap3A_86 = arith.constant 96 : index
      %swap3A_87 = tpu.vector_load %arg13[%swap3A_85, %swap3A_86] {strides = array<i32>} : memref<80x128xf32, #tpu.memory_space<vmem>>, vector<1x16xf32>,
      %swap3A_88 = vector.shape_cast %swap3A_87 : vector<1x16xf32> to vector<16xf32>
      %swap3A_89 = vector.shape_cast %broadcast_in_dim3A_1 : vector<16xf32> to vector<1x16xf32>
      tpu.vector_store %arg13[%swap3A_85, %swap3A_86], %swap3A_89 {strides = array<i32>} : memref<80x128xf32, #tpu.memory_space<vmem>>, vector<1x16xf32>,
      %swap3A_90 = arith.index_cast %scan3A_54 : i32 to index
      %swap3A_91 = arith.constant 112 : index
      %swap3A_92 = tpu.vector_load %arg13[%swap3A_90, %swap3A_91] {strides = array<i32>} : memref<80x128xf32, #tpu.memory_space<vmem>>, vector<1x16xf32>,
      %swap3A_93 = vector.shape_cast %swap3A_92 : vector<1x16xf32> to vector<16xf32>
      %swap3A_94 = vector.shape_cast %broadcast_in_dim3A_1 : vector<16xf32> to vector<1x16xf32>
      tpu.vector_store %arg13[%swap3A_90, %swap3A_91], %swap3A_94 {strides = array<i32>} : memref<80x128xf32, #tpu.memory_space<vmem>>, vector<1x16xf32>,
      %scan3A_95 = arith.constant 0 : i32
      scf.yield %scan3A_95 : i32
    }
    %scan3A_7 = arith.constant 80 : i32
    %mul3A_8 = arith.constant 632 : i32
    %mul3A_9 = arith.muli %arg1, %mul3A_8 : i32
    %min3A = arith.constant 9368 : i32
    %min3A_10 = arith.minsi %mul3A_9, %min3A : i32
    %scan3A_11 = arith.constant 0 : i32
    %scan3A_12 = arith.constant 0 : i32
    %scan3A_13 = arith.constant 16 : i32
    %scan3A_14 = arith.addi %scan3A_12, %scan3A_13 : i32
    %scan3A_15 = arith.constant 1 : i32
    %scan3A_16 = scf.for %scan3A_54 = %scan3A_12 to %scan3A_14 step %scan3A_15 iter_args(%scan3A_55 = %scan3A_11) -> (i32)  : i32 {
      %mul3A_56 = arith.constant 40 : i32
      %mul3A_57 = arith.muli %scan3A_54, %mul3A_56 : i32
      %add3A_58 = arith.addi %min3A_10, %mul3A_57 : i32
      %min3A_59 = arith.constant 9960 : i32
      %min3A_60 = arith.minsi %add3A_58, %min3A_59 : i32
      "tpu.region"() ({
        %run_scoped3A = tpu.sem_alloc : memref<!tpu.dma_semaphore, #tpu.memory_space<semaphore_mem>>
        %dma_start3A = arith.constant 0 : i32
        %dma_start3A_62 = arith.constant 0 : i32
        %dma_start3A_63 = tpu.memref_slice %arg13[%dma_start3A, %dma_start3A_62] : memref<80x128xf32, #tpu.memory_space<vmem>> -> memref<40x128xf32, #tpu.memory_space<vmem>>
        %dma_start3A_64 = arith.constant 0 : i32
        %dma_start3A_65 = tpu.memref_slice %arg15[%min3A_60, %dma_start3A_64] : memref<10000x128xf32, #tpu.memory_space<vmem_shared>> -> memref<40x128xf32, #tpu.memory_space<vmem_shared>>
        %dma_start3A_66 = arith.constant 0 : i32
        %dma_start3A_67 = tpu.memref_slice %arg15[%min3A_60, %dma_start3A_66] : memref<10000x128xf32, #tpu.memory_space<vmem_shared>> -> memref<40x128xf32, #tpu.memory_space<vmem_shared>>
        %dma_start3A_68 = arith.constant 0 : i32
        %dma_start3A_69 = arith.constant 0 : i32
        %dma_start3A_70 = tpu.memref_slice %arg13[%dma_start3A_68, %dma_start3A_69] : memref<80x128xf32, #tpu.memory_space<vmem>> -> memref<40x128xf32, #tpu.memory_space<vmem>>
        tpu.enqueue_dma source(%dma_start3A_70 : memref<40x128xf32, #tpu.memory_space<vmem>>) target(%dma_start3A_67 : memref<40x128xf32, #tpu.memory_space<vmem_shared>>) target_semaphore(%run_scoped3A : memref<!tpu.dma_semaphore, #tpu.memory_space<semaphore_mem>>)
        %dma_wait3A = arith.constant 0 : i32
        %dma_wait3A_71 = arith.constant 0 : i32
        %dma_wait3A_72 = tpu.memref_slice %arg13[%dma_wait3A, %dma_wait3A_71] : memref<80x128xf32, #tpu.memory_space<vmem>> -> memref<40x128xf32, #tpu.memory_space<vmem>>
        %dma_wait3A_73 = arith.constant 0 : i32
        %dma_wait3A_74 = tpu.memref_slice %arg15[%min3A_60, %dma_wait3A_73] : memref<10000x128xf32, #tpu.memory_space<vmem_shared>> -> memref<40x128xf32, #tpu.memory_space<vmem_shared>>
        %dma_wait3A_75 = arith.constant 0 : i32
        %dma_wait3A_76 = tpu.memref_slice %arg15[%min3A_60, %dma_wait3A_75] : memref<10000x128xf32, #tpu.memory_space<vmem_shared>> -> memref<40x128xf32, #tpu.memory_space<vmem_shared>>
        %dma_wait3A_77 = arith.constant 0 : i32
        %dma_wait3A_78 = arith.constant 0 : i32
        %dma_wait3A_79 = tpu.memref_slice %arg13[%dma_wait3A_77, %dma_wait3A_78] : memref<80x128xf32, #tpu.memory_space<vmem>> -> memref<40x128xf32, #tpu.memory_space<vmem>>
        tpu.wait_dma2 semaphore(%run_scoped3A : memref<!tpu.dma_semaphore, #tpu.memory_space<semaphore_mem>>) src(%dma_wait3A_79 : memref<40x128xf32, #tpu.memory_space<vmem>>) dst(%dma_wait3A_76 : memref<40x128xf32, #tpu.memory_space<vmem_shared>>)
        tpu.yield
      }) : () -> ()
      %scan3A_61 = arith.constant 0 : i32
      scf.yield %scan3A_61 : i32
    }
    %scan3A_17 = arith.constant 16 : i32
    "tpu.region"() ({
      %run_scoped3A = tpu.sem_alloc : memref<!tpu.dma_semaphore, #tpu.memory_space<semaphore_mem>>
      tpu.enqueue_dma source(%arg7 : memref<8x16xi32, #tpu.memory_space<hbm>>) target(%arg14 : memref<8x16xi32, #tpu.memory_space<vmem>>) target_semaphore(%run_scoped3A : memref<!tpu.dma_semaphore, #tpu.memory_space<semaphore_mem>>)
      tpu.wait_dma2 semaphore(%run_scoped3A : memref<!tpu.dma_semaphore, #tpu.memory_space<semaphore_mem>>) src(%arg7 : memref<8x16xi32, #tpu.memory_space<hbm>>) dst(%arg14 : memref<8x16xi32, #tpu.memory_space<vmem>>)
      tpu.yield
    }) : () -> ()
    %barrier3A = arith.constant 0 : index
    tpu.barrier barrier_id(%barrier3A)
    %get3A = arith.constant 0 : i32
    %get3A_18 = arith.index_cast %get3A : i32 to index
    %get3A_19 = arith.constant 0 : index
    %get3A_20 = tpu.vector_load %arg14[%get3A_18, %get3A_19] {strides = array<i32>} : memref<8x16xi32, #tpu.memory_space<vmem>>, vector<1x16xi32>,
    %get3A_21 = vector.shape_cast %get3A_20 : vector<1x16xi32> to vector<16xi32>
    %get3A_22 = arith.constant 1 : i32
    %get3A_23 = arith.index_cast %get3A_22 : i32 to index
    %get3A_24 = arith.constant 0 : index
    %get3A_25 = tpu.vector_load %arg14[%get3A_23, %get3A_24] {strides = array<i32>} : memref<8x16xi32, #tpu.memory_space<vmem>>, vector<1x16xi32>,
    %get3A_26 = vector.shape_cast %get3A_25 : vector<1x16xi32> to vector<16xi32>
    %get3A_27 = arith.constant 2 : i32
    %get3A_28 = arith.index_cast %get3A_27 : i32 to index
    %get3A_29 = arith.constant 0 : index
    %get3A_30 = tpu.vector_load %arg14[%get3A_28, %get3A_29] {strides = array<i32>} : memref<8x16xi32, #tpu.memory_space<vmem>>, vector<1x16xi32>,
    %get3A_31 = vector.shape_cast %get3A_30 : vector<1x16xi32> to vector<16xi32>
    %get3A_32 = arith.constant 3 : i32
    %get3A_33 = arith.index_cast %get3A_32 : i32 to index
    %get3A_34 = arith.constant 0 : index
    %get3A_35 = tpu.vector_load %arg14[%get3A_33, %get3A_34] {strides = array<i32>} : memref<8x16xi32, #tpu.memory_space<vmem>>, vector<1x16xi32>,
    %get3A_36 = vector.shape_cast %get3A_35 : vector<1x16xi32> to vector<16xi32>
    %mul3A_37 = arith.constant 10000 : i32
    %mul3A_38 = arith.muli %add3A, %mul3A_37 : i32
    %scan3A_39 = arith.constant 0 : i32
    %scan3A_40 = arith.constant 0 : i32
    %scan3A_41 = arith.constant 125 : i32
    %scan3A_42 = arith.addi %scan3A_40, %scan3A_41 : i32
    %scan3A_43 = arith.constant 1 : i32
    %scan3A_44 = scf.for %scan3A_54 = %scan3A_40 to %scan3A_42 step %scan3A_43 iter_args(%scan3A_55 = %scan3A_39) -> (i32)  : i32 {
      %mul3A_56 = arith.constant 80 : i32
      %mul3A_57 = arith.muli %scan3A_54, %mul3A_56 : i32
      %add3A_58 = arith.addi %mul3A_38, %mul3A_57 : i32
      %dma_start3A = tpu.memref_slice %arg5[%add3A_58] : memref<320000xi32, #tpu.memory_space<hbm>> -> memref<80xi32, #tpu.memory_space<hbm>>
      %dma_start3A_59 = tpu.memref_slice %arg5[%add3A_58] : memref<320000xi32, #tpu.memory_space<hbm>> -> memref<80xi32, #tpu.memory_space<hbm>>
      tpu.enqueue_dma source(%dma_start3A_59 : memref<80xi32, #tpu.memory_space<hbm>>) target(%arg9 : memref<80xi32, #tpu.memory_space<vmem>>) target_semaphore(%arg16 : memref<!tpu.dma_semaphore, #tpu.memory_space<semaphore_mem>>)
      %dma_start3A_60 = tpu.memref_slice %arg6[%add3A_58] : memref<320000xi32, #tpu.memory_space<hbm>> -> memref<80xi32, #tpu.memory_space<hbm>>
      %dma_start3A_61 = tpu.memref_slice %arg6[%add3A_58] : memref<320000xi32, #tpu.memory_space<hbm>> -> memref<80xi32, #tpu.memory_space<hbm>>
      tpu.enqueue_dma source(%dma_start3A_61 : memref<80xi32, #tpu.memory_space<hbm>>) target(%arg10 : memref<80xi32, #tpu.memory_space<vmem>>) target_semaphore(%arg17 : memref<!tpu.dma_semaphore, #tpu.memory_space<semaphore_mem>>)
      %dma_wait3A = tpu.memref_slice %arg5[%add3A_58] : memref<320000xi32, #tpu.memory_space<hbm>> -> memref<80xi32, #tpu.memory_space<hbm>>
      %dma_wait3A_62 = tpu.memref_slice %arg5[%add3A_58] : memref<320000xi32, #tpu.memory_space<hbm>> -> memref<80xi32, #tpu.memory_space<hbm>>
      tpu.wait_dma2 semaphore(%arg16 : memref<!tpu.dma_semaphore, #tpu.memory_space<semaphore_mem>>) src(%dma_wait3A_62 : memref<80xi32, #tpu.memory_space<hbm>>) dst(%arg9 : memref<80xi32, #tpu.memory_space<vmem>>)
      %dma_wait3A_63 = tpu.memref_slice %arg6[%add3A_58] : memref<320000xi32, #tpu.memory_space<hbm>> -> memref<80xi32, #tpu.memory_space<hbm>>
      %dma_wait3A_64 = tpu.memref_slice %arg6[%add3A_58] : memref<320000xi32, #tpu.memory_space<hbm>> -> memref<80xi32, #tpu.memory_space<hbm>>
      tpu.wait_dma2 semaphore(%arg17 : memref<!tpu.dma_semaphore, #tpu.memory_space<semaphore_mem>>) src(%dma_wait3A_64 : memref<80xi32, #tpu.memory_space<hbm>>) dst(%arg10 : memref<80xi32, #tpu.memory_space<vmem>>)
      %dma_start3A_65 = arith.constant 0 : i32
      %dma_start3A_66 = arith.constant 0 : i32
      %dma_start3A_67 = tpu.memref_slice %arg2[%dma_start3A_65, %dma_start3A_66] : memref<10000x256xf32, #tpu.memory_space<hbm>> -> memref<10000x256xf32, #tpu.memory_space<hbm>>
      tpu.enqueue_indirect_dma source(%dma_start3A_67 : memref<10000x256xf32, #tpu.memory_space<hbm>>) target(%arg11 : memref<80x256xf32, #tpu.memory_space<vmem>>) offsets(%arg9 : memref<80xi32, #tpu.memory_space<vmem>>) semaphore(%arg16 : memref<!tpu.dma_semaphore, #tpu.memory_space<semaphore_mem>>)
      %dma_start3A_68 = arith.constant 0 : i32
      %dma_start3A_69 = arith.constant 0 : i32
      %dma_start3A_70 = tpu.memref_slice %arg3[%dma_start3A_68, %dma_start3A_69] : memref<10000x128xf32, #tpu.memory_space<hbm>> -> memref<10000x128xf32, #tpu.memory_space<hbm>>
      tpu.enqueue_indirect_dma source(%dma_start3A_70 : memref<10000x128xf32, #tpu.memory_space<hbm>>) target(%arg12 : memref<80x128xf32, #tpu.memory_space<vmem>>) offsets(%arg10 : memref<80xi32, #tpu.memory_space<vmem>>) semaphore(%arg17 : memref<!tpu.dma_semaphore, #tpu.memory_space<semaphore_mem>>)
      "tpu.region"() ({
        %run_scoped3A = tpu.sem_alloc : memref<!tpu.dma_semaphore, #tpu.memory_space<semaphore_mem>>
        %dma_start3A_85 = arith.constant 0 : i32
        %dma_start3A_86 = tpu.memref_slice %arg4[%add3A_58, %dma_start3A_85] : memref<320000x128xf32, #tpu.memory_space<hbm>> -> memref<80x128xf32, #tpu.memory_space<hbm>>
        %dma_start3A_87 = arith.constant 0 : i32
        %dma_start3A_88 = tpu.memref_slice %arg4[%add3A_58, %dma_start3A_87] : memref<320000x128xf32, #tpu.memory_space<hbm>> -> memref<80x128xf32, #tpu.memory_space<hbm>>
        tpu.enqueue_dma source(%dma_start3A_88 : memref<80x128xf32, #tpu.memory_space<hbm>>) target(%arg13 : memref<80x128xf32, #tpu.memory_space<vmem>>) target_semaphore(%run_scoped3A : memref<!tpu.dma_semaphore, #tpu.memory_space<semaphore_mem>>)
        %dma_wait3A_89 = arith.constant 0 : i32
        %dma_wait3A_90 = tpu.memref_slice %arg4[%add3A_58, %dma_wait3A_89] : memref<320000x128xf32, #tpu.memory_space<hbm>> -> memref<80x128xf32, #tpu.memory_space<hbm>>
        %dma_wait3A_91 = arith.constant 0 : i32
        %dma_wait3A_92 = tpu.memref_slice %arg4[%add3A_58, %dma_wait3A_91] : memref<320000x128xf32, #tpu.memory_space<hbm>> -> memref<80x128xf32, #tpu.memory_space<hbm>>
        tpu.wait_dma2 semaphore(%run_scoped3A : memref<!tpu.dma_semaphore, #tpu.memory_space<semaphore_mem>>) src(%dma_wait3A_92 : memref<80x128xf32, #tpu.memory_space<hbm>>) dst(%arg13 : memref<80x128xf32, #tpu.memory_space<vmem>>)
        tpu.yield
      }) : () -> ()
      %dma_wait3A_71 = arith.constant 0 : i32
      %dma_wait3A_72 = arith.constant 0 : i32
      %dma_wait3A_73 = tpu.memref_slice %arg2[%dma_wait3A_71, %dma_wait3A_72] : memref<10000x256xf32, #tpu.memory_space<hbm>> -> memref<10000x256xf32, #tpu.memory_space<hbm>>
      tpu.wait_indirect_dma semaphore(%arg16 : memref<!tpu.dma_semaphore, #tpu.memory_space<semaphore_mem>>) src(%dma_wait3A_73 : memref<10000x256xf32, #tpu.memory_space<hbm>>) dst(%arg11 : memref<80x256xf32, #tpu.memory_space<vmem>>)
      %dma_wait3A_74 = arith.constant 0 : i32
      %dma_wait3A_75 = arith.constant 0 : i32
      %dma_wait3A_76 = tpu.memref_slice %arg3[%dma_wait3A_74, %dma_wait3A_75] : memref<10000x128xf32, #tpu.memory_space<hbm>> -> memref<10000x128xf32, #tpu.memory_space<hbm>>
      tpu.wait_indirect_dma semaphore(%arg17 : memref<!tpu.dma_semaphore, #tpu.memory_space<semaphore_mem>>) src(%dma_wait3A_76 : memref<10000x128xf32, #tpu.memory_space<hbm>>) dst(%arg12 : memref<80x128xf32, #tpu.memory_space<vmem>>)
      %scan3A_77 = arith.constant 0 : i32
      %scan3A_78 = arith.constant 0 : i32
      %scan3A_79 = arith.constant 80 : i32
      %scan3A_80 = arith.addi %scan3A_78, %scan3A_79 : i32
      %scan3A_81 = arith.constant 1 : i32
      %scan3A_82 = scf.for %scan3A_85 = %scan3A_78 to %scan3A_80 step %scan3A_81 iter_args(%scan3A_86 = %scan3A_77) -> (i32)  : i32 {
        %broadcast_in_dim3A_87 = arith.constant 0.000000e+00 : f32
        %broadcast_in_dim3A_88 = vector.broadcast %broadcast_in_dim3A_87 : f32 to vector<16xf32>
        %get3A_89 = arith.index_cast %scan3A_85 : i32 to index
        %get3A_90 = arith.constant 0 : index
        %get3A_91 = tpu.vector_load %arg11[%get3A_89, %get3A_90] {strides = array<i32>} : memref<80x256xf32, #tpu.memory_space<vmem>>, vector<1x16xf32>,
        %get3A_92 = vector.shape_cast %get3A_91 : vector<1x16xf32> to vector<16xf32>
        %get3A_93 = arith.index_cast %scan3A_85 : i32 to index
        %get3A_94 = arith.constant 0 : index
        %get3A_95 = tpu.vector_load %arg13[%get3A_93, %get3A_94] {strides = array<i32>} : memref<80x128xf32, #tpu.memory_space<vmem>>, vector<1x16xf32>,
        %get3A_96 = vector.shape_cast %get3A_95 : vector<1x16xf32> to vector<16xf32>
        %add3A_97 = arith.addf %get3A_92, %get3A_96 : vector<16xf32>
        %abs3A = math.absf %add3A_97 : vector<16xf32>
        %mul3A_98 = arith.constant -2.000000e+00 : f32
        %mul3A_99 = vector.broadcast %mul3A_98 : f32 to vector<16xf32>
        %mul3A_100 = arith.mulf %mul3A_99, %abs3A : vector<16xf32>
        %exp3A = math.exp %mul3A_100 : vector<16xf32>
        %sub3A = arith.constant 1.000000e+00 : f32
        %sub3A_101 = vector.broadcast %sub3A : f32 to vector<16xf32>
        %sub3A_102 = arith.subf %sub3A_101, %exp3A : vector<16xf32>
        %add3A_103 = arith.constant 1.000000e+00 : f32
        %add3A_104 = vector.broadcast %add3A_103 : f32 to vector<16xf32>
        %add3A_105 = arith.addf %add3A_104, %exp3A : vector<16xf32>
        %div3A = arith.divf %sub3A_102, %add3A_105 : vector<16xf32>
        %ge3A = arith.constant 0.000000e+00 : f32
        %ge3A_106 = vector.broadcast %ge3A : f32 to vector<16xf32>
        %ge3A_107 = arith.cmpf oge, %add3A_97, %ge3A_106 : vector<16xf32>
        %neg3A = arith.constant 0.000000e+00 : f32
        %neg3A_108 = vector.broadcast %neg3A : f32 to vector<16xf32>
        %neg3A_109 = arith.subf %neg3A_108, %div3A : vector<16xf32>
        %select_n3A = arith.select %ge3A_107, %div3A, %neg3A_109 : vector<16xi1>, vector<16xf32>
        %get3A_110 = arith.index_cast %scan3A_85 : i32 to index
        %get3A_111 = arith.constant 0 : index
        %get3A_112 = tpu.vector_load %arg12[%get3A_110, %get3A_111] {strides = array<i32>} : memref<80x128xf32, #tpu.memory_space<vmem>>, vector<1x16xf32>,
        %get3A_113 = vector.shape_cast %get3A_112 : vector<1x16xf32> to vector<16xf32>
        %mul3A_114 = arith.mulf %select_n3A, %get3A_113 : vector<16xf32>
        %add3A_115 = arith.addf %broadcast_in_dim3A_88, %mul3A_114 : vector<16xf32>
        %get3A_116 = arith.index_cast %scan3A_85 : i32 to index
        %get3A_117 = arith.constant 16 : index
        %get3A_118 = tpu.vector_load %arg11[%get3A_116, %get3A_117] {strides = array<i32>} : memref<80x256xf32, #tpu.memory_space<vmem>>, vector<1x16xf32>,
        %get3A_119 = vector.shape_cast %get3A_118 : vector<1x16xf32> to vector<16xf32>
        %get3A_120 = arith.index_cast %scan3A_85 : i32 to index
        %get3A_121 = arith.constant 16 : index
        %get3A_122 = tpu.vector_load %arg13[%get3A_120, %get3A_121] {strides = array<i32>} : memref<80x128xf32, #tpu.memory_space<vmem>>, vector<1x16xf32>,
        %get3A_123 = vector.shape_cast %get3A_122 : vector<1x16xf32> to vector<16xf32>
        %add3A_124 = arith.addf %get3A_119, %get3A_123 : vector<16xf32>
        %abs3A_125 = math.absf %add3A_124 : vector<16xf32>
        %mul3A_126 = arith.constant -2.000000e+00 : f32
        %mul3A_127 = vector.broadcast %mul3A_126 : f32 to vector<16xf32>
        %mul3A_128 = arith.mulf %mul3A_127, %abs3A_125 : vector<16xf32>
        %exp3A_129 = math.exp %mul3A_128 : vector<16xf32>
        %sub3A_130 = arith.constant 1.000000e+00 : f32
        %sub3A_131 = vector.broadcast %sub3A_130 : f32 to vector<16xf32>
        %sub3A_132 = arith.subf %sub3A_131, %exp3A_129 : vector<16xf32>
        %add3A_133 = arith.constant 1.000000e+00 : f32
        %add3A_134 = vector.broadcast %add3A_133 : f32 to vector<16xf32>
        %add3A_135 = arith.addf %add3A_134, %exp3A_129 : vector<16xf32>
        %div3A_136 = arith.divf %sub3A_132, %add3A_135 : vector<16xf32>
        %ge3A_137 = arith.constant 0.000000e+00 : f32
        %ge3A_138 = vector.broadcast %ge3A_137 : f32 to vector<16xf32>
        %ge3A_139 = arith.cmpf oge, %add3A_124, %ge3A_138 : vector<16xf32>
        %neg3A_140 = arith.constant 0.000000e+00 : f32
        %neg3A_141 = vector.broadcast %neg3A_140 : f32 to vector<16xf32>
        %neg3A_142 = arith.subf %neg3A_141, %div3A_136 : vector<16xf32>
        %select_n3A_143 = arith.select %ge3A_139, %div3A_136, %neg3A_142 : vector<16xi1>, vector<16xf32>
        %get3A_144 = arith.index_cast %scan3A_85 : i32 to index
        %get3A_145 = arith.constant 16 : index
        %get3A_146 = tpu.vector_load %arg12[%get3A_144, %get3A_145] {strides = array<i32>} : memref<80x128xf32, #tpu.memory_space<vmem>>, vector<1x16xf32>,
        %get3A_147 = vector.shape_cast %get3A_146 : vector<1x16xf32> to vector<16xf32>
        %mul3A_148 = arith.mulf %select_n3A_143, %get3A_147 : vector<16xf32>
        %add3A_149 = arith.addf %add3A_115, %mul3A_148 : vector<16xf32>
        %get3A_150 = arith.index_cast %scan3A_85 : i32 to index
        %get3A_151 = arith.constant 32 : index
        %get3A_152 = tpu.vector_load %arg11[%get3A_150, %get3A_151] {strides = array<i32>} : memref<80x256xf32, #tpu.memory_space<vmem>>, vector<1x16xf32>,
        %get3A_153 = vector.shape_cast %get3A_152 : vector<1x16xf32> to vector<16xf32>
        %get3A_154 = arith.index_cast %scan3A_85 : i32 to index
        %get3A_155 = arith.constant 32 : index
        %get3A_156 = tpu.vector_load %arg13[%get3A_154, %get3A_155] {strides = array<i32>} : memref<80x128xf32, #tpu.memory_space<vmem>>, vector<1x16xf32>,
        %get3A_157 = vector.shape_cast %get3A_156 : vector<1x16xf32> to vector<16xf32>
        %add3A_158 = arith.addf %get3A_153, %get3A_157 : vector<16xf32>
        %abs3A_159 = math.absf %add3A_158 : vector<16xf32>
        %mul3A_160 = arith.constant -2.000000e+00 : f32
        %mul3A_161 = vector.broadcast %mul3A_160 : f32 to vector<16xf32>
        %mul3A_162 = arith.mulf %mul3A_161, %abs3A_159 : vector<16xf32>
        %exp3A_163 = math.exp %mul3A_162 : vector<16xf32>
        %sub3A_164 = arith.constant 1.000000e+00 : f32
        %sub3A_165 = vector.broadcast %sub3A_164 : f32 to vector<16xf32>
        %sub3A_166 = arith.subf %sub3A_165, %exp3A_163 : vector<16xf32>
        %add3A_167 = arith.constant 1.000000e+00 : f32
        %add3A_168 = vector.broadcast %add3A_167 : f32 to vector<16xf32>
        %add3A_169 = arith.addf %add3A_168, %exp3A_163 : vector<16xf32>
        %div3A_170 = arith.divf %sub3A_166, %add3A_169 : vector<16xf32>
        %ge3A_171 = arith.constant 0.000000e+00 : f32
        %ge3A_172 = vector.broadcast %ge3A_171 : f32 to vector<16xf32>
        %ge3A_173 = arith.cmpf oge, %add3A_158, %ge3A_172 : vector<16xf32>
        %neg3A_174 = arith.constant 0.000000e+00 : f32
        %neg3A_175 = vector.broadcast %neg3A_174 : f32 to vector<16xf32>
        %neg3A_176 = arith.subf %neg3A_175, %div3A_170 : vector<16xf32>
        %select_n3A_177 = arith.select %ge3A_173, %div3A_170, %neg3A_176 : vector<16xi1>, vector<16xf32>
        %get3A_178 = arith.index_cast %scan3A_85 : i32 to index
        %get3A_179 = arith.constant 32 : index
        %get3A_180 = tpu.vector_load %arg12[%get3A_178, %get3A_179] {strides = array<i32>} : memref<80x128xf32, #tpu.memory_space<vmem>>, vector<1x16xf32>,
        %get3A_181 = vector.shape_cast %get3A_180 : vector<1x16xf32> to vector<16xf32>
        %mul3A_182 = arith.mulf %select_n3A_177, %get3A_181 : vector<16xf32>
        %add3A_183 = arith.addf %add3A_149, %mul3A_182 : vector<16xf32>
        %get3A_184 = arith.index_cast %scan3A_85 : i32 to index
        %get3A_185 = arith.constant 48 : index
        %get3A_186 = tpu.vector_load %arg11[%get3A_184, %get3A_185] {strides = array<i32>} : memref<80x256xf32, #tpu.memory_space<vmem>>, vector<1x16xf32>,
        %get3A_187 = vector.shape_cast %get3A_186 : vector<1x16xf32> to vector<16xf32>
        %get3A_188 = arith.index_cast %scan3A_85 : i32 to index
        %get3A_189 = arith.constant 48 : index
        %get3A_190 = tpu.vector_load %arg13[%get3A_188, %get3A_189] {strides = array<i32>} : memref<80x128xf32, #tpu.memory_space<vmem>>, vector<1x16xf32>,
        %get3A_191 = vector.shape_cast %get3A_190 : vector<1x16xf32> to vector<16xf32>
        %add3A_192 = arith.addf %get3A_187, %get3A_191 : vector<16xf32>
        %abs3A_193 = math.absf %add3A_192 : vector<16xf32>
        %mul3A_194 = arith.constant -2.000000e+00 : f32
        %mul3A_195 = vector.broadcast %mul3A_194 : f32 to vector<16xf32>
        %mul3A_196 = arith.mulf %mul3A_195, %abs3A_193 : vector<16xf32>
        %exp3A_197 = math.exp %mul3A_196 : vector<16xf32>
        %sub3A_198 = arith.constant 1.000000e+00 : f32
        %sub3A_199 = vector.broadcast %sub3A_198 : f32 to vector<16xf32>
        %sub3A_200 = arith.subf %sub3A_199, %exp3A_197 : vector<16xf32>
        %add3A_201 = arith.constant 1.000000e+00 : f32
        %add3A_202 = vector.broadcast %add3A_201 : f32 to vector<16xf32>
        %add3A_203 = arith.addf %add3A_202, %exp3A_197 : vector<16xf32>
        %div3A_204 = arith.divf %sub3A_200, %add3A_203 : vector<16xf32>
        %ge3A_205 = arith.constant 0.000000e+00 : f32
        %ge3A_206 = vector.broadcast %ge3A_205 : f32 to vector<16xf32>
        %ge3A_207 = arith.cmpf oge, %add3A_192, %ge3A_206 : vector<16xf32>
        %neg3A_208 = arith.constant 0.000000e+00 : f32
        %neg3A_209 = vector.broadcast %neg3A_208 : f32 to vector<16xf32>
        %neg3A_210 = arith.subf %neg3A_209, %div3A_204 : vector<16xf32>
        %select_n3A_211 = arith.select %ge3A_207, %div3A_204, %neg3A_210 : vector<16xi1>, vector<16xf32>
        %get3A_212 = arith.index_cast %scan3A_85 : i32 to index
        %get3A_213 = arith.constant 48 : index
        %get3A_214 = tpu.vector_load %arg12[%get3A_212, %get3A_213] {strides = array<i32>} : memref<80x128xf32, #tpu.memory_space<vmem>>, vector<1x16xf32>,
        %get3A_215 = vector.shape_cast %get3A_214 : vector<1x16xf32> to vector<16xf32>
        %mul3A_216 = arith.mulf %select_n3A_211, %get3A_215 : vector<16xf32>
        %add3A_217 = arith.addf %add3A_183, %mul3A_216 : vector<16xf32>
        %get3A_218 = arith.index_cast %scan3A_85 : i32 to index
        %get3A_219 = arith.constant 64 : index
        %get3A_220 = tpu.vector_load %arg11[%get3A_218, %get3A_219] {strides = array<i32>} : memref<80x256xf32, #tpu.memory_space<vmem>>, vector<1x16xf32>,
        %get3A_221 = vector.shape_cast %get3A_220 : vector<1x16xf32> to vector<16xf32>
        %get3A_222 = arith.index_cast %scan3A_85 : i32 to index
        %get3A_223 = arith.constant 64 : index
        %get3A_224 = tpu.vector_load %arg13[%get3A_222, %get3A_223] {strides = array<i32>} : memref<80x128xf32, #tpu.memory_space<vmem>>, vector<1x16xf32>,
        %get3A_225 = vector.shape_cast %get3A_224 : vector<1x16xf32> to vector<16xf32>
        %add3A_226 = arith.addf %get3A_221, %get3A_225 : vector<16xf32>
        %abs3A_227 = math.absf %add3A_226 : vector<16xf32>
        %mul3A_228 = arith.constant -2.000000e+00 : f32
        %mul3A_229 = vector.broadcast %mul3A_228 : f32 to vector<16xf32>
        %mul3A_230 = arith.mulf %mul3A_229, %abs3A_227 : vector<16xf32>
        %exp3A_231 = math.exp %mul3A_230 : vector<16xf32>
        %sub3A_232 = arith.constant 1.000000e+00 : f32
        %sub3A_233 = vector.broadcast %sub3A_232 : f32 to vector<16xf32>
        %sub3A_234 = arith.subf %sub3A_233, %exp3A_231 : vector<16xf32>
        %add3A_235 = arith.constant 1.000000e+00 : f32
        %add3A_236 = vector.broadcast %add3A_235 : f32 to vector<16xf32>
        %add3A_237 = arith.addf %add3A_236, %exp3A_231 : vector<16xf32>
        %div3A_238 = arith.divf %sub3A_234, %add3A_237 : vector<16xf32>
        %ge3A_239 = arith.constant 0.000000e+00 : f32
        %ge3A_240 = vector.broadcast %ge3A_239 : f32 to vector<16xf32>
        %ge3A_241 = arith.cmpf oge, %add3A_226, %ge3A_240 : vector<16xf32>
        %neg3A_242 = arith.constant 0.000000e+00 : f32
        %neg3A_243 = vector.broadcast %neg3A_242 : f32 to vector<16xf32>
        %neg3A_244 = arith.subf %neg3A_243, %div3A_238 : vector<16xf32>
        %select_n3A_245 = arith.select %ge3A_241, %div3A_238, %neg3A_244 : vector<16xi1>, vector<16xf32>
        %get3A_246 = arith.index_cast %scan3A_85 : i32 to index
        %get3A_247 = arith.constant 64 : index
        %get3A_248 = tpu.vector_load %arg12[%get3A_246, %get3A_247] {strides = array<i32>} : memref<80x128xf32, #tpu.memory_space<vmem>>, vector<1x16xf32>,
        %get3A_249 = vector.shape_cast %get3A_248 : vector<1x16xf32> to vector<16xf32>
        %mul3A_250 = arith.mulf %select_n3A_245, %get3A_249 : vector<16xf32>
        %add3A_251 = arith.addf %add3A_217, %mul3A_250 : vector<16xf32>
        %get3A_252 = arith.index_cast %scan3A_85 : i32 to index
        %get3A_253 = arith.constant 80 : index
        %get3A_254 = tpu.vector_load %arg11[%get3A_252, %get3A_253] {strides = array<i32>} : memref<80x256xf32, #tpu.memory_space<vmem>>, vector<1x16xf32>,
        %get3A_255 = vector.shape_cast %get3A_254 : vector<1x16xf32> to vector<16xf32>
        %get3A_256 = arith.index_cast %scan3A_85 : i32 to index
        %get3A_257 = arith.constant 80 : index
        %get3A_258 = tpu.vector_load %arg13[%get3A_256, %get3A_257] {strides = array<i32>} : memref<80x128xf32, #tpu.memory_space<vmem>>, vector<1x16xf32>,
        %get3A_259 = vector.shape_cast %get3A_258 : vector<1x16xf32> to vector<16xf32>
        %add3A_260 = arith.addf %get3A_255, %get3A_259 : vector<16xf32>
        %abs3A_261 = math.absf %add3A_260 : vector<16xf32>
        %mul3A_262 = arith.constant -2.000000e+00 : f32
        %mul3A_263 = vector.broadcast %mul3A_262 : f32 to vector<16xf32>
        %mul3A_264 = arith.mulf %mul3A_263, %abs3A_261 : vector<16xf32>
        %exp3A_265 = math.exp %mul3A_264 : vector<16xf32>
        %sub3A_266 = arith.constant 1.000000e+00 : f32
        %sub3A_267 = vector.broadcast %sub3A_266 : f32 to vector<16xf32>
        %sub3A_268 = arith.subf %sub3A_267, %exp3A_265 : vector<16xf32>
        %add3A_269 = arith.constant 1.000000e+00 : f32
        %add3A_270 = vector.broadcast %add3A_269 : f32 to vector<16xf32>
        %add3A_271 = arith.addf %add3A_270, %exp3A_265 : vector<16xf32>
        %div3A_272 = arith.divf %sub3A_268, %add3A_271 : vector<16xf32>
        %ge3A_273 = arith.constant 0.000000e+00 : f32
        %ge3A_274 = vector.broadcast %ge3A_273 : f32 to vector<16xf32>
        %ge3A_275 = arith.cmpf oge, %add3A_260, %ge3A_274 : vector<16xf32>
        %neg3A_276 = arith.constant 0.000000e+00 : f32
        %neg3A_277 = vector.broadcast %neg3A_276 : f32 to vector<16xf32>
        %neg3A_278 = arith.subf %neg3A_277, %div3A_272 : vector<16xf32>
        %select_n3A_279 = arith.select %ge3A_275, %div3A_272, %neg3A_278 : vector<16xi1>, vector<16xf32>
        %get3A_280 = arith.index_cast %scan3A_85 : i32 to index
        %get3A_281 = arith.constant 80 : index
        %get3A_282 = tpu.vector_load %arg12[%get3A_280, %get3A_281] {strides = array<i32>} : memref<80x128xf32, #tpu.memory_space<vmem>>, vector<1x16xf32>,
        %get3A_283 = vector.shape_cast %get3A_282 : vector<1x16xf32> to vector<16xf32>
        %mul3A_284 = arith.mulf %select_n3A_279, %get3A_283 : vector<16xf32>
        %add3A_285 = arith.addf %add3A_251, %mul3A_284 : vector<16xf32>
        %get3A_286 = arith.index_cast %scan3A_85 : i32 to index
        %get3A_287 = arith.constant 96 : index
        %get3A_288 = tpu.vector_load %arg11[%get3A_286, %get3A_287] {strides = array<i32>} : memref<80x256xf32, #tpu.memory_space<vmem>>, vector<1x16xf32>,
        %get3A_289 = vector.shape_cast %get3A_288 : vector<1x16xf32> to vector<16xf32>
        %get3A_290 = arith.index_cast %scan3A_85 : i32 to index
        %get3A_291 = arith.constant 96 : index
        %get3A_292 = tpu.vector_load %arg13[%get3A_290, %get3A_291] {strides = array<i32>} : memref<80x128xf32, #tpu.memory_space<vmem>>, vector<1x16xf32>,
        %get3A_293 = vector.shape_cast %get3A_292 : vector<1x16xf32> to vector<16xf32>
        %add3A_294 = arith.addf %get3A_289, %get3A_293 : vector<16xf32>
        %abs3A_295 = math.absf %add3A_294 : vector<16xf32>
        %mul3A_296 = arith.constant -2.000000e+00 : f32
        %mul3A_297 = vector.broadcast %mul3A_296 : f32 to vector<16xf32>
        %mul3A_298 = arith.mulf %mul3A_297, %abs3A_295 : vector<16xf32>
        %exp3A_299 = math.exp %mul3A_298 : vector<16xf32>
        %sub3A_300 = arith.constant 1.000000e+00 : f32
        %sub3A_301 = vector.broadcast %sub3A_300 : f32 to vector<16xf32>
        %sub3A_302 = arith.subf %sub3A_301, %exp3A_299 : vector<16xf32>
        %add3A_303 = arith.constant 1.000000e+00 : f32
        %add3A_304 = vector.broadcast %add3A_303 : f32 to vector<16xf32>
        %add3A_305 = arith.addf %add3A_304, %exp3A_299 : vector<16xf32>
        %div3A_306 = arith.divf %sub3A_302, %add3A_305 : vector<16xf32>
        %ge3A_307 = arith.constant 0.000000e+00 : f32
        %ge3A_308 = vector.broadcast %ge3A_307 : f32 to vector<16xf32>
        %ge3A_309 = arith.cmpf oge, %add3A_294, %ge3A_308 : vector<16xf32>
        %neg3A_310 = arith.constant 0.000000e+00 : f32
        %neg3A_311 = vector.broadcast %neg3A_310 : f32 to vector<16xf32>
        %neg3A_312 = arith.subf %neg3A_311, %div3A_306 : vector<16xf32>
        %select_n3A_313 = arith.select %ge3A_309, %div3A_306, %neg3A_312 : vector<16xi1>, vector<16xf32>
        %get3A_314 = arith.index_cast %scan3A_85 : i32 to index
        %get3A_315 = arith.constant 96 : index
        %get3A_316 = tpu.vector_load %arg12[%get3A_314, %get3A_315] {strides = array<i32>} : memref<80x128xf32, #tpu.memory_space<vmem>>, vector<1x16xf32>,
        %get3A_317 = vector.shape_cast %get3A_316 : vector<1x16xf32> to vector<16xf32>
        %mul3A_318 = arith.mulf %select_n3A_313, %get3A_317 : vector<16xf32>
        %add3A_319 = arith.addf %add3A_285, %mul3A_318 : vector<16xf32>
        %get3A_320 = arith.index_cast %scan3A_85 : i32 to index
        %get3A_321 = arith.constant 112 : index
        %get3A_322 = tpu.vector_load %arg11[%get3A_320, %get3A_321] {strides = array<i32>} : memref<80x256xf32, #tpu.memory_space<vmem>>, vector<1x16xf32>,
        %get3A_323 = vector.shape_cast %get3A_322 : vector<1x16xf32> to vector<16xf32>
        %get3A_324 = arith.index_cast %scan3A_85 : i32 to index
        %get3A_325 = arith.constant 112 : index
        %get3A_326 = tpu.vector_load %arg13[%get3A_324, %get3A_325] {strides = array<i32>} : memref<80x128xf32, #tpu.memory_space<vmem>>, vector<1x16xf32>,
        %get3A_327 = vector.shape_cast %get3A_326 : vector<1x16xf32> to vector<16xf32>
        %add3A_328 = arith.addf %get3A_323, %get3A_327 : vector<16xf32>
        %abs3A_329 = math.absf %add3A_328 : vector<16xf32>
        %mul3A_330 = arith.constant -2.000000e+00 : f32
        %mul3A_331 = vector.broadcast %mul3A_330 : f32 to vector<16xf32>
        %mul3A_332 = arith.mulf %mul3A_331, %abs3A_329 : vector<16xf32>
        %exp3A_333 = math.exp %mul3A_332 : vector<16xf32>
        %sub3A_334 = arith.constant 1.000000e+00 : f32
        %sub3A_335 = vector.broadcast %sub3A_334 : f32 to vector<16xf32>
        %sub3A_336 = arith.subf %sub3A_335, %exp3A_333 : vector<16xf32>
        %add3A_337 = arith.constant 1.000000e+00 : f32
        %add3A_338 = vector.broadcast %add3A_337 : f32 to vector<16xf32>
        %add3A_339 = arith.addf %add3A_338, %exp3A_333 : vector<16xf32>
        %div3A_340 = arith.divf %sub3A_336, %add3A_339 : vector<16xf32>
        %ge3A_341 = arith.constant 0.000000e+00 : f32
        %ge3A_342 = vector.broadcast %ge3A_341 : f32 to vector<16xf32>
        %ge3A_343 = arith.cmpf oge, %add3A_328, %ge3A_342 : vector<16xf32>
        %neg3A_344 = arith.constant 0.000000e+00 : f32
        %neg3A_345 = vector.broadcast %neg3A_344 : f32 to vector<16xf32>
        %neg3A_346 = arith.subf %neg3A_345, %div3A_340 : vector<16xf32>
        %select_n3A_347 = arith.select %ge3A_343, %div3A_340, %neg3A_346 : vector<16xi1>, vector<16xf32>
        %get3A_348 = arith.index_cast %scan3A_85 : i32 to index
        %get3A_349 = arith.constant 112 : index
        %get3A_350 = tpu.vector_load %arg12[%get3A_348, %get3A_349] {strides = array<i32>} : memref<80x128xf32, #tpu.memory_space<vmem>>, vector<1x16xf32>,
        %get3A_351 = vector.shape_cast %get3A_350 : vector<1x16xf32> to vector<16xf32>
        %mul3A_352 = arith.mulf %select_n3A_347, %get3A_351 : vector<16xf32>
        %add3A_353 = arith.addf %add3A_319, %mul3A_352 : vector<16xf32>
        %lt3A = arith.constant 0 : i32
        %lt3A_354 = vector.broadcast %lt3A : i32 to vector<16xi32>
        %lt3A_355 = arith.cmpi slt, %get3A_21, %lt3A_354 : vector<16xi32>
        %add3A_356 = arith.constant 16 : i32
        %add3A_357 = vector.broadcast %add3A_356 : i32 to vector<16xi32>
        %add3A_358 = arith.addi %get3A_21, %add3A_357 : vector<16xi32>
        %select_n3A_359 = arith.select %lt3A_355, %add3A_358, %get3A_21 : vector<16xi1>, vector<16xi32>
        %reshape3A = vector.shape_cast %select_n3A_359 : vector<16xi32> to vector<16x1xi32>
        %gather3A = vector.shape_cast %reshape3A : vector<16x1xi32> to vector<16xi32>
        %gather3A_360 = tpu.dynamic_gather %add3A_353[%gather3A] in [0] : vector<16xf32>, vector<16xi32> -> vector<16xf32>
        %add3A_361 = arith.addf %add3A_353, %gather3A_360 : vector<16xf32>
        %lt3A_362 = arith.constant 0 : i32
        %lt3A_363 = vector.broadcast %lt3A_362 : i32 to vector<16xi32>
        %lt3A_364 = arith.cmpi slt, %get3A_26, %lt3A_363 : vector<16xi32>
        %add3A_365 = arith.constant 16 : i32
        %add3A_366 = vector.broadcast %add3A_365 : i32 to vector<16xi32>
        %add3A_367 = arith.addi %get3A_26, %add3A_366 : vector<16xi32>
        %select_n3A_368 = arith.select %lt3A_364, %add3A_367, %get3A_26 : vector<16xi1>, vector<16xi32>
        %reshape3A_369 = vector.shape_cast %select_n3A_368 : vector<16xi32> to vector<16x1xi32>
        %gather3A_370 = vector.shape_cast %reshape3A_369 : vector<16x1xi32> to vector<16xi32>
        %gather3A_371 = tpu.dynamic_gather %add3A_361[%gather3A_370] in [0] : vector<16xf32>, vector<16xi32> -> vector<16xf32>
        %add3A_372 = arith.addf %add3A_361, %gather3A_371 : vector<16xf32>
        %lt3A_373 = arith.constant 0 : i32
        %lt3A_374 = vector.broadcast %lt3A_373 : i32 to vector<16xi32>
        %lt3A_375 = arith.cmpi slt, %get3A_31, %lt3A_374 : vector<16xi32>
        %add3A_376 = arith.constant 16 : i32
        %add3A_377 = vector.broadcast %add3A_376 : i32 to vector<16xi32>
        %add3A_378 = arith.addi %get3A_31, %add3A_377 : vector<16xi32>
        %select_n3A_379 = arith.select %lt3A_375, %add3A_378, %get3A_31 : vector<16xi1>, vector<16xi32>
        %reshape3A_380 = vector.shape_cast %select_n3A_379 : vector<16xi32> to vector<16x1xi32>
        %gather3A_381 = vector.shape_cast %reshape3A_380 : vector<16x1xi32> to vector<16xi32>
        %gather3A_382 = tpu.dynamic_gather %add3A_372[%gather3A_381] in [0] : vector<16xf32>, vector<16xi32> -> vector<16xf32>
        %add3A_383 = arith.addf %add3A_372, %gather3A_382 : vector<16xf32>
        %lt3A_384 = arith.constant 0 : i32
        %lt3A_385 = vector.broadcast %lt3A_384 : i32 to vector<16xi32>
        %lt3A_386 = arith.cmpi slt, %get3A_36, %lt3A_385 : vector<16xi32>
        %add3A_387 = arith.constant 16 : i32
        %add3A_388 = vector.broadcast %add3A_387 : i32 to vector<16xi32>
        %add3A_389 = arith.addi %get3A_36, %add3A_388 : vector<16xi32>
        %select_n3A_390 = arith.select %lt3A_386, %add3A_389, %get3A_36 : vector<16xi1>, vector<16xi32>
        %reshape3A_391 = vector.shape_cast %select_n3A_390 : vector<16xi32> to vector<16x1xi32>
        %gather3A_392 = vector.shape_cast %reshape3A_391 : vector<16x1xi32> to vector<16xi32>
        %gather3A_393 = tpu.dynamic_gather %add3A_383[%gather3A_392] in [0] : vector<16xf32>, vector<16xi32> -> vector<16xf32>
        %add3A_394 = arith.addf %add3A_383, %gather3A_393 : vector<16xf32>
        %get3A_395 = arith.index_cast %scan3A_85 : i32 to index
        %get3A_396 = arith.constant 128 : index
        %get3A_397 = tpu.vector_load %arg11[%get3A_395, %get3A_396] {strides = array<i32>} : memref<80x256xf32, #tpu.memory_space<vmem>>, vector<1x16xf32>,
        %get3A_398 = vector.shape_cast %get3A_397 : vector<1x16xf32> to vector<16xf32>
        %mul3A_399 = arith.mulf %get3A_398, %add3A_394 : vector<16xf32>
        %swap3A = arith.index_cast %scan3A_85 : i32 to index
        %swap3A_400 = arith.constant 0 : index
        %swap3A_401 = tpu.vector_load %arg13[%swap3A, %swap3A_400] {strides = array<i32>} : memref<80x128xf32, #tpu.memory_space<vmem>>, vector<1x16xf32>,
        %swap3A_402 = vector.shape_cast %swap3A_401 : vector<1x16xf32> to vector<16xf32>
        %swap3A_403 = vector.shape_cast %mul3A_399 : vector<16xf32> to vector<1x16xf32>
        tpu.vector_store %arg13[%swap3A, %swap3A_400], %swap3A_403 {strides = array<i32>} : memref<80x128xf32, #tpu.memory_space<vmem>>, vector<1x16xf32>,
        %get3A_404 = arith.index_cast %scan3A_85 : i32 to index
        %get3A_405 = arith.constant 144 : index
        %get3A_406 = tpu.vector_load %arg11[%get3A_404, %get3A_405] {strides = array<i32>} : memref<80x256xf32, #tpu.memory_space<vmem>>, vector<1x16xf32>,
        %get3A_407 = vector.shape_cast %get3A_406 : vector<1x16xf32> to vector<16xf32>
        %mul3A_408 = arith.mulf %get3A_407, %add3A_394 : vector<16xf32>
        %swap3A_409 = arith.index_cast %scan3A_85 : i32 to index
        %swap3A_410 = arith.constant 16 : index
        %swap3A_411 = tpu.vector_load %arg13[%swap3A_409, %swap3A_410] {strides = array<i32>} : memref<80x128xf32, #tpu.memory_space<vmem>>, vector<1x16xf32>,
        %swap3A_412 = vector.shape_cast %swap3A_411 : vector<1x16xf32> to vector<16xf32>
        %swap3A_413 = vector.shape_cast %mul3A_408 : vector<16xf32> to vector<1x16xf32>
        tpu.vector_store %arg13[%swap3A_409, %swap3A_410], %swap3A_413 {strides = array<i32>} : memref<80x128xf32, #tpu.memory_space<vmem>>, vector<1x16xf32>,
        %get3A_414 = arith.index_cast %scan3A_85 : i32 to index
        %get3A_415 = arith.constant 160 : index
        %get3A_416 = tpu.vector_load %arg11[%get3A_414, %get3A_415] {strides = array<i32>} : memref<80x256xf32, #tpu.memory_space<vmem>>, vector<1x16xf32>,
        %get3A_417 = vector.shape_cast %get3A_416 : vector<1x16xf32> to vector<16xf32>
        %mul3A_418 = arith.mulf %get3A_417, %add3A_394 : vector<16xf32>
        %swap3A_419 = arith.index_cast %scan3A_85 : i32 to index
        %swap3A_420 = arith.constant 32 : index
        %swap3A_421 = tpu.vector_load %arg13[%swap3A_419, %swap3A_420] {strides = array<i32>} : memref<80x128xf32, #tpu.memory_space<vmem>>, vector<1x16xf32>,
        %swap3A_422 = vector.shape_cast %swap3A_421 : vector<1x16xf32> to vector<16xf32>
        %swap3A_423 = vector.shape_cast %mul3A_418 : vector<16xf32> to vector<1x16xf32>
        tpu.vector_store %arg13[%swap3A_419, %swap3A_420], %swap3A_423 {strides = array<i32>} : memref<80x128xf32, #tpu.memory_space<vmem>>, vector<1x16xf32>,
        %get3A_424 = arith.index_cast %scan3A_85 : i32 to index
        %get3A_425 = arith.constant 176 : index
        %get3A_426 = tpu.vector_load %arg11[%get3A_424, %get3A_425] {strides = array<i32>} : memref<80x256xf32, #tpu.memory_space<vmem>>, vector<1x16xf32>,
        %get3A_427 = vector.shape_cast %get3A_426 : vector<1x16xf32> to vector<16xf32>
        %mul3A_428 = arith.mulf %get3A_427, %add3A_394 : vector<16xf32>
        %swap3A_429 = arith.index_cast %scan3A_85 : i32 to index
        %swap3A_430 = arith.constant 48 : index
        %swap3A_431 = tpu.vector_load %arg13[%swap3A_429, %swap3A_430] {strides = array<i32>} : memref<80x128xf32, #tpu.memory_space<vmem>>, vector<1x16xf32>,
        %swap3A_432 = vector.shape_cast %swap3A_431 : vector<1x16xf32> to vector<16xf32>
        %swap3A_433 = vector.shape_cast %mul3A_428 : vector<16xf32> to vector<1x16xf32>
        tpu.vector_store %arg13[%swap3A_429, %swap3A_430], %swap3A_433 {strides = array<i32>} : memref<80x128xf32, #tpu.memory_space<vmem>>, vector<1x16xf32>,
        %get3A_434 = arith.index_cast %scan3A_85 : i32 to index
        %get3A_435 = arith.constant 192 : index
        %get3A_436 = tpu.vector_load %arg11[%get3A_434, %get3A_435] {strides = array<i32>} : memref<80x256xf32, #tpu.memory_space<vmem>>, vector<1x16xf32>,
        %get3A_437 = vector.shape_cast %get3A_436 : vector<1x16xf32> to vector<16xf32>
        %mul3A_438 = arith.mulf %get3A_437, %add3A_394 : vector<16xf32>
        %swap3A_439 = arith.index_cast %scan3A_85 : i32 to index
        %swap3A_440 = arith.constant 64 : index
        %swap3A_441 = tpu.vector_load %arg13[%swap3A_439, %swap3A_440] {strides = array<i32>} : memref<80x128xf32, #tpu.memory_space<vmem>>, vector<1x16xf32>,
        %swap3A_442 = vector.shape_cast %swap3A_441 : vector<1x16xf32> to vector<16xf32>
        %swap3A_443 = vector.shape_cast %mul3A_438 : vector<16xf32> to vector<1x16xf32>
        tpu.vector_store %arg13[%swap3A_439, %swap3A_440], %swap3A_443 {strides = array<i32>} : memref<80x128xf32, #tpu.memory_space<vmem>>, vector<1x16xf32>,
        %get3A_444 = arith.index_cast %scan3A_85 : i32 to index
        %get3A_445 = arith.constant 208 : index
        %get3A_446 = tpu.vector_load %arg11[%get3A_444, %get3A_445] {strides = array<i32>} : memref<80x256xf32, #tpu.memory_space<vmem>>, vector<1x16xf32>,
        %get3A_447 = vector.shape_cast %get3A_446 : vector<1x16xf32> to vector<16xf32>
        %mul3A_448 = arith.mulf %get3A_447, %add3A_394 : vector<16xf32>
        %swap3A_449 = arith.index_cast %scan3A_85 : i32 to index
        %swap3A_450 = arith.constant 80 : index
        %swap3A_451 = tpu.vector_load %arg13[%swap3A_449, %swap3A_450] {strides = array<i32>} : memref<80x128xf32, #tpu.memory_space<vmem>>, vector<1x16xf32>,
        %swap3A_452 = vector.shape_cast %swap3A_451 : vector<1x16xf32> to vector<16xf32>
        %swap3A_453 = vector.shape_cast %mul3A_448 : vector<16xf32> to vector<1x16xf32>
        tpu.vector_store %arg13[%swap3A_449, %swap3A_450], %swap3A_453 {strides = array<i32>} : memref<80x128xf32, #tpu.memory_space<vmem>>, vector<1x16xf32>,
        %get3A_454 = arith.index_cast %scan3A_85 : i32 to index
        %get3A_455 = arith.constant 224 : index
        %get3A_456 = tpu.vector_load %arg11[%get3A_454, %get3A_455] {strides = array<i32>} : memref<80x256xf32, #tpu.memory_space<vmem>>, vector<1x16xf32>,
        %get3A_457 = vector.shape_cast %get3A_456 : vector<1x16xf32> to vector<16xf32>
        %mul3A_458 = arith.mulf %get3A_457, %add3A_394 : vector<16xf32>
        %swap3A_459 = arith.index_cast %scan3A_85 : i32 to index
        %swap3A_460 = arith.constant 96 : index
        %swap3A_461 = tpu.vector_load %arg13[%swap3A_459, %swap3A_460] {strides = array<i32>} : memref<80x128xf32, #tpu.memory_space<vmem>>, vector<1x16xf32>,
        %swap3A_462 = vector.shape_cast %swap3A_461 : vector<1x16xf32> to vector<16xf32>
        %swap3A_463 = vector.shape_cast %mul3A_458 : vector<16xf32> to vector<1x16xf32>
        tpu.vector_store %arg13[%swap3A_459, %swap3A_460], %swap3A_463 {strides = array<i32>} : memref<80x128xf32, #tpu.memory_space<vmem>>, vector<1x16xf32>,
        %get3A_464 = arith.index_cast %scan3A_85 : i32 to index
        %get3A_465 = arith.constant 240 : index
        %get3A_466 = tpu.vector_load %arg11[%get3A_464, %get3A_465] {strides = array<i32>} : memref<80x256xf32, #tpu.memory_space<vmem>>, vector<1x16xf32>,
        %get3A_467 = vector.shape_cast %get3A_466 : vector<1x16xf32> to vector<16xf32>
        %mul3A_468 = arith.mulf %get3A_467, %add3A_394 : vector<16xf32>
        %swap3A_469 = arith.index_cast %scan3A_85 : i32 to index
        %swap3A_470 = arith.constant 112 : index
        %swap3A_471 = tpu.vector_load %arg13[%swap3A_469, %swap3A_470] {strides = array<i32>} : memref<80x128xf32, #tpu.memory_space<vmem>>, vector<1x16xf32>,
        %swap3A_472 = vector.shape_cast %swap3A_471 : vector<1x16xf32> to vector<16xf32>
        %swap3A_473 = vector.shape_cast %mul3A_468 : vector<16xf32> to vector<1x16xf32>
        tpu.vector_store %arg13[%swap3A_469, %swap3A_470], %swap3A_473 {strides = array<i32>} : memref<80x128xf32, #tpu.memory_space<vmem>>, vector<1x16xf32>,
        %scan3A_474 = arith.constant 0 : i32
        scf.yield %scan3A_474 : i32
      }
      %scan3A_83 = arith.constant 80 : i32
      "tpu.region"() ({
        %run_scoped3A = tpu.sem_alloc : memref<!tpu.dma_semaphore, #tpu.memory_space<semaphore_mem>>
        %dma_start3A_85 = arith.constant 0 : i32
        %dma_start3A_86 = arith.constant 0 : i32
        %dma_start3A_87 = tpu.memref_slice %arg15[%dma_start3A_85, %dma_start3A_86] : memref<10000x128xf32, #tpu.memory_space<vmem_shared>> -> memref<10000x128xf32, #tpu.memory_space<vmem_shared>>
        tpu.enqueue_indirect_dma source(%arg13 : memref<80x128xf32, #tpu.memory_space<vmem>>) target(%dma_start3A_87 : memref<10000x128xf32, #tpu.memory_space<vmem_shared>>) offsets(%arg10 : memref<80xi32, #tpu.memory_space<vmem>>) semaphore(%run_scoped3A : memref<!tpu.dma_semaphore, #tpu.memory_space<semaphore_mem>>) {add = true}
        %dma_wait3A_88 = arith.constant 0 : i32
        %dma_wait3A_89 = arith.constant 0 : i32
        %dma_wait3A_90 = tpu.memref_slice %arg15[%dma_wait3A_88, %dma_wait3A_89] : memref<10000x128xf32, #tpu.memory_space<vmem_shared>> -> memref<10000x128xf32, #tpu.memory_space<vmem_shared>>
        tpu.wait_indirect_dma semaphore(%run_scoped3A : memref<!tpu.dma_semaphore, #tpu.memory_space<semaphore_mem>>) src(%arg13 : memref<80x128xf32, #tpu.memory_space<vmem>>) dst(%dma_wait3A_90 : memref<10000x128xf32, #tpu.memory_space<vmem_shared>>)
        tpu.yield
      }) : () -> ()
      %scan3A_84 = arith.constant 0 : i32
      scf.yield %scan3A_84 : i32
    }
    %scan3A_45 = arith.constant 125 : i32
    %barrier3A_46 = arith.constant 0 : index
    tpu.barrier barrier_id(%barrier3A_46)
    %scan3A_47 = arith.constant 0 : i32
    %scan3A_48 = arith.constant 0 : i32
    %scan3A_49 = arith.constant 16 : i32
    %scan3A_50 = arith.addi %scan3A_48, %scan3A_49 : i32
    %scan3A_51 = arith.constant 1 : i32
    %scan3A_52 = scf.for %scan3A_54 = %scan3A_48 to %scan3A_50 step %scan3A_51 iter_args(%scan3A_55 = %scan3A_47) -> (i32)  : i32 {
      %mul3A_56 = arith.constant 40 : i32
      %mul3A_57 = arith.muli %scan3A_54, %mul3A_56 : i32
      %add3A_58 = arith.addi %min3A_10, %mul3A_57 : i32
      %min3A_59 = arith.constant 9960 : i32
      %min3A_60 = arith.minsi %add3A_58, %min3A_59 : i32
      "tpu.region"() ({
        %run_scoped3A = tpu.sem_alloc : memref<!tpu.dma_semaphore, #tpu.memory_space<semaphore_mem>>
        %dma_start3A = arith.constant 0 : i32
        %dma_start3A_62 = arith.constant 0 : i32
        %dma_start3A_63 = tpu.memref_slice %arg13[%dma_start3A, %dma_start3A_62] : memref<80x128xf32, #tpu.memory_space<vmem>> -> memref<40x128xf32, #tpu.memory_space<vmem>>
        %dma_start3A_64 = arith.constant 0 : i32
        %dma_start3A_65 = tpu.memref_slice %arg15[%min3A_60, %dma_start3A_64] : memref<10000x128xf32, #tpu.memory_space<vmem_shared>> -> memref<40x128xf32, #tpu.memory_space<vmem_shared>>
        %dma_start3A_66 = arith.constant 0 : i32
        %dma_start3A_67 = arith.constant 0 : i32
        %dma_start3A_68 = tpu.memref_slice %arg13[%dma_start3A_66, %dma_start3A_67] : memref<80x128xf32, #tpu.memory_space<vmem>> -> memref<40x128xf32, #tpu.memory_space<vmem>>
        %dma_start3A_69 = arith.constant 0 : i32
        %dma_start3A_70 = tpu.memref_slice %arg15[%min3A_60, %dma_start3A_69] : memref<10000x128xf32, #tpu.memory_space<vmem_shared>> -> memref<40x128xf32, #tpu.memory_space<vmem_shared>>
        tpu.enqueue_dma source(%dma_start3A_70 : memref<40x128xf32, #tpu.memory_space<vmem_shared>>) target(%dma_start3A_68 : memref<40x128xf32, #tpu.memory_space<vmem>>) target_semaphore(%run_scoped3A : memref<!tpu.dma_semaphore, #tpu.memory_space<semaphore_mem>>)
        %dma_wait3A = arith.constant 0 : i32
        %dma_wait3A_71 = arith.constant 0 : i32
        %dma_wait3A_72 = tpu.memref_slice %arg13[%dma_wait3A, %dma_wait3A_71] : memref<80x128xf32, #tpu.memory_space<vmem>> -> memref<40x128xf32, #tpu.memory_space<vmem>>
        %dma_wait3A_73 = arith.constant 0 : i32
        %dma_wait3A_74 = tpu.memref_slice %arg15[%min3A_60, %dma_wait3A_73] : memref<10000x128xf32, #tpu.memory_space<vmem_shared>> -> memref<40x128xf32, #tpu.memory_space<vmem_shared>>
        %dma_wait3A_75 = arith.constant 0 : i32
        %dma_wait3A_76 = arith.constant 0 : i32
        %dma_wait3A_77 = tpu.memref_slice %arg13[%dma_wait3A_75, %dma_wait3A_76] : memref<80x128xf32, #tpu.memory_space<vmem>> -> memref<40x128xf32, #tpu.memory_space<vmem>>
        %dma_wait3A_78 = arith.constant 0 : i32
        %dma_wait3A_79 = tpu.memref_slice %arg15[%min3A_60, %dma_wait3A_78] : memref<10000x128xf32, #tpu.memory_space<vmem_shared>> -> memref<40x128xf32, #tpu.memory_space<vmem_shared>>
        tpu.wait_dma2 semaphore(%run_scoped3A : memref<!tpu.dma_semaphore, #tpu.memory_space<semaphore_mem>>) src(%dma_wait3A_79 : memref<40x128xf32, #tpu.memory_space<vmem_shared>>) dst(%dma_wait3A_77 : memref<40x128xf32, #tpu.memory_space<vmem>>)
        tpu.yield
      }) : () -> ()
      "tpu.region"() ({
        %run_scoped3A = tpu.sem_alloc : memref<!tpu.dma_semaphore, #tpu.memory_space<semaphore_mem>>
        %dma_start3A = arith.constant 0 : i32
        %dma_start3A_62 = arith.constant 0 : i32
        %dma_start3A_63 = tpu.memref_slice %arg13[%dma_start3A, %dma_start3A_62] : memref<80x128xf32, #tpu.memory_space<vmem>> -> memref<40x128xf32, #tpu.memory_space<vmem>>
        %dma_start3A_64 = arith.constant 0 : i32
        %dma_start3A_65 = tpu.memref_slice %arg8[%arg0, %min3A_60, %dma_start3A_64] : memref<2x10000x128xf32, #tpu.memory_space<hbm>> -> memref<1x40x128xf32, #tpu.memory_space<hbm>>
        %dma_start3A_66 = tpu.memref_squeeze %dma_start3A_65 : memref<1x40x128xf32, #tpu.memory_space<hbm>> -> memref<40x128xf32, #tpu.memory_space<hbm>>
        %dma_start3A_67 = arith.constant 0 : i32
        %dma_start3A_68 = tpu.memref_slice %arg8[%arg0, %min3A_60, %dma_start3A_67] : memref<2x10000x128xf32, #tpu.memory_space<hbm>> -> memref<1x40x128xf32, #tpu.memory_space<hbm>>
        %dma_start3A_69 = tpu.memref_squeeze %dma_start3A_68 : memref<1x40x128xf32, #tpu.memory_space<hbm>> -> memref<40x128xf32, #tpu.memory_space<hbm>>
        %dma_start3A_70 = arith.constant 0 : i32
        %dma_start3A_71 = arith.constant 0 : i32
        %dma_start3A_72 = tpu.memref_slice %arg13[%dma_start3A_70, %dma_start3A_71] : memref<80x128xf32, #tpu.memory_space<vmem>> -> memref<40x128xf32, #tpu.memory_space<vmem>>
        tpu.enqueue_dma source(%dma_start3A_72 : memref<40x128xf32, #tpu.memory_space<vmem>>) target(%dma_start3A_69 : memref<40x128xf32, #tpu.memory_space<hbm>>) target_semaphore(%run_scoped3A : memref<!tpu.dma_semaphore, #tpu.memory_space<semaphore_mem>>)
        %dma_wait3A = arith.constant 0 : i32
        %dma_wait3A_73 = arith.constant 0 : i32
        %dma_wait3A_74 = tpu.memref_slice %arg13[%dma_wait3A, %dma_wait3A_73] : memref<80x128xf32, #tpu.memory_space<vmem>> -> memref<40x128xf32, #tpu.memory_space<vmem>>
        %dma_wait3A_75 = arith.constant 0 : i32
        %dma_wait3A_76 = tpu.memref_slice %arg8[%arg0, %min3A_60, %dma_wait3A_75] : memref<2x10000x128xf32, #tpu.memory_space<hbm>> -> memref<1x40x128xf32, #tpu.memory_space<hbm>>
        %dma_wait3A_77 = tpu.memref_squeeze %dma_wait3A_76 : memref<1x40x128xf32, #tpu.memory_space<hbm>> -> memref<40x128xf32, #tpu.memory_space<hbm>>
        %dma_wait3A_78 = arith.constant 0 : i32
        %dma_wait3A_79 = tpu.memref_slice %arg8[%arg0, %min3A_60, %dma_wait3A_78] : memref<2x10000x128xf32, #tpu.memory_space<hbm>> -> memref<1x40x128xf32, #tpu.memory_space<hbm>>
        %dma_wait3A_80 = tpu.memref_squeeze %dma_wait3A_79 : memref<1x40x128xf32, #tpu.memory_space<hbm>> -> memref<40x128xf32, #tpu.memory_space<hbm>>
        %dma_wait3A_81 = arith.constant 0 : i32
        %dma_wait3A_82 = arith.constant 0 : i32
        %dma_wait3A_83 = tpu.memref_slice %arg13[%dma_wait3A_81, %dma_wait3A_82] : memref<80x128xf32, #tpu.memory_space<vmem>> -> memref<40x128xf32, #tpu.memory_space<vmem>>
        tpu.wait_dma2 semaphore(%run_scoped3A : memref<!tpu.dma_semaphore, #tpu.memory_space<semaphore_mem>>) src(%dma_wait3A_83 : memref<40x128xf32, #tpu.memory_space<vmem>>) dst(%dma_wait3A_80 : memref<40x128xf32, #tpu.memory_space<hbm>>)
        tpu.yield
      }) : () -> ()
      %scan3A_61 = arith.constant 0 : i32
      scf.yield %scan3A_61 : i32
    }
    %scan3A_53 = arith.constant 16 : i32
    return
  }
}

module attributes {stable_mosaic.version = 14 : i64} {
  func.func @_p2_body(%arg0: i32, %arg1: memref<2000x128xf32, #tpu.memory_space<vmem>>, %arg2: memref<128x256xf32, #tpu.memory_space<vmem>>, %arg3: memref<2000x128xf32, #tpu.memory_space<vmem>>) attributes {dimension_semantics = [#tpu.dimension_semantics<arbitrary>], iteration_bounds = array<i64: 160>, scalar_prefetch = 0 : i64, scratch_operands = 0 : i64, tpu.core_type = #tpu.core_type<tc>, window_params = [{transform_indices = @transform_0, window_bounds = array<i64: 2000, 128>}, {pipeline_mode = #tpu.pipeline_mode<synchronous>, transform_indices = @transform_1, window_bounds = array<i64: 128, 256>}, {transform_indices = @transform_2, window_bounds = array<i64: 2000, 128>}]} {
    %get3A = arith.constant 0 : index
    %get3A_0 = arith.constant 0 : index
    %get3A_1 = vector.load %arg1[%get3A, %get3A_0] : memref<2000x128xf32, #tpu.memory_space<vmem>>, vector<2000x128xf32>
    %get3A_2 = arith.constant 0 : index
    %get3A_3 = arith.constant 128 : index
    %get3A_4 = vector.load %arg2[%get3A_2, %get3A_3] : memref<128x256xf32, #tpu.memory_space<vmem>>, vector<128x128xf32>
    %dot_general3A = arith.constant dense<0.000000e+00> : vector<2000x128xf32>
    %dot_general3A_5 = tpu.matmul %get3A_1, %get3A_4, %dot_general3A {dimension_numbers = #tpu.dot_dimension_numbers<[1], [1], [0], [0], [0, 0, 1, 0], [], []>, transpose_lhs_hint = false} : vector<2000x128xf32>, vector<128x128xf32>, vector<2000x128xf32> -> vector<2000x128xf32>
    %swap3A = arith.constant 0 : index
    %swap3A_6 = arith.constant 0 : index
    %swap3A_7 = vector.load %arg3[%swap3A, %swap3A_6] : memref<2000x128xf32, #tpu.memory_space<vmem>>, vector<2000x128xf32>
    tpu.vector_store %arg3[%swap3A, %swap3A_6], %dot_general3A_5 {strides = array<i32>} : memref<2000x128xf32, #tpu.memory_space<vmem>>, vector<2000x128xf32>,
    return
  }
  func.func @transform_0(%arg0: i32) -> (i32, i32) {
    %c0_i32 = arith.constant 0 : i32
    %c0_i32_0 = arith.constant 0 : i32
    return %arg0, %c0_i32 : i32, i32
  }
  func.func @transform_1(%arg0: i32) -> (i32, i32) {
    %c0_i32 = arith.constant 0 : i32
    %c0_i32_0 = arith.constant 0 : i32
    %c0_i32_1 = arith.constant 0 : i32
    return %c0_i32, %c0_i32_0 : i32, i32
  }
  func.func @transform_2(%arg0: i32) -> (i32, i32) {
    %c0_i32 = arith.constant 0 : i32
    %c0_i32_0 = arith.constant 0 : i32
    return %arg0, %c0_i32 : i32, i32
  }
}

module attributes {stable_mosaic.version = 14 : i64} {
  func.func @_combine_body(%arg0: i32, %arg1: memref<2x1000x128xf32, #tpu.memory_space<vmem>>, %arg2: memref<128x256xf32, #tpu.memory_space<vmem>>, %arg3: memref<1000x256xf32, #tpu.memory_space<vmem>>) attributes {dimension_semantics = [#tpu.dimension_semantics<arbitrary>], iteration_bounds = array<i64: 10>, scalar_prefetch = 0 : i64, scratch_operands = 0 : i64, tpu.core_type = #tpu.core_type<tc>, window_params = [{transform_indices = @transform_0, window_bounds = array<i64: 2, 1000, 128>}, {pipeline_mode = #tpu.pipeline_mode<synchronous>, transform_indices = @transform_1, window_bounds = array<i64: 128, 256>}, {transform_indices = @transform_2, window_bounds = array<i64: 1000, 256>}]} {
    %get3A = arith.constant 0 : index
    %get3A_0 = arith.constant 0 : index
    %get3A_1 = arith.constant 0 : index
    %get3A_2 = vector.load %arg1[%get3A, %get3A_0, %get3A_1] : memref<2x1000x128xf32, #tpu.memory_space<vmem>>, vector<1x1000x128xf32>
    %get3A_3 = vector.shape_cast %get3A_2 : vector<1x1000x128xf32> to vector<1000x128xf32>
    %get3A_4 = arith.constant 1 : index
    %get3A_5 = arith.constant 0 : index
    %get3A_6 = arith.constant 0 : index
    %get3A_7 = vector.load %arg1[%get3A_4, %get3A_5, %get3A_6] : memref<2x1000x128xf32, #tpu.memory_space<vmem>>, vector<1x1000x128xf32>
    %get3A_8 = vector.shape_cast %get3A_7 : vector<1x1000x128xf32> to vector<1000x128xf32>
    %slice3A = vector.extract_strided_slice %get3A_8 {offsets = [0, 0], sizes = [1000, 1], strides = [1, 1]} : vector<1000x128xf32> to vector<1000x1xf32>
    %add3A = arith.constant 1.000000e-16 : f32
    %add3A_9 = vector.broadcast %add3A : f32 to vector<1000x1xf32>
    %add3A_10 = arith.addf %slice3A, %add3A_9 : vector<1000x1xf32>
    %div3A = vector.broadcast %add3A_10 : vector<1000x1xf32> to vector<1000x128xf32>
    %div3A_11 = arith.divf %get3A_3, %div3A : vector<1000x128xf32>
    %get3A_12 = arith.constant 0 : index
    %get3A_13 = arith.constant 0 : index
    %get3A_14 = vector.load %arg2[%get3A_12, %get3A_13] : memref<128x256xf32, #tpu.memory_space<vmem>>, vector<128x128xf32>
    %dot_general3A = arith.constant dense<0.000000e+00> : vector<1000x128xf32>
    %dot_general3A_15 = tpu.matmul %div3A_11, %get3A_14, %dot_general3A {dimension_numbers = #tpu.dot_dimension_numbers<[1], [1], [0], [0], [0, 0, 1, 0], [], []>, transpose_lhs_hint = false} : vector<1000x128xf32>, vector<128x128xf32>, vector<1000x128xf32> -> vector<1000x128xf32>
    %swap3A = arith.constant 0 : index
    %swap3A_16 = arith.constant 0 : index
    %swap3A_17 = vector.load %arg3[%swap3A, %swap3A_16] : memref<1000x256xf32, #tpu.memory_space<vmem>>, vector<1000x128xf32>
    tpu.vector_store %arg3[%swap3A, %swap3A_16], %dot_general3A_15 {strides = array<i32>} : memref<1000x256xf32, #tpu.memory_space<vmem>>, vector<1000x128xf32>,
    %swap3A_18 = arith.constant 0 : index
    %swap3A_19 = arith.constant 128 : index
    %swap3A_20 = vector.load %arg3[%swap3A_18, %swap3A_19] : memref<1000x256xf32, #tpu.memory_space<vmem>>, vector<1000x128xf32>
    tpu.vector_store %arg3[%swap3A_18, %swap3A_19], %div3A_11 {strides = array<i32>} : memref<1000x256xf32, #tpu.memory_space<vmem>>, vector<1000x128xf32>,
    return
  }
  func.func @transform_0(%arg0: i32) -> (i32, i32, i32) {
    %c0_i32 = arith.constant 0 : i32
    %c0_i32_0 = arith.constant 0 : i32
    %c0_i32_1 = arith.constant 0 : i32
    return %c0_i32, %arg0, %c0_i32_0 : i32, i32, i32
  }
  func.func @transform_1(%arg0: i32) -> (i32, i32) {
    %c0_i32 = arith.constant 0 : i32
    %c0_i32_0 = arith.constant 0 : i32
    %c0_i32_1 = arith.constant 0 : i32
    return %c0_i32, %c0_i32_0 : i32, i32
  }
  func.func @transform_2(%arg0: i32) -> (i32, i32) {
    %c0_i32 = arith.constant 0 : i32
    %c0_i32_0 = arith.constant 0 : i32
    return %arg0, %c0_i32 : i32, i32
  }
}

module attributes {stable_mosaic.version = 14 : i64} {
  func.func @_add_body(%arg0: i32, %arg1: memref<2x1000x128xf32, #tpu.memory_space<vmem>>, %arg2: memref<1000x128xf32, #tpu.memory_space<vmem>>) attributes {dimension_semantics = [#tpu.dimension_semantics<arbitrary>], iteration_bounds = array<i64: 10>, scalar_prefetch = 0 : i64, scratch_operands = 0 : i64, tpu.core_type = #tpu.core_type<tc>, window_params = [{transform_indices = @transform_0, window_bounds = array<i64: 2, 1000, 128>}, {transform_indices = @transform_1, window_bounds = array<i64: 1000, 128>}]} {
    %get3A = arith.constant 0 : index
    %get3A_0 = arith.constant 0 : index
    %get3A_1 = arith.constant 0 : index
    %get3A_2 = vector.load %arg1[%get3A, %get3A_0, %get3A_1] : memref<2x1000x128xf32, #tpu.memory_space<vmem>>, vector<1x1000x128xf32>
    %get3A_3 = vector.shape_cast %get3A_2 : vector<1x1000x128xf32> to vector<1000x128xf32>
    %get3A_4 = arith.constant 1 : index
    %get3A_5 = arith.constant 0 : index
    %get3A_6 = arith.constant 0 : index
    %get3A_7 = vector.load %arg1[%get3A_4, %get3A_5, %get3A_6] : memref<2x1000x128xf32, #tpu.memory_space<vmem>>, vector<1x1000x128xf32>
    %get3A_8 = vector.shape_cast %get3A_7 : vector<1x1000x128xf32> to vector<1000x128xf32>
    %add3A = arith.addf %get3A_3, %get3A_8 : vector<1000x128xf32>
    %swap3A = arith.constant 0 : index
    %swap3A_9 = arith.constant 0 : index
    %swap3A_10 = vector.load %arg2[%swap3A, %swap3A_9] : memref<1000x128xf32, #tpu.memory_space<vmem>>, vector<1000x128xf32>
    tpu.vector_store %arg2[%swap3A, %swap3A_9], %add3A {strides = array<i32>} : memref<1000x128xf32, #tpu.memory_space<vmem>>, vector<1000x128xf32>,
    return
  }
  func.func @transform_0(%arg0: i32) -> (i32, i32, i32) {
    %c0_i32 = arith.constant 0 : i32
    %c0_i32_0 = arith.constant 0 : i32
    %c0_i32_1 = arith.constant 0 : i32
    return %c0_i32, %arg0, %c0_i32_0 : i32, i32, i32
  }
  func.func @transform_1(%arg0: i32) -> (i32, i32) {
    %c0_i32 = arith.constant 0 : i32
    %c0_i32_0 = arith.constant 0 : i32
    return %arg0, %c0_i32 : i32, i32
  }
}

</mosaic_0001>

<sc_bundles>
// kernel: kernel.10.cloned.1.call-start
scs
__scs_entry_jumppad:
0x0: {  	(pc) =	sbr.rel $0x88, $3  }
0x1: {  	(tag) =	ssettag $0x0;
	lr =	simm.s32 $0x1  }
0x2: {  	[smem:$0x3F9A] =	sst lr;
	_ =	strace $0xD0000000  }
0x3: {  	_ = 	snop  }
0x4: {  	_ = 	snop  }
0x5: {  	_ = 	snop  }
0x6: {  	_ = 	snop  }
0x7: {  	_ = 	snop  }
__scs_overlays_trampoline_lowered:
0x8: {  	[smem:$0x3FA9] =	sst s0  }
0x9: {  	[smem:$0x3FAA] =	sst s1  }
0xa: {  	[smem:$0x3FAB] =	sst s2  }
0xb: {  	[smem:$0x3FAC] =	sst s3  }
0xc: {  	[smem:$0x3FAD] =	sst s4  }
0xd: {  	[smem:$0x3FAE] =	sst s5  }
0xe: {  	[smem:$0x3FAF] =	sst s6  }
0xf: {  	[smem:$0x3FB0] =	sst s7  }
0x10: {  	[smem:$0x3FB1] =	sst s8  }
0x11: {  	[smem:$0x3FB2] =	sst s9;
	s0 =	simm.s32 @!p0 $0x0  }
0x12: {  	s1 =	sld [smem:$0x3F98];
	s0 =	simm.s32 @p0 $0x1  }
0x13: {  	[smem:$0x3FB3] =	sst s0;
	s0 =	simm.s32 @!p1 $0x0  }
0x14: {  	s2 =	sld [smem:$0x3F97];
	s0 =	simm.s32 @p1 $0x1  }
0x15: {  	[smem:$0x3FB4] =	sst s0;
	s0 =	simm.s32 @!p2 $0x0  }
0x16: {  	s3 =	sld [smem:$0x3FDB];
	s0 =	simm.s32 @p2 $0x1  }
0x17: {  	s4 =	simm.s32 $0x1BF5;
	[smem:$0x3FB6] =	sst s0  }
0x18: {  	s0 =	sld [smem:$0x3F99];
	_ =	swait.ge [sflag:s4], $0x0  }
0x19: {  	s7 =	sld [smem:$0x3F9A]  }
0x1a: {  	s8 =	sadd.s32 $0xFFFFE003, lr  }
0x1b: {  	s9 =	sadd.s32 $0xFFFFFEF7, lr;
	s5 =	simm.s32 $0xFFFFFFFF;
	p2 =	slt.u32 s8, $0xFFFFF086  }
0x1c: {  	p1 =	slt.u32 s9, $0xF7A;
	s5 =	simm.s32 @!p2 $0x0  }
0x1d: {  	s5 =	simm.s32 @p1 $0x1;
	p0 =	seq.s32 s7, s2  }
0x1e: {  	s7 =	smul.u32 @!p0 $0xF7A, s2;
	p2 =	seq.s32 @!p0 s5, $0x0  }
0x1f: {  	s9 =	smul.u32 $0xF7A, s1;
	s8 =	simm.s32 @!p0 $0x1BF5;
	p2 =	por !p2, p0  }
0x20: {  	[sflag:s8] =	ssyncset.s32 @!p0 $0xFFFFF086;
	s6 =	sadd.s32 @!p0 s3, s7;
	s7 =	simm.s32 @!p0 $0x108  }
0x21: {  	s3 =	sadd.s32 s3, s9;
	s6 =	sadd.s32 @!p0 $0x88, s6;
	s7 =	simm.s32 @p2 $0x1082  }
0x22: {  	[simem:s7], [sflag:s8] =	dma.local @!p0 [hbm:s6], $0xF7A  }
0x23: {  	s9 =	sor.u32 $0xD0000000, s2;
	s6 =	simm.s32 $0x108;
	_ =	swait.ge @!p0 [sflag:s8], $0x0  }
0x24: {  	s3 =	sadd.s32 $0x88, s3;
	s6 =	simm.s32 @!p1 $0x1082;
	[sflag:s4] =	ssyncset.s32 $0xFFFFF086  }
0x25: {  	[simem:s6], [sflag:s4] =	dma.local [hbm:s3], $0xF7A  }
0x26: {  	[smem:$0x3F9A] =	sst s1;
	(tag) =	ssettag s2;
	_ =	strace s9  }
0x27: {  	s1 =	sld [smem:$0x3FAA]  }
0x28: {  	s2 =	sld [smem:$0x3FAB]  }
0x29: {  	s4 =	sld [smem:$0x3FAD]  }
0x2a: {  	p0 =	seq.s32 s5, $0x0;
	s5 =	sld [smem:$0x3FAE]  }
0x2b: {  	s6 =	sld [smem:$0x3FAF]  }
0x2c: {  	s7 =	sld [smem:$0x3FB0]  }
0x2d: {  	s3 =	simm.s32 $0x108;
	s8 =	sld [smem:$0x3FB1]  }
0x2e: {  	s3 =	simm.s32 @!p0 $0x1082;
	s9 =	sld [smem:$0x3FB2]  }
0x2f: {  	lr =	sadd.s32 s0, s3;
	s0 =	sld [smem:$0x3FA9]  }
0x30: {  	s3 =	sld [smem:$0x3FAC]  }
0x31: {  	[smem:$0x3FB5] =	sst s10  }
0x32: {  	s10 =	sld [smem:$0x3FB3];
	_ =	sdelay $0x3  }
0x33: {  	p0 =	seq.s32 s10, $0x1;
	s10 =	sld [smem:$0x3FB5];
	_ =	sdelay $0x3  }
0x34: {  	[smem:$0x3FB5] =	sst s10  }
0x35: {  	s10 =	sld [smem:$0x3FB4];
	_ =	sdelay $0x3  }
0x36: {  	p1 =	seq.s32 s10, $0x1;
	s10 =	sld [smem:$0x3FB5];
	_ =	sdelay $0x3  }
0x37: {  	[smem:$0x3FB5] =	sst s10  }
0x38: {  	s10 =	sld [smem:$0x3FB6]  }
0x39: {  	_ = 	snop;
	(pc) =	sbr.ind lr, $3  }
0x3a: {  	_ = 	snop  }
0x3b: {  	_ = 	snop  }
0x3c: {  	p2 =	seq.s32 s10, $0x1;
	s10 =	sld [smem:$0x3FB5]  }
0x3d: {  	_ =	shalt  }
0x3e: {  	_ =	shalt  }
0x3f: {  	_ =	shalt  }
0x40: {  	_ =	shalt  }
0x41: {  	_ =	shalt  }
0x42: {  	_ =	shalt  }
0x43: {  	_ =	shalt  }
0x44: {  	_ =	shalt  }
0x45: {  	_ =	shalt  }
0x46: {  	_ =	shalt  }
0x47: {  	_ =	shalt  }
0x48: {  	_ =	shalt  }
0x49: {  	_ =	shalt  }
0x4a: {  	_ =	shalt  }
0x4b: {  	_ =	shalt  }
0x4c: {  	_ =	shalt  }
0x4d: {  	_ =	shalt  }
0x4e: {  	_ =	shalt  }
0x4f: {  	_ =	shalt  }
0x50: {  	_ =	shalt  }
0x51: {  	_ =	shalt  }
0x52: {  	_ =	shalt  }
0x53: {  	_ =	shalt  }
0x54: {  	_ =	shalt  }
0x55: {  	_ =	shalt  }
0x56: {  	_ =	shalt  }
0x57: {  	_ =	shalt  }
0x58: {  	_ =	shalt  }
0x59: {  	_ =	shalt  }
0x5a: {  	_ =	shalt  }
0x5b: {  	_ =	shalt  }
0x5c: {  	_ =	shalt  }
0x5d: {  	_ =	shalt  }
0x5e: {  	_ =	shalt  }
0x5f: {  	_ =	shalt  }
0x60: {  	_ =	shalt  }
0x61: {  	_ =	shalt  }
0x62: {  	_ =	shalt  }
0x63: {  	_ =	shalt  }
0x64: {  	_ =	shalt  }
0x65: {  	_ =	shalt  }
0x66: {  	_ =	shalt  }
0x67: {  	_ =	shalt  }
0x68: {  	_ =	shalt  }
0x69: {  	_ =	shalt  }
0x6a: {  	_ =	shalt  }
0x6b: {  	_ =	shalt  }
0x6c: {  	_ =	shalt  }
0x6d: {  	_ =	shalt  }
0x6e: {  	_ =	shalt  }
0x6f: {  	_ =	shalt  }
0x70: {  	_ =	shalt  }
0x71: {  	_ =	shalt  }
0x72: {  	_ =	shalt  }
0x73: {  	_ =	shalt  }
0x74: {  	_ =	shalt  }
0x75: {  	_ =	shalt  }
0x76: {  	_ =	shalt  }
0x77: {  	_ =	shalt  }
0x78: {  	_ =	shalt  }
0x79: {  	_ =	shalt  }
0x7a: {  	_ =	shalt  }
0x7b: {  	_ =	shalt  }
0x7c: {  	_ =	shalt  }
0x7d: {  	_ =	shalt  }
0x7e: {  	_ =	shalt  }
0x7f: {  	_ =	shalt  }
0x80: {  	_ =	shalt  }
0x81: {  	_ =	shalt  }
0x82: {  	_ =	shalt  }
0x83: {  	_ =	shalt  }
0x84: {  	_ =	shalt  }
0x85: {  	_ =	shalt  }
0x86: {  	_ =	shalt  }
0x87: {  	_ =	shalt  }
.Lfunc_end0:
.L_simem_size_0:
called_computation.1_lowered:
.L_overlay_start_0:
0x88: {  	s2 =	sld [smem:$0x3FD9]  }
0x89: {  	s3 =	sld [smem:$0x3FFE];
	_ =	sdelay $0x1  }
0x8a: {  	s1 =	srdreg.scid  }
0x8b: {  	s0 =	sand.u32 $0x1, s1  }
0x8c: {  	s17 =	sshll.u32 s0, $0xA;
	s2 =	sadd.s32 s3, s2  }
0x8d: {  	s2 =	sadd.s32 s2, s17  }
0x8e: {  	[smem:$0x3FC1] =	sst s2  }
0x8f: {  	_ = 	snop  }
0x90: {  	s2 =	sld [smem:$0x3FC7];
	(tm) =	ssettm $0x1  }
0x91: {  	s18 =	sld [smem:$0x3FFB];
	_ =	sdelay $0x3  }
0x92: {  	_ =	strace s18  }
0x93: {  	s3 =	sld [smem:$0x3FFC];
	_ =	sdelay $0x3  }
0x94: {  	_ =	strace s3  }
0x95: {  	s3 =	sld [smem:$0x3FFD];
	_ =	sdelay $0x3  }
0x96: {  	_ =	strace s3  }
0x97: {  	_ =	strace $0x8FFFFFFF  }
0x98: {  	s19 =	sld [smem:$0x3FDB];
	_ =	sdelay $0x1  }
0x99: {  	s4 =	simm.s32 $_scs_section_size  }
0x9a: {  	s5 =	simm.s32 $_size__tile_overlayer_lowered;
	s6 =	simm.s32 $_tile_overlayer_lowered  }
0x9b: {  	s22 =	simm.s32 $0x1BFF;
	s21 =	sshll.u32 s6, $0x1;
	s3 =	sadd.s32 s4, s19  }
0x9c: {  	s7 =	simm.s32 $0x0;
	s20 =	sshll.u32 s5, $0x1;
	s5 =	sadd.s32 s21, s3  }
0x9d: {  	[timem:s7], [sflag:s22] =	dma.local [hbm:s5], s20  }
0x9e: {  	_ =	swait.ge [sflag:s22], s20  }
0x9f: {  	s4 =	ssub.s32 $0x0, s20;
	[sflag:s22] =	ssyncset.done $0x0  }
0xa0: {  	[sflag:s22] =	ssyncadd.s32 s4;
	_ =	sdelay $0x1  }
0xa1: {  	s23 =	simm.s32 $0x1B8B  }
0xa2: {  	_ =	swait.ge [sflag:s23], $0x1  }
0xa3: {  	[sflag:s23] =	ssyncset.done $0x0  }
0xa4: {  	s25 =	simm.s32 $0x1B8E;
	s24 =	sld [smem:$0x3FFE];
	[sflag:s23] =	ssyncadd.s32 $0xFFFFFFFF  }
0xa5: {  	s26 =	simm.s32 $execute0_lowered;
	[smem:$0x3FD2] =	sst s25  }
0xa6: {  	s5 =	sshll.u32 s26, $0x1;
	_ =	strace $0x80000049;
	[dreg:$0x1] =	wrdreg $0xFFFFFFFF  }
0xa7: {  	s28 =	simm.s32 $_size_execute0_lowered;
	s3 =	sadd.s32 s3, s5;
	[dreg:$0x0] =	wrdreg $0x0  }
0xa8: {  	s5 =	sshll.u32 s28, $0x1;
	[dreg:$0x2] =	wrdreg s3  }
0xa9: {  	[dreg:$0x3] =	wrdreg s5  }
0xaa: {  	[dreg:$0x4] =	wrdreg $0xC0  }
0xab: {  	_ =	task [dreg:s7], $0x5FFFF  }
0xac: {  	[dreg:$0x1] =	wrdreg $0xFFFFFFFF  }
0xad: {  	[dreg:$0x0] =	wrdreg $0x60  }
0xae: {  	[dreg:$0x2] =	wrdreg s24  }
0xaf: {  	[dreg:$0x3] =	wrdreg s2  }
0xb0: {  	[dreg:$0x4] =	wrdreg $0xA5000  }
0xb1: {  	[dreg:$0x5] =	wrdreg $0x9  }
0xb2: {  	_ =	task.clear_ibuf [dreg:s7], $0x6FFFF;
	_ =	strace $0x90000049  }
0xb3: {  	s29 =	simm.s32 $0x9;
	_ =	strace $0x8000004B  }
0xb4: {  	_ =	swait.ge [sflag:s29], $0x1  }
0xb5: {  	[sflag:s29] =	ssyncadd.s32 $0xFFFFFFFF  }
0xb6: {  	_ =	strace $0x9000004B  }
0xb7: {  	_ =	sfence  }
0xb8: {  	s30 =	sld [smem:$0x0];
	_ =	sdelay $0x2  }
0xb9: {  	s31 =	sshll.u32 s1, $0xD;
	s1 =	sshrl.u32 s1, $0x2  }
0xba: {  	s3 =	sand.u32 $0x4000, s31;
	s1 =	sadd.s32 s1, s30  }
0xbb: {  	s0 =	sor.u32 s3, s0;
	s1 =	sshll.u32 s1, $0x11  }
0xbc: {  	s0 =	sor.u32 s1, s0  }
0xbd: {  	s0 =	sadd.s32 $0x8F2B, s0  }
0xbe: {  	[sflag:s0] =	ssyncadd.remote.s32 $0x1  }
0xbf: {  	_ =	sfence.sel $0xFFFF  }
0xc0: {  	[dreg:$0x0] =	wrdreg $0xFFFFFFFF;
	(pc) =	sbr.abs _section_cstart, $3  }
0xc1: {  	[dreg:$0x1] =	wrdreg $0xFFFFFFFF  }
0xc2: {  	_ =	task.clear_ibuf [dreg:s7], $0x2FFFF;
	_ =	strace $0x9FFFFFFF  }
0xc3: {  	(tm) =	ssettm $0x7FFFFFFF  }
tec
execute0_lowered:
.L_overlay_start_1:
0x0: {  	(tag) =	ssettag $0x1  }
0x1: {  	s0 =	rddreg [dreg:$0x0]  }
0x2: {  	s2 =	rddreg [dreg:$0x2];
	s3 =	simm.s32 $0x0;
	s1 =	srdreg.scid  }
0x3: {  	s10 =	stileid.u32;
	s15 =	simm.s32 $0x7900;
	s16 =	simm.s32 $0x3  }
0x4: {  	s18 =	simm.s32 $0x80;
	s19 =	simm.s32 $0x1;
	s20 =	simm.s32 $0x2  }
0x5: {  	s29 =	simm.s32 $0x3900;
	s30 =	simm.s32 $0x4100;
	s31 =	simm.s32 $0x4900  }
0x6: {  	[smem:$0x7FF] =	sst s3;
	s4 =	sadd.s32 $0xA400, s0;
	s7 =	sadd.s32 $0x544400, s0  }
0x7: {  	s5 =	sadd.s32 $0x58600, s0;
	s8 =	sadd.s32 $0x53A600, s0;
	s6 =	sadd.s32 $0xA200, s0  }
0x8: {  	s1 =	sand.u32 $0x1, s1;
	s9 =	sshll.u32 s10, $0x1;
	s11 =	smul.u32 $0x278, s10  }
0x9: {  	s10 =	sadd.s32 $0x54E200, s0;
	_ =	strace $0x8000004A;
	s26 =	ssub.s32 $0x2, s1  }
0xa: {  	[dreg:$0x4] =	wrdreg s6;
	s9 =	sor.u32 s1, s9;
	s28 =	sshrl.u32 s26, $0x1  }
0xb: {  	v3 =	vlaneseq.u32;
	s13 =	smul.u32 $0x138800, s1;
	s6 =	simm.s32 $0x5100;
	s0 =	ssub.s32 s26, s28  }
0xc: {  	v0 =	vimm.f32 $0.0e+00;
	vm0 =	vmmov $0xffff;
	v2 =	vshrl.u32 v3, $0x3;
	s11 =	smin.u32 s11, $0x2498;
	s12 =	smul.u32 $0x2710, s9;
	s0 =	smax.u32 s0, $0x1  }
0xd: {  	v1 =	vand.u32 $0x7, v3;
	v3 =	vor.u32 $0x8, v3;
	v2 =	vmul.u32 $0x8, v2;
	s9 =	simm.s32 $0x0;
	[dreg:$0x5] =	wrdreg s0;
	s0 =	simm.s32 $0x50  }
.LBB2_1:
0xe: {  	[dreg:$0x6] =	wrdreg s9;
	s1 =	simm.s32 $0x0;
	s9 =	simm.s32 $0x200  }
.LBB2_2:
0xf: {  	p0 =	sne.s32 s9, $0x9E00;
	[tilespmem:s1+$0x7970] =	vst v0  }
0x10: {  	[tilespmem:s1+$0x7900] =	vst v0  }
0x11: {  	[tilespmem:s1+$0x7910] =	vst v0  }
.Ltmp0:
0x12: {  	[tilespmem:s1+$0x7920] =	vst v0;
	(pc) =	sbr.rel @p0 .LBB2_2-.Ltmp0, $4  }
0x13: {  	[tilespmem:s1+$0x7930] =	vst v0  }
0x14: {  	[tilespmem:s1+$0x7940] =	vst v0  }
0x15: {  	[tilespmem:s1+$0x7950] =	vst v0  }
0x16: {  	[tilespmem:s1+$0x7960] =	vst v0;
	s1 =	sshra.s32 s9, $0x2;
	s9 =	sadd.s32 $0x200, s9  }
0x17: {  	[tilespmem:s1+$0x7970] =	vst v0  }
0x18: {  	[tilespmem:s1+$0x7900] =	vst v0  }
0x19: {  	[tilespmem:s1+$0x7910] =	vst v0;
	s9 =	sadd.s32 $0x0, s11  }
0x1a: {  	[tilespmem:s1+$0x7920] =	vst v0;
	p0 =	slt.s32 s9, $0x26E8  }
0x1b: {  	[tilespmem:s1+$0x7930] =	vst v0;
	s9 =	simm.s32 @!p0 $0x26E8  }
0x1c: {  	[tilespmem:s1+$0x7940] =	vst v0;
	s14 =	sadd.s32 $0x28, s11;
	s9 =	sshll.u32 s9, $0x7  }
0x1d: {  	[tilespmem:s1+$0x7950] =	vst v0;
	p0 =	slt.s32 s14, $0x26E8;
	s9 =	sand.u32 $0x3FFFFF80, s9  }
0x1e: {  	[tilespmem:s1+$0x7960] =	vst v0;
	s14 =	simm.s32 @!p0 $0x26E8;
	s28 =	sadd.s32 s9, s2  }
0x1f: {  	[spmem:s28] =	stream.linear.scatter [tilespmem:s15], [sflag:$0x3], $0x1400, $0x38;
	[tilespmem:$0x1DD80] =	vst v63  }
0x20: {  	s1 =	simm.s32 $0x50;
	s9 =	sshll.u32 s14, $0x7;
	_ =	swait.ge [sflag:s16], $0x1400  }
.LBB2_4:
0x21: {  	s14 =	sadd.s32 s1, s11  }
0x22: {  	s9 =	sand.u32 $0x3FFFFF80, s9;
	p0 =	slt.s32 s14, $0x26E8  }
0x23: {  	[sflag:s16] =	ssyncset.done $0x0;
	s14 =	simm.s32 @!p0 $0x26E8;
	p0 =	sne.s32 s1, $0x258  }
.Ltmp1:
0x24: {  	s9 =	sadd.s32 s9, s2;
	[sflag:s16] =	ssyncadd.s32 $0xFFFFEC00;
	(pc) =	sbr.rel @p0 .LBB2_4-.Ltmp1, $4  }
0x25: {  	[spmem:s9] =	stream.linear.scatter [tilespmem:s15], [sflag:$0x3], $0x1400, $0x38;
	[tilespmem:$0x1DD80] =	vst v63  }
0x26: {  	_ = 	snop  }
0x27: {  	s9 =	sshll.u32 s14, $0x7  }
0x28: {  	s1 =	sadd.s32 $0x28, s1;
	_ =	swait.ge [sflag:s16], $0x1400  }
0x29: {  	s1 =	sand.u32 $0x3FFFFF80, s9;
	[sflag:s16] =	ssyncset.done $0x0  }
0x2a: {  	s1 =	sadd.s32 s1, s2;
	[sflag:s16] =	ssyncadd.s32 $0xFFFFEC00  }
0x2b: {  	[spmem:s1] =	stream.linear.scatter [tilespmem:s15], [sflag:$0x3], $0x1400, $0x38;
	[tilespmem:$0x1DD80] =	vst v63  }
0x2c: {  	_ =	swait.ge [sflag:s16], $0x1400  }
0x2d: {  	s9 =	simm.s32 $0x0;
	[sflag:s16] =	ssyncset.done $0x0  }
0x2e: {  	s14 =	simm.s32 $0xA100;
	s28 =	rddreg [dreg:$0x4];
	[sflag:s16] =	ssyncadd.s32 $0xFFFFEC00  }
0x2f: {  	[tilespmem:s14], [sflag:$0x3] =	stream.linear.gather [hbm4b:s28+s9], $0x400, $0x38;
	[tilespmem:$0x1DD80] =	vst v63  }
0x30: {  	_ =	swait.ge [sflag:s16], $0x400  }
0x31: {  	[sflag:s16] =	ssyncset.done $0x0  }
0x32: {  	[sflag:s16] =	ssyncadd.s32 $0xFFFFFC00  }
0x33: {  	[bflag:$0x0] =	sbarrier.arrive $0xFFFF  }
0x34: {  	v4 =	vld [tilespmem:$0xA100]  }
0x35: {  	v5 =	vld [tilespmem:$0xA180]  }
0x36: {  	v6 =	vld [tilespmem:$0xA200]  }
0x37: {  	v7 =	vld [tilespmem:$0xA280];
	_ =	sdelay $0x3  }
0x38: {  	v4 =	vand.u32 $0xF, v4  }
0x39: {  	s14 =	simm.s32 $0x0;
	v5 =	vand.u32 $0xF, v5;
	v6 =	vand.u32 $0xF, v6;
	v7 =	vand.u32 $0xF, v7  }
.LBB2_6:
0x3a: {  	s1 =	smul.u32 $0x50, s14;
	_ =	sdelay $0x1  }
0x3b: {  	s1 =	sadd.s32 s12, s1  }
0x3c: {  	s17 =	sshrl.u32 s1, $0x3  }
0x3d: {  	s21 =	sadd.s32 s7, s17  }
0x3e: {  	[tilespmem:s9], [sflag:$0x1] =	stream.linear.gather [hbm4b:s21+s9], $0x50, $0x38;
	[tilespmem:$0x1DD80] =	vst v63  }
0x3f: {  	s17 =	sadd.s32 s8, s17  }
0x40: {  	[tilespmem:s18], [sflag:$0x2] =	stream.linear.gather [hbm4b:s17+s9], $0x50, $0x38;
	[tilespmem:$0x1DD80] =	vst v63  }
0x41: {  	_ =	swait.ge [sflag:s19], $0x50  }
0x42: {  	[sflag:s19] =	ssyncset.done $0x0  }
0x43: {  	[sflag:s19] =	ssyncadd.s32 $0xFFFFFFB0  }
0x44: {  	_ =	swait.ge [sflag:s20], $0x50  }
0x45: {  	[sflag:s20] =	ssyncset.done $0x0  }
0x46: {  	[sflag:s20] =	ssyncadd.s32 $0xFFFFFFB0  }
0x47: {  	v8 =	vld [tilespmem:$0x0];
	_ =	sdelay $0x4  }
0x48: {  	v9 =	vshll.u32 v8, $0x1  }
0x49: {  	v8 =	vand.u32 $0x7, v8;
	v9 =	vand.u32 $0xFFFFFFF0, v9  }
0x4a: {  	v8 =	vor.u32 v8, v9  }
0x4b: {  	v9 =	vperm.xlane v8, v1;
	_ =	sdelay $0x1  }
0x4c: {  	v8 =	vperm.xlane v8, v3;
	v9 =	vadd.s32 v2, v9;
	_ =	sdelay $0x1  }
0x4d: {  	v8 =	vadd.s32 v2, v8;
	_ =	sdelay $0x1  }
0x4e: {  	s23 =	simm.s32 $0x100  }
0x4f: {  	[tilespmem:s23], [sflag:$0x1] =	stream.indirect_vreg.gather [hbm4b:s4+s9], $0x80, v9, vm0, $0xb8;
	[tilespmem:$0x1DD80] =	vst v63  }
0x50: {  	s24 =	simm.s32 $0x900  }
0x51: {  	[tilespmem:s24], [sflag:$0x1] =	stream.indirect_vreg.gather [hbm4b:s4+s9], $0x80, v8, vm0, $0xb8;
	[tilespmem:$0x1DD80] =	vst v63  }
0x52: {  	v8 =	vld [tilespmem:$0x10];
	_ =	sdelay $0x4  }
0x53: {  	v9 =	vshll.u32 v8, $0x1  }
0x54: {  	v8 =	vand.u32 $0x7, v8;
	v9 =	vand.u32 $0xFFFFFFF0, v9  }
0x55: {  	v8 =	vor.u32 v8, v9  }
0x56: {  	v9 =	vperm.xlane v8, v1;
	_ =	sdelay $0x1  }
0x57: {  	v8 =	vperm.xlane v8, v3;
	v9 =	vadd.s32 v2, v9;
	_ =	sdelay $0x1  }
0x58: {  	v8 =	vadd.s32 v2, v8;
	_ =	sdelay $0x1  }
0x59: {  	s25 =	simm.s32 $0x1100  }
0x5a: {  	[tilespmem:s25], [sflag:$0x1] =	stream.indirect_vreg.gather [hbm4b:s4+s9], $0x80, v9, vm0, $0xb8;
	[tilespmem:$0x1DD80] =	vst v63  }
0x5b: {  	s26 =	simm.s32 $0x1900  }
0x5c: {  	[tilespmem:s26], [sflag:$0x1] =	stream.indirect_vreg.gather [hbm4b:s4+s9], $0x80, v8, vm0, $0xb8;
	[tilespmem:$0x1DD80] =	vst v63  }
0x5d: {  	v8 =	vld [tilespmem:$0x20];
	_ =	sdelay $0x4  }
0x5e: {  	v9 =	vshll.u32 v8, $0x1  }
0x5f: {  	v8 =	vand.u32 $0x7, v8;
	v9 =	vand.u32 $0xFFFFFFF0, v9  }
0x60: {  	v8 =	vor.u32 v8, v9  }
0x61: {  	v9 =	vperm.xlane v8, v1;
	_ =	sdelay $0x1  }
0x62: {  	v8 =	vperm.xlane v8, v3;
	v9 =	vadd.s32 v2, v9;
	_ =	sdelay $0x1  }
0x63: {  	v8 =	vadd.s32 v2, v8;
	_ =	sdelay $0x1  }
0x64: {  	s28 =	simm.s32 $0x2100  }
0x65: {  	[tilespmem:s28], [sflag:$0x1] =	stream.indirect_vreg.gather [hbm4b:s4+s9], $0x80, v9, vm0, $0xb8;
	[tilespmem:$0x1DD80] =	vst v63  }
0x66: {  	s21 =	simm.s32 $0x2900  }
0x67: {  	[tilespmem:s21], [sflag:$0x1] =	stream.indirect_vreg.gather [hbm4b:s4+s9], $0x80, v8, vm0, $0xb8;
	[tilespmem:$0x1DD80] =	vst v63  }
0x68: {  	v8 =	vld [tilespmem:$0x30];
	_ =	sdelay $0x4  }
0x69: {  	v9 =	vshll.u32 v8, $0x1  }
0x6a: {  	v8 =	vand.u32 $0x7, v8;
	v9 =	vand.u32 $0xFFFFFFF0, v9  }
0x6b: {  	v8 =	vor.u32 v8, v9  }
0x6c: {  	v9 =	vperm.xlane v8, v1;
	_ =	sdelay $0x1  }
0x6d: {  	v8 =	vperm.xlane v8, v3;
	v9 =	vadd.s32 v2, v9;
	_ =	sdelay $0x1  }
0x6e: {  	v8 =	vadd.s32 v2, v8;
	_ =	sdelay $0x1  }
0x6f: {  	s22 =	simm.s32 $0x3100  }
0x70: {  	[tilespmem:s22], [sflag:$0x1] =	stream.indirect_vreg.gather [hbm4b:s4+s9], $0x80, v9, vm0, $0xb8;
	[tilespmem:$0x1DD80] =	vst v63  }
0x71: {  	_ = 	snop  }
0x72: {  	[tilespmem:s29], [sflag:$0x1] =	stream.indirect_vreg.gather [hbm4b:s4+s9], $0x80, v8, vm0, $0xb8;
	[tilespmem:$0x1DD80] =	vst v63  }
0x73: {  	v8 =	vld [tilespmem:$0x40];
	_ =	sdelay $0x4  }
0x74: {  	v9 =	vshll.u32 v8, $0x1  }
0x75: {  	v8 =	vand.u32 $0x7, v8;
	v9 =	vand.u32 $0xFFFFFFF0, v9  }
0x76: {  	v8 =	vor.u32 v8, v9  }
0x77: {  	v9 =	vperm.xlane v8, v1;
	_ =	sdelay $0x1  }
0x78: {  	v8 =	vperm.xlane v8, v3;
	v9 =	vadd.s32 v2, v9;
	_ =	sdelay $0x1  }
0x79: {  	v8 =	vadd.s32 v2, v8;
	_ =	sdelay $0x2  }
0x7a: {  	[tilespmem:s30], [sflag:$0x1] =	stream.indirect_vreg.gather [hbm4b:s4+s9], $0x80, v9, vm0, $0xb8;
	[tilespmem:$0x1DD80] =	vst v63  }
0x7b: {  	_ = 	snop  }
0x7c: {  	[tilespmem:s31], [sflag:$0x1] =	stream.indirect_vreg.gather [hbm4b:s4+s9], $0x80, v8, vm0, $0xb8;
	[tilespmem:$0x1DD80] =	vst v63  }
0x7d: {  	s1 =	sshll.u32 s1, $0x4;
	s23 =	rddreg [dreg:$0x1]  }
0x7e: {  	[tilespmem:s6], [sflag:$0x2] =	stream.indirect.gather [hbm4b:s23+s0], $0x80, s18, s0, $0xb8;
	[tilespmem:$0x1DD80] =	vst v63  }
0x7f: {  	s1 =	sadd.s32 s5, s1  }
0x80: {  	[tilespmem:s15], [sflag:$0x3] =	stream.linear.gather [hbm4b:s1+s9], $0x2800, $0x38;
	[tilespmem:$0x1DD80] =	vst v63  }
0x81: {  	_ =	swait.ge [sflag:s16], $0x2800  }
0x82: {  	[sflag:s16] =	ssyncset.done $0x0  }
0x83: {  	[sflag:s16] =	ssyncadd.s32 $0xFFFFD800  }
0x84: {  	_ =	swait.ge [sflag:s19], $0x5000  }
0x85: {  	[sflag:s19] =	ssyncset.done $0x0  }
0x86: {  	[sflag:s19] =	ssyncadd.s32 $0xFFFFB000  }
0x87: {  	_ =	swait.ge [sflag:s20], $0x2800  }
0x88: {  	s17 =	simm.s32 $0x7940;
	[sflag:s20] =	ssyncset.done $0x0  }
0x89: {  	s24 =	sand.u32 $0x7800, s9;
	s25 =	sand.u32 $0x380, s9;
	[sflag:s20] =	ssyncadd.s32 $0xFFFFD800  }
0x8a: {  	s1 =	sor.u32 s25, s24;
	v9 =	vld [tilespmem:s17+$0xFFFFFFD0]  }
0x8b: {  	v10 =	vld [tilespmem:s1+$0x110];
	_ =	sdelay $0x1  }
0x8c: {  	v8 =	vld [tilespmem:s17+$0xFFFFFFC0]  }
0x8d: {  	v11 =	vld [tilespmem:s1+$0x100]  }
0x8e: {  	v12 =	vld [tilespmem:s17+$0xFFFFFFE0]  }
0x8f: {  	v13 =	vld [tilespmem:s1+$0x120];
	v9 =	vadd.f32 v9, v10  }
0x90: {  	v15 =	vld [tilespmem:s17+$0x0]  }
0x91: {  	v10 =	vld [tilespmem:s17+$0xFFFFFFF0];
	v14 =	vand.u32 $0x7FFFFFFF, v9  }
0x92: {  	v8 =	vadd.f32 v8, v11;
	v11 =	vld [tilespmem:s1+$0x130];
	v14 =	vmul.f32 $-2.000000000e+00, v14  }
0x93: {  	v17 =	vld [tilespmem:s1+$0x140]  }
0x94: {  	v18 =	vld [tilespmem:s17+$0x10];
	v16 =	vand.u32 $0x7FFFFFFF, v8;
	v14 =	vmul.f32 $1.442695020e+00, v14  }
0x95: {  	v63 =	vld [tilespmem:s1+$0x150];
	v16 =	vmul.f32 $-2.000000000e+00, v16  }
0x96: {  	v12 =	vadd.f32 v12, v13;
	(erf) = vpow2.f32 v14  }
0x97: {  	v19 =	vld [tilespmem:s17+$0x20];
	v62 =	vmul.f32 $1.442695020e+00, v16;
	v10 =	vadd.f32 v10, v11  }
0x98: {  	v15 =	vadd.f32 v15, v17;
	v21 =	vand.u32 $0x7FFFFFFF, v12;
	v11 =	vld [tilespmem:s1+$0x160]  }
0x99: {  	v22 =	vmul.f32 $-2.000000000e+00, v21;
	v23 =	vand.u32 $0x7FFFFFFF, v10;
	(erf) = vpow2.f32 v62  }
0x9a: {  	v24 =	vld [tilespmem:s17+$0x30];
	v25 =	vand.u32 $0x7FFFFFFF, v15;
	v16 =	vadd.f32 v18, v63;
	v14 =	vmul.f32 $-2.000000000e+00, v23  }
0x9b: {  	v20 =	vld [tilespmem:s1+$0x170];
	v13 =	vmul.f32 $1.442695020e+00, v22;
	v18 =	vmul.f32 $-2.000000000e+00, v25  }
0x9c: {  	v26 =	vand.u32 $0x7FFFFFFF, v16;
	v14 =	vmul.f32 $1.442695020e+00, v14  }
0x9d: {  	v18 =	vmul.f32 $1.442695020e+00, v18;
	(erf) = vpow2.f32 v13;
	v11 =	vadd.f32 v19, v11  }
0x9e: {  	v13 =	vmul.f32 $-2.000000000e+00, v26;
	(erf) = vpow2.f32 v14  }
0x9f: {  	v27 =	vand.u32 $0x7FFFFFFF, v11;
	v28 =	vpop (erf);
	(erf) = vpow2.f32 v18  }
0xa0: {  	v17 =	vadd.f32 v24, v20;
	v13 =	vmul.f32 $1.442695020e+00, v13;
	v14 =	vmul.f32 $-2.000000000e+00, v27;
	_ =	sdelay $0x1  }
0xa1: {  	v20 =	vand.u32 $0x7FFFFFFF, v17;
	v14 =	vmul.f32 $1.442695020e+00, v14;
	v29 =	vpop (erf);
	(erf) = vpow2.f32 v13  }
0xa2: {  	v30 =	vmul.f32 $-2.000000000e+00, v20;
	v21 =	vadd.f32 $1.000000000e+00, v29  }
0xa3: {  	v31 =	vadd.f32 $1.000000000e+00, v28;
	(erf) = vpow2.f32 v14  }
0xa4: {  	v13 =	vmul.f32 $1.442695020e+00, v30;
	(erf) = vrcp.f32 v21  }
0xa5: {  	v32 =	vpop (erf);
	(erf) = vrcp.f32 v31  }
0xa6: {  	v33 =	vadd.f32 $1.000000000e+00, v32;
	v34 =	vpop (erf);
	(erf) = vpow2.f32 v13  }
0xa7: {  	v35 =	vadd.f32 $1.000000000e+00, v34;
	v36 =	vpop (erf)  }
0xa8: {  	(erf) = vrcp.f32 v33;
	v37 =	vadd.f32 $1.000000000e+00, v36  }
0xa9: {  	(erf) = vrcp.f32 v35  }
0xaa: {  	v22 =	vpop (erf);
	(erf) = vrcp.f32 v37;
	_ =	sdelay $0x1  }
0xab: {  	vm2 =	vge.f32 v9, $0.0e+00;
	v18 =	vsub.f32 $1.000000000e+00, v29;
	v23 =	vpop (erf);
	v38 =	vadd.f32 $1.000000000e+00, v22  }
0xac: {  	s26 =	simm.s32 $0x5140;
	vm1 =	vge.f32 v15, $0.0e+00;
	v19 =	vsub.f32 $1.000000000e+00, v28;
	v14 =	vsub.f32 $1.000000000e+00, v32;
	v24 =	vpop (erf)  }
0xad: {  	v9 =	vld [tilespmem:s26+$0xFFFFFFC0];
	v25 =	vadd.f32 $1.000000000e+00, v23;
	(erf) = vrcp.f32 v38;
	v18 =	vmul.f32 v24, v18;
	v39 =	vpop (erf)  }
0xae: {  	v21 =	vsub.f32 $1.000000000e+00, v34;
	v20 =	vsub.f32 $1.000000000e+00, v36;
	v40 =	vmul.f32 v39, v19;
	v42 =	vpop (erf)  }
0xaf: {  	v41 =	vld [tilespmem:s26+$0xFFFFFFD0];
	(erf) = vrcp.f32 v25;
	v24 =	vsub.f32 $0.0e+00, v18;
	v43 =	vadd.f32 $1.000000000e+00, v42  }
0xb0: {  	vm3 =	vge.f32 v8, $0.0e+00;
	v52 =	vsub.f32 $1.000000000e+00, v22;
	v44 =	vpop (erf);
	v8 =	vsub.f32 $0.0e+00, v40  }
0xb1: {  	v45 =	vld [tilespmem:s26+$0xFFFFFFE0];
	v14 =	vmul.f32 v44, v14;
	v18 =	vsel vm3, v18, v24;
	(erf) = vrcp.f32 v43;
	v46 =	vpop (erf)  }
0xb2: {  	vm3 =	vge.f32 v10, $0.0e+00;
	v9 =	vmul.f32 v18, v9;
	v8 =	vsel vm2, v40, v8;
	v10 =	vpop (erf)  }
0xb3: {  	v49 =	vld [tilespmem:s26+$0xFFFFFFF0];
	v47 =	vmul.f32 v46, v21;
	v48 =	vsub.f32 $0.0e+00, v14;
	v10 =	vmul.f32 v10, v20  }
0xb4: {  	vm2 =	vge.f32 v12, $0.0e+00;
	v8 =	vmul.f32 v8, v41;
	v9 =	vadd.f32 $0.0e+00, v9  }
0xb5: {  	v51 =	vld [tilespmem:s26+$0x0];
	v50 =	vsub.f32 $0.0e+00, v47;
	v12 =	vsel vm2, v14, v48;
	v55 =	vsub.f32 $0.0e+00, v10  }
0xb6: {  	v53 =	vsub.f32 $1.000000000e+00, v23;
	v54 =	vpop (erf);
	v8 =	vadd.f32 v8, v9;
	v9 =	vmul.f32 v12, v45  }
0xb7: {  	v56 =	vld [tilespmem:s26+$0x10];
	v13 =	vsel vm3, v47, v50;
	v12 =	vmul.f32 v54, v52;
	v10 =	vsel vm1, v10, v55  }
0xb8: {  	v57 =	vpop (erf);
	v8 =	vadd.f32 v9, v8;
	v9 =	vmul.f32 v13, v49  }
0xb9: {  	v60 =	vld [tilespmem:s26+$0x20];
	v19 =	vsub.f32 $1.000000000e+00, v42;
	v58 =	vmul.f32 v57, v53;
	v59 =	vsub.f32 $0.0e+00, v12  }
0xba: {  	vm1 =	vge.f32 v16, $0.0e+00;
	v8 =	vadd.f32 v9, v8;
	v9 =	vmul.f32 v10, v51;
	v10 =	vpop (erf)  }
0xbb: {  	v62 =	vld [tilespmem:s26+$0x30];
	v61 =	vsub.f32 $0.0e+00, v58;
	v12 =	vsel vm1, v12, v59;
	v10 =	vmul.f32 v10, v19  }
0xbc: {  	vm1 =	vge.f32 v11, $0.0e+00;
	v8 =	vadd.f32 v9, v8;
	v9 =	vmul.f32 v12, v56  }
0xbd: {  	v11 =	vsel vm1, v58, v61;
	v63 =	vsub.f32 $0.0e+00, v10  }
0xbe: {  	vm1 =	vge.f32 v17, $0.0e+00;
	v8 =	vadd.f32 v9, v8;
	v9 =	vmul.f32 v11, v60  }
0xbf: {  	v10 =	vsel vm1, v10, v63  }
0xc0: {  	v8 =	vadd.f32 v9, v8;
	v9 =	vmul.f32 v10, v62;
	_ =	sdelay $0x1  }
0xc1: {  	v8 =	vadd.f32 v9, v8;
	_ =	sdelay $0x1  }
0xc2: {  	v9 =	vperm.xlane v8, v4;
	_ =	sdelay $0x1  }
0xc3: {  	v8 =	vadd.f32 v8, v9;
	_ =	sdelay $0x1  }
0xc4: {  	v9 =	vperm.xlane v8, v5;
	_ =	sdelay $0x1  }
0xc5: {  	v8 =	vadd.f32 v8, v9;
	_ =	sdelay $0x1  }
0xc6: {  	v9 =	vperm.xlane v8, v6;
	_ =	sdelay $0x1  }
0xc7: {  	v8 =	vadd.f32 v8, v9  }
0xc8: {  	v9 =	vld [tilespmem:s1+$0x500]  }
0xc9: {  	v10 =	vperm.xlane v8, v7;
	_ =	sdelay $0x1  }
0xca: {  	v8 =	vadd.f32 v8, v10;
	_ =	sdelay $0x1  }
0xcb: {  	v9 =	vmul.f32 v8, v9;
	_ =	sdelay $0x1  }
0xcc: {  	[tilespmem:s17+$0xFFFFFFC0] =	vst v9  }
0xcd: {  	v9 =	vld [tilespmem:s1+$0x510];
	_ =	sdelay $0x4  }
0xce: {  	v9 =	vmul.f32 v8, v9;
	_ =	sdelay $0x1  }
0xcf: {  	[tilespmem:s17+$0xFFFFFFD0] =	vst v9  }
0xd0: {  	v9 =	vld [tilespmem:s1+$0x520];
	_ =	sdelay $0x4  }
0xd1: {  	v9 =	vmul.f32 v8, v9;
	_ =	sdelay $0x1  }
0xd2: {  	[tilespmem:s17+$0xFFFFFFE0] =	vst v9  }
0xd3: {  	v9 =	vld [tilespmem:s1+$0x530];
	_ =	sdelay $0x4  }
0xd4: {  	v9 =	vmul.f32 v8, v9;
	_ =	sdelay $0x1  }
0xd5: {  	[tilespmem:s17+$0xFFFFFFF0] =	vst v9  }
0xd6: {  	v9 =	vld [tilespmem:s1+$0x540];
	_ =	sdelay $0x4  }
0xd7: {  	v9 =	vmul.f32 v8, v9;
	_ =	sdelay $0x1  }
0xd8: {  	[tilespmem:s17+$0x0] =	vst v9  }
0xd9: {  	v9 =	vld [tilespmem:s1+$0x550];
	_ =	sdelay $0x4  }
0xda: {  	v9 =	vmul.f32 v8, v9;
	_ =	sdelay $0x1  }
0xdb: {  	[tilespmem:s17+$0x10] =	vst v9  }
0xdc: {  	v9 =	vld [tilespmem:s1+$0x560];
	_ =	sdelay $0x4  }
0xdd: {  	v9 =	vmul.f32 v9, v8;
	_ =	sdelay $0x1  }
0xde: {  	[tilespmem:s17+$0x20] =	vst v9  }
0xdf: {  	v9 =	vld [tilespmem:s1+$0x570];
	_ =	sdelay $0x2  }
0xe0: {  	s28 =	simm.s32 $0x100  }
0xe1: {  	s21 =	simm.s32 $0x51C0;
	s22 =	sand.u32 $0x7800, s28  }
0xe2: {  	s23 =	simm.s32 $0x80;
	s25 =	simm.s32 $0x200;
	s1 =	simm.s32 $0x79C0;
	v8 =	vmul.f32 v9, v8  }
.LBB2_7:
0xe3: {  	s24 =	smov.u32 s25  }
0xe4: {  	s26 =	sand.u32 $0x7800, s25;
	s28 =	sand.u32 $0x380, s23;
	v9 =	vld [tilespmem:s1+$0xFFFFFFC0];
	s24 =	sadd.s32 $0x100, s25  }
0xe5: {  	p0 =	sne.s32 s25, $0x4F00;
	s25 =	sor.u32 s28, s22;
	s22 =	smov.u32 s26;
	v10 =	vld [tilespmem:s1+$0xFFFFFFD0];
	[tilespmem:s17+$0x30] =	vst v8  }
0xe6: {  	s17 =	smov.u32 s1;
	v8 =	vld [tilespmem:s25+$0x110]  }
0xe7: {  	v11 =	vld [tilespmem:s25+$0x100];
	_ =	sdelay $0x1  }
0xe8: {  	v12 =	vld [tilespmem:s1+$0xFFFFFFE0]  }
0xe9: {  	v13 =	vld [tilespmem:s25+$0x120]  }
0xea: {  	v10 =	vadd.f32 v10, v8;
	v8 =	vld [tilespmem:s1+$0xFFFFFFF0]  }
0xeb: {  	v11 =	vadd.f32 v9, v11;
	v9 =	vld [tilespmem:s25+$0x130]  }
0xec: {  	v14 =	vand.u32 $0x7FFFFFFF, v10;
	v15 =	vld [tilespmem:s1+$0x0]  }
0xed: {  	v16 =	vand.u32 $0x7FFFFFFF, v11;
	v14 =	vmul.f32 $-2.000000000e+00, v14;
	v17 =	vld [tilespmem:s25+$0x140]  }
0xee: {  	v16 =	vmul.f32 $-2.000000000e+00, v16;
	v12 =	vadd.f32 v12, v13;
	v13 =	vld [tilespmem:s1+$0x10]  }
0xef: {  	v14 =	vmul.f32 $1.442695020e+00, v14;
	v18 =	vld [tilespmem:s1+$0x20]  }
0xf0: {  	v16 =	vmul.f32 $1.442695020e+00, v16;
	v19 =	vand.u32 $0x7FFFFFFF, v12;
	v20 =	vadd.f32 v8, v9;
	v8 =	vld [tilespmem:s25+$0x150]  }
0xf1: {  	v9 =	vmul.f32 $-2.000000000e+00, v19;
	v19 =	vld [tilespmem:s25+$0x160];
	(erf) = vpow2.f32 v14  }
0xf2: {  	v14 =	vand.u32 $0x7FFFFFFF, v20;
	v15 =	vadd.f32 v15, v17;
	(erf) = vpow2.f32 v16  }
0xf3: {  	v16 =	vmul.f32 $1.442695020e+00, v9;
	v9 =	vmul.f32 $-2.000000000e+00, v14;
	v14 =	vld [tilespmem:s1+$0x30]  }
0xf4: {  	v17 =	vand.u32 $0x7FFFFFFF, v15;
	v21 =	vld [tilespmem:s25+$0x170]  }
0xf5: {  	v22 =	vmul.f32 $1.442695020e+00, v9;
	v17 =	vmul.f32 $-2.000000000e+00, v17;
	v13 =	vadd.f32 v13, v8  }
0xf6: {  	v9 =	vadd.f32 v18, v19;
	(erf) = vpow2.f32 v16  }
0xf7: {  	v19 =	vmul.f32 $1.442695020e+00, v17;
	v8 =	vand.u32 $0x7FFFFFFF, v13;
	(erf) = vpow2.f32 v22  }
0xf8: {  	v17 =	vmul.f32 $-2.000000000e+00, v8;
	v8 =	vand.u32 $0x7FFFFFFF, v9  }
0xf9: {  	v18 =	vmul.f32 $-2.000000000e+00, v8;
	v8 =	vadd.f32 v14, v21;
	(erf) = vpow2.f32 v19  }
0xfa: {  	v14 =	vmul.f32 $1.442695020e+00, v17;
	v16 =	vpop (erf)  }
0xfb: {  	v17 =	vadd.f32 $1.000000000e+00, v16;
	v18 =	vmul.f32 $1.442695020e+00, v18;
	v19 =	vand.u32 $0x7FFFFFFF, v8;
	v21 =	vpop (erf)  }
0xfc: {  	v22 =	vadd.f32 $1.000000000e+00, v21;
	v19 =	vmul.f32 $-2.000000000e+00, v19;
	(erf) = vpow2.f32 v14  }
0xfd: {  	(erf) = vpow2.f32 v18  }
0xfe: {  	v14 =	vmul.f32 $1.442695020e+00, v19;
	(erf) = vrcp.f32 v22  }
0xff: {  	(erf) = vrcp.f32 v17;
	v17 =	vpop (erf)  }
0x100: {  	v22 =	vadd.f32 $1.000000000e+00, v17;
	v19 =	vpop (erf);
	(erf) = vpow2.f32 v14  }
0x101: {  	v14 =	vadd.f32 $1.000000000e+00, v19  }
0x102: {  	(erf) = vrcp.f32 v22;
	v18 =	vpop (erf)  }
0x103: {  	v23 =	vadd.f32 $1.000000000e+00, v18;
	(erf) = vrcp.f32 v14;
	_ =	sdelay $0x1  }
0x104: {  	(erf) = vrcp.f32 v23;
	v14 =	vpop (erf)  }
0x105: {  	vm2 =	vge.f32 v10, $0.0e+00;
	v21 =	vsub.f32 $1.000000000e+00, v21;
	v10 =	vadd.f32 $1.000000000e+00, v14;
	v22 =	vpop (erf)  }
0x106: {  	vm1 =	vge.f32 v15, $0.0e+00;
	v16 =	vsub.f32 $1.000000000e+00, v16;
	v25 =	vadd.f32 $1.000000000e+00, v22;
	v23 =	vpop (erf)  }
0x107: {  	v18 =	vsub.f32 $1.000000000e+00, v18;
	v21 =	vmul.f32 v23, v21;
	v23 =	vld [tilespmem:s21+$0xFFFFFFC0];
	v24 =	vpop (erf);
	(erf) = vrcp.f32 v10  }
0x108: {  	v17 =	vsub.f32 $1.000000000e+00, v17;
	v10 =	vmul.f32 v24, v16;
	v16 =	vld [tilespmem:s21+$0xFFFFFFD0];
	(erf) = vrcp.f32 v25;
	v15 =	vpop (erf)  }
0x109: {  	vm3 =	vge.f32 v12, $0.0e+00;
	v24 =	vsub.f32 $0.0e+00, v21;
	v12 =	vadd.f32 $1.000000000e+00, v15  }
0x10a: {  	vm4 =	vge.f32 v11, $0.0e+00;
	v19 =	vsub.f32 $1.000000000e+00, v19;
	v11 =	vsub.f32 $0.0e+00, v10;
	v25 =	vpop (erf)  }
0x10b: {  	v21 =	vsel vm4, v21, v24;
	v17 =	vmul.f32 v25, v17;
	v24 =	vld [tilespmem:s21+$0xFFFFFFE0];
	v25 =	vpop (erf);
	(erf) = vrcp.f32 v12  }
0x10c: {  	v12 =	vmul.f32 v21, v23;
	v10 =	vsel vm2, v10, v11;
	v11 =	vmul.f32 v25, v19  }
0x10d: {  	vm2 =	vge.f32 v20, $0.0e+00;
	v10 =	vmul.f32 v10, v16;
	v25 =	vsub.f32 $0.0e+00, v17;
	v19 =	vld [tilespmem:s21+$0xFFFFFFF0];
	v20 =	vpop (erf)  }
0x10e: {  	v12 =	vadd.f32 $0.0e+00, v12;
	v21 =	vsub.f32 $0.0e+00, v11;
	v18 =	vmul.f32 v20, v18  }
0x10f: {  	v14 =	vsub.f32 $1.000000000e+00, v14;
	v20 =	vsub.f32 $1.000000000e+00, v22;
	v23 =	vsel vm3, v17, v25;
	v17 =	vld [tilespmem:s21+$0x0]  }
0x110: {  	v10 =	vadd.f32 v10, v12;
	v12 =	vmul.f32 v23, v24;
	v11 =	vsel vm2, v11, v21;
	v16 =	vpop (erf)  }
0x111: {  	v21 =	vsub.f32 $0.0e+00, v18;
	vm2 =	vge.f32 v13, $0.0e+00;
	v14 =	vmul.f32 v16, v14;
	v13 =	vld [tilespmem:s21+$0x10];
	v16 =	vpop (erf)  }
0x112: {  	v10 =	vadd.f32 v12, v10;
	v11 =	vmul.f32 v11, v19;
	v12 =	vmul.f32 v16, v20  }
0x113: {  	v15 =	vsub.f32 $1.000000000e+00, v15;
	v16 =	vsel vm1, v18, v21;
	v18 =	vsub.f32 $0.0e+00, v14;
	v19 =	vld [tilespmem:s21+$0x20]  }
0x114: {  	v10 =	vadd.f32 v11, v10;
	v11 =	vmul.f32 v16, v17;
	v16 =	vsub.f32 $0.0e+00, v12;
	v17 =	vpop (erf)  }
0x115: {  	vm1 =	vge.f32 v9, $0.0e+00;
	v14 =	vsel vm2, v14, v18;
	v9 =	vmul.f32 v17, v15;
	v15 =	vld [tilespmem:s21+$0x30]  }
0x116: {  	v10 =	vadd.f32 v11, v10;
	v11 =	vmul.f32 v14, v13;
	v12 =	vsel vm1, v12, v16  }
0x117: {  	v13 =	vsub.f32 $0.0e+00, v9  }
0x118: {  	vm1 =	vge.f32 v8, $0.0e+00;
	v10 =	vadd.f32 v11, v10;
	v11 =	vmul.f32 v12, v19  }
0x119: {  	v8 =	vsel vm1, v9, v13  }
0x11a: {  	v9 =	vadd.f32 v11, v10;
	v8 =	vmul.f32 v8, v15;
	_ =	sdelay $0x1  }
0x11b: {  	v8 =	vadd.f32 v8, v9;
	_ =	sdelay $0x1  }
0x11c: {  	v9 =	vperm.xlane v8, v4;
	_ =	sdelay $0x1  }
0x11d: {  	v8 =	vadd.f32 v8, v9;
	_ =	sdelay $0x1  }
0x11e: {  	v9 =	vperm.xlane v8, v5;
	_ =	sdelay $0x1  }
0x11f: {  	v8 =	vadd.f32 v8, v9;
	_ =	sdelay $0x1  }
0x120: {  	v9 =	vperm.xlane v8, v6;
	_ =	sdelay $0x1  }
0x121: {  	v8 =	vadd.f32 v8, v9  }
0x122: {  	v9 =	vld [tilespmem:s25+$0x500]  }
0x123: {  	v10 =	vperm.xlane v8, v7;
	_ =	sdelay $0x1  }
0x124: {  	v8 =	vadd.f32 v8, v10;
	_ =	sdelay $0x1  }
0x125: {  	v9 =	vmul.f32 v8, v9;
	_ =	sdelay $0x1  }
0x126: {  	[tilespmem:s1+$0xFFFFFFC0] =	vst v9  }
0x127: {  	v9 =	vld [tilespmem:s25+$0x510];
	_ =	sdelay $0x4  }
0x128: {  	v9 =	vmul.f32 v8, v9;
	_ =	sdelay $0x1  }
0x129: {  	[tilespmem:s1+$0xFFFFFFD0] =	vst v9  }
0x12a: {  	v9 =	vld [tilespmem:s25+$0x520];
	_ =	sdelay $0x4  }
0x12b: {  	v9 =	vmul.f32 v8, v9;
	_ =	sdelay $0x1  }
0x12c: {  	[tilespmem:s1+$0xFFFFFFE0] =	vst v9  }
0x12d: {  	v9 =	vld [tilespmem:s25+$0x530];
	_ =	sdelay $0x4  }
0x12e: {  	v9 =	vmul.f32 v8, v9;
	_ =	sdelay $0x1  }
0x12f: {  	[tilespmem:s1+$0xFFFFFFF0] =	vst v9  }
0x130: {  	v9 =	vld [tilespmem:s25+$0x540];
	_ =	sdelay $0x4  }
0x131: {  	v9 =	vmul.f32 v8, v9;
	_ =	sdelay $0x1  }
0x132: {  	[tilespmem:s1+$0x0] =	vst v9  }
0x133: {  	v9 =	vld [tilespmem:s25+$0x550];
	_ =	sdelay $0x4  }
0x134: {  	v9 =	vmul.f32 v8, v9;
	_ =	sdelay $0x1  }
0x135: {  	[tilespmem:s1+$0x10] =	vst v9  }
0x136: {  	v9 =	vld [tilespmem:s25+$0x560];
	_ =	sdelay $0x4  }
0x137: {  	v9 =	vmul.f32 v9, v8;
	_ =	sdelay $0x1  }
0x138: {  	[tilespmem:s1+$0x20] =	vst v9  }
0x139: {  	v9 =	vld [tilespmem:s25+$0x570]  }
.Ltmp2:
0x13a: {  	(pc) =	sbr.rel @p0 .LBB2_7-.Ltmp2, $3  }
0x13b: {  	_ =	sdelay $0x1  }
0x13c: {  	s23 =	sadd.s32 $0x80, s23  }
0x13d: {  	s21 =	sadd.s32 $0x80, s21;
	s1 =	sadd.s32 $0x80, s1;
	s25 =	smov.u32 s24;
	v8 =	vmul.f32 v9, v8  }
0x13e: {  	s23 =	sand.u32 $0x380, s23;
	v9 =	vld [tilespmem:s1+$0xFFFFFFC0]  }
0x13f: {  	v10 =	vld [tilespmem:s1+$0xFFFFFFD0];
	s22 =	sor.u32 s23, s22;
	[tilespmem:s17+$0x30] =	vst v8  }
0x140: {  	v8 =	vld [tilespmem:s22+$0x110]  }
0x141: {  	v11 =	vld [tilespmem:s22+$0x100];
	_ =	sdelay $0x1  }
0x142: {  	v12 =	vld [tilespmem:s1+$0xFFFFFFE0]  }
0x143: {  	v41 =	vld [tilespmem:s1+$0xFFFFFFF0]  }
0x144: {  	v13 =	vld [tilespmem:s22+$0x120];
	v8 =	vadd.f32 v10, v8  }
0x145: {  	v42 =	vld [tilespmem:s22+$0x130];
	v9 =	vadd.f32 v9, v11  }
0x146: {  	v15 =	vld [tilespmem:s1+$0x0];
	v14 =	vand.u32 $0x7FFFFFFF, v8  }
0x147: {  	v17 =	vld [tilespmem:s22+$0x140];
	v16 =	vand.u32 $0x7FFFFFFF, v9;
	v14 =	vmul.f32 $-2.000000000e+00, v14  }
0x148: {  	v18 =	vld [tilespmem:s1+$0x10];
	v16 =	vmul.f32 $-2.000000000e+00, v16  }
0x149: {  	v19 =	vld [tilespmem:s1+$0x20];
	v12 =	vadd.f32 v12, v13;
	v14 =	vmul.f32 $1.442695020e+00, v14  }
0x14a: {  	v44 =	vld [tilespmem:s22+$0x150];
	v43 =	vmul.f32 $1.442695020e+00, v16  }
0x14b: {  	v45 =	vld [tilespmem:s22+$0x160];
	v10 =	vadd.f32 v41, v42;
	v46 =	vand.u32 $0x7FFFFFFF, v12;
	(erf) = vpow2.f32 v14  }
0x14c: {  	v15 =	vadd.f32 v15, v17;
	v47 =	vmul.f32 $-2.000000000e+00, v46;
	(erf) = vpow2.f32 v43  }
0x14d: {  	v49 =	vld [tilespmem:s1+$0x30];
	v48 =	vand.u32 $0x7FFFFFFF, v10  }
0x14e: {  	v20 =	vld [tilespmem:s22+$0x170];
	v50 =	vand.u32 $0x7FFFFFFF, v15;
	v13 =	vmul.f32 $1.442695020e+00, v47;
	v14 =	vmul.f32 $-2.000000000e+00, v48  }
0x14f: {  	v16 =	vadd.f32 v18, v44;
	v18 =	vmul.f32 $-2.000000000e+00, v50  }
0x150: {  	v11 =	vadd.f32 v19, v45;
	v14 =	vmul.f32 $1.442695020e+00, v14;
	(erf) = vpow2.f32 v13  }
0x151: {  	v51 =	vand.u32 $0x7FFFFFFF, v16;
	v18 =	vmul.f32 $1.442695020e+00, v18  }
0x152: {  	v52 =	vand.u32 $0x7FFFFFFF, v11;
	v13 =	vmul.f32 $-2.000000000e+00, v51;
	(erf) = vpow2.f32 v14  }
0x153: {  	v17 =	vadd.f32 v49, v20;
	v14 =	vmul.f32 $-2.000000000e+00, v52  }
0x154: {  	v13 =	vmul.f32 $1.442695020e+00, v13;
	v53 =	vpop (erf);
	(erf) = vpow2.f32 v18  }
0x155: {  	v20 =	vand.u32 $0x7FFFFFFF, v17;
	v14 =	vmul.f32 $1.442695020e+00, v14;
	v54 =	vpop (erf)  }
0x156: {  	v55 =	vmul.f32 $-2.000000000e+00, v20;
	(erf) = vpow2.f32 v13;
	v21 =	vadd.f32 $1.000000000e+00, v54  }
0x157: {  	v56 =	vadd.f32 $1.000000000e+00, v53;
	(erf) = vpow2.f32 v14  }
0x158: {  	v13 =	vmul.f32 $1.442695020e+00, v55;
	(erf) = vrcp.f32 v21  }
0x159: {  	v57 =	vpop (erf);
	(erf) = vrcp.f32 v56  }
0x15a: {  	v58 =	vadd.f32 $1.000000000e+00, v57;
	(erf) = vpow2.f32 v13  }
0x15b: {  	v59 =	vpop (erf)  }
0x15c: {  	v60 =	vadd.f32 $1.000000000e+00, v59;
	(erf) = vrcp.f32 v58  }
0x15d: {  	v61 =	vpop (erf)  }
0x15e: {  	(erf) = vrcp.f32 v60;
	v62 =	vadd.f32 $1.000000000e+00, v61  }
0x15f: {  	v22 =	vpop (erf)  }
0x160: {  	v18 =	vsub.f32 $1.000000000e+00, v54;
	v23 =	vpop (erf);
	v63 =	vadd.f32 $1.000000000e+00, v22;
	(erf) = vrcp.f32 v62  }
0x161: {  	vm2 =	vge.f32 v8, $0.0e+00;
	vm1 =	vge.f32 v15, $0.0e+00;
	v19 =	vsub.f32 $1.000000000e+00, v53;
	v24 =	vpop (erf)  }
0x162: {  	v8 =	vld [tilespmem:s21+$0xFFFFFFC0];
	v25 =	vadd.f32 $1.000000000e+00, v23;
	(erf) = vrcp.f32 v63;
	v18 =	vmul.f32 v24, v18;
	v28 =	vpop (erf)  }
0x163: {  	v14 =	vsub.f32 $1.000000000e+00, v57;
	v21 =	vsub.f32 $1.000000000e+00, v59;
	v29 =	vmul.f32 v28, v19;
	v31 =	vpop (erf)  }
0x164: {  	v30 =	vld [tilespmem:s21+$0xFFFFFFD0];
	(erf) = vrcp.f32 v25;
	v24 =	vsub.f32 $0.0e+00, v18;
	v32 =	vadd.f32 $1.000000000e+00, v31  }
0x165: {  	vm3 =	vge.f32 v9, $0.0e+00;
	v20 =	vsub.f32 $1.000000000e+00, v61;
	v34 =	vpop (erf);
	v33 =	vsub.f32 $0.0e+00, v29  }
0x166: {  	v35 =	vld [tilespmem:s21+$0xFFFFFFE0];
	v14 =	vmul.f32 v34, v14;
	v18 =	vsel vm3, v18, v24;
	(erf) = vrcp.f32 v32  }
0x167: {  	v43 =	vsub.f32 $1.000000000e+00, v22;
	v36 =	vpop (erf);
	vm3 =	vge.f32 v10, $0.0e+00;
	v8 =	vmul.f32 v18, v8  }
0x168: {  	v39 =	vld [tilespmem:s21+$0xFFFFFFF0];
	v9 =	vsel vm2, v29, v33;
	v37 =	vmul.f32 v36, v21;
	v38 =	vsub.f32 $0.0e+00, v14  }
0x169: {  	vm2 =	vge.f32 v12, $0.0e+00;
	v9 =	vmul.f32 v9, v30;
	v40 =	vpop (erf);
	v8 =	vadd.f32 $0.0e+00, v8  }
0x16a: {  	v42 =	vld [tilespmem:s21+$0x0];
	v41 =	vsub.f32 $0.0e+00, v37;
	v12 =	vsel vm2, v14, v38;
	v10 =	vmul.f32 v40, v20  }
0x16b: {  	v44 =	vsub.f32 $1.000000000e+00, v23;
	v45 =	vmul.f32 v12, v35;
	v46 =	vpop (erf);
	v8 =	vadd.f32 v9, v8  }
0x16c: {  	v48 =	vld [tilespmem:s21+$0x10];
	v13 =	vsel vm3, v37, v41;
	v12 =	vmul.f32 v46, v43;
	v47 =	vsub.f32 $0.0e+00, v10  }
0x16d: {  	v19 =	vsub.f32 $1.000000000e+00, v31;
	v49 =	vpop (erf);
	v50 =	vmul.f32 v13, v39;
	v8 =	vadd.f32 v45, v8  }
0x16e: {  	v53 =	vld [tilespmem:s21+$0x20];
	v51 =	vmul.f32 v49, v44;
	v52 =	vsub.f32 $0.0e+00, v12;
	v10 =	vsel vm1, v10, v47  }
0x16f: {  	vm1 =	vge.f32 v16, $0.0e+00;
	v8 =	vadd.f32 v50, v8;
	v54 =	vmul.f32 v10, v42;
	v55 =	vpop (erf)  }
0x170: {  	v57 =	vld [tilespmem:s21+$0x30];
	v56 =	vsub.f32 $0.0e+00, v51;
	v12 =	vsel vm1, v12, v52;
	v10 =	vmul.f32 v55, v19  }
0x171: {  	vm1 =	vge.f32 v11, $0.0e+00;
	v58 =	vmul.f32 v12, v48;
	v8 =	vadd.f32 v54, v8  }
0x172: {  	v11 =	vsel vm1, v51, v56;
	v59 =	vsub.f32 $0.0e+00, v10  }
0x173: {  	vm1 =	vge.f32 v17, $0.0e+00;
	v60 =	vmul.f32 v11, v53;
	v8 =	vadd.f32 v58, v8  }
0x174: {  	v10 =	vsel vm1, v10, v59  }
0x175: {  	v8 =	vadd.f32 v60, v8;
	v61 =	vmul.f32 v10, v57;
	_ =	sdelay $0x1  }
0x176: {  	v8 =	vadd.f32 v61, v8;
	_ =	sdelay $0x1  }
0x177: {  	v9 =	vperm.xlane v8, v4;
	_ =	sdelay $0x1  }
0x178: {  	v8 =	vadd.f32 v8, v9;
	_ =	sdelay $0x1  }
0x179: {  	v9 =	vperm.xlane v8, v5;
	_ =	sdelay $0x1  }
0x17a: {  	v8 =	vadd.f32 v8, v9;
	_ =	sdelay $0x1  }
0x17b: {  	v9 =	vperm.xlane v8, v6;
	_ =	sdelay $0x1  }
0x17c: {  	v8 =	vadd.f32 v8, v9  }
0x17d: {  	v62 =	vld [tilespmem:s22+$0x500]  }
0x17e: {  	v63 =	vperm.xlane v8, v7;
	_ =	sdelay $0x1  }
0x17f: {  	v8 =	vadd.f32 v8, v63;
	_ =	sdelay $0x1  }
0x180: {  	v9 =	vmul.f32 v8, v62;
	_ =	sdelay $0x1  }
0x181: {  	[tilespmem:s1+$0xFFFFFFC0] =	vst v9  }
0x182: {  	v9 =	vld [tilespmem:s22+$0x510];
	_ =	sdelay $0x4  }
0x183: {  	v9 =	vmul.f32 v8, v9;
	_ =	sdelay $0x1  }
0x184: {  	[tilespmem:s1+$0xFFFFFFD0] =	vst v9  }
0x185: {  	v9 =	vld [tilespmem:s22+$0x520];
	_ =	sdelay $0x4  }
0x186: {  	v9 =	vmul.f32 v8, v9;
	_ =	sdelay $0x1  }
0x187: {  	[tilespmem:s1+$0xFFFFFFE0] =	vst v9  }
0x188: {  	v9 =	vld [tilespmem:s22+$0x530];
	_ =	sdelay $0x4  }
0x189: {  	v9 =	vmul.f32 v8, v9;
	_ =	sdelay $0x1  }
0x18a: {  	[tilespmem:s1+$0xFFFFFFF0] =	vst v9  }
0x18b: {  	v9 =	vld [tilespmem:s22+$0x540];
	_ =	sdelay $0x4  }
0x18c: {  	v9 =	vmul.f32 v8, v9;
	_ =	sdelay $0x1  }
0x18d: {  	[tilespmem:s1+$0x0] =	vst v9  }
0x18e: {  	v9 =	vld [tilespmem:s22+$0x550];
	_ =	sdelay $0x4  }
0x18f: {  	v9 =	vmul.f32 v8, v9;
	_ =	sdelay $0x1  }
0x190: {  	[tilespmem:s1+$0x10] =	vst v9  }
0x191: {  	v9 =	vld [tilespmem:s22+$0x560];
	_ =	sdelay $0x4  }
0x192: {  	v9 =	vmul.f32 v9, v8;
	_ =	sdelay $0x1  }
0x193: {  	[tilespmem:s1+$0x20] =	vst v9  }
0x194: {  	v9 =	vld [tilespmem:s22+$0x570];
	_ =	sdelay $0x4  }
0x195: {  	s14 =	sadd.s32 $0x1, s14;
	v8 =	vmul.f32 v9, v8  }
0x196: {  	p0 =	sne.s32 s14, $0x7D  }
.Ltmp3:
0x197: {  	[tilespmem:s1+$0x30] =	vst v8;
	(pc) =	sbr.rel @p0 .LBB2_6-.Ltmp3, $4  }
0x198: {  	[spmem:s2] =	stream.indirect.scatter.add.f32 [tilespmem:s15], [sflag:$0x3], $0x80, s18, s0, $0xb8;
	[tilespmem:$0x1DD80] =	vst v63  }
0x199: {  	_ =	swait.ge [sflag:s16], $0x2800  }
0x19a: {  	[sflag:s16] =	ssyncset.done $0x0  }
0x19b: {  	[sflag:s16] =	ssyncadd.s32 $0xFFFFD800  }
0x19c: {  	s1 =	sadd.s32 $0x0, s11  }
0x19d: {  	p0 =	slt.s32 s1, $0x26E8  }
0x19e: {  	s1 =	simm.s32 @!p0 $0x26E8  }
0x19f: {  	s14 =	sadd.s32 $0x28, s11;
	s1 =	sshll.u32 s1, $0x7  }
0x1a0: {  	[bflag:$0x0] =	sbarrier.arrive $0xFFFF;
	p0 =	slt.s32 s14, $0x26E8;
	s9 =	sand.u32 $0x3FFFFF80, s1  }
0x1a1: {  	s14 =	simm.s32 @!p0 $0x26E8;
	s1 =	sadd.s32 s13, s1;
	s9 =	sadd.s32 s9, s2  }
0x1a2: {  	[tilespmem:s15], [sflag:$0x3] =	stream.linear.gather [spmem:s9], $0x1400, $0x38;
	[tilespmem:$0x1DD80] =	vst v63  }
0x1a3: {  	s17 =	sshrl.u32 s1, $0x3;
	s1 =	sshll.u32 s14, $0x7;
	_ =	swait.ge [sflag:s16], $0x1400  }
0x1a4: {  	s9 =	simm.s32 $0x50;
	s14 =	sadd.s32 s10, s17;
	[sflag:s16] =	ssyncset.done $0x0  }
.LBB2_10:
0x1a5: {  	s17 =	sand.u32 $0x3FFFFF80, s1  }
0x1a6: {  	[sflag:s16] =	ssyncadd.s32 $0xFFFFEC00;
	s21 =	smov.u32 s9;
	s22 =	sadd.s32 $0x28, s9  }
0x1a7: {  	[hbm4b:s14+s3] =	stream.linear.scatter [tilespmem:s15], [sflag:$0x3], $0x1400, $0x38;
	[tilespmem:$0x1DD80] =	vst v63  }
0x1a8: {  	p0 =	sne.s32 s9, $0x258;
	_ =	swait.ge [sflag:s16], $0x1400  }
0x1a9: {  	s9 =	sadd.s32 s21, s11;
	s14 =	sadd.s32 s17, s2;
	[sflag:s16] =	ssyncset.done $0x0  }
.Ltmp4:
0x1aa: {  	p1 =	slt.s32 s9, $0x26E8;
	[sflag:s16] =	ssyncadd.s32 $0xFFFFEC00;
	(pc) =	sbr.rel @p0 .LBB2_10-.Ltmp4, $4  }
0x1ab: {  	[tilespmem:s15], [sflag:$0x3] =	stream.linear.gather [spmem:s14], $0x1400, $0x38;
	[tilespmem:$0x1DD80] =	vst v63  }
0x1ac: {  	s1 =	sadd.s32 s13, s1;
	s9 =	simm.s32 @!p1 $0x26E8  }
0x1ad: {  	s14 =	sshrl.u32 s1, $0x3;
	s1 =	sshll.u32 s9, $0x7;
	_ =	swait.ge [sflag:s16], $0x1400  }
0x1ae: {  	s9 =	smov.u32 s22;
	s14 =	sadd.s32 s10, s14;
	[sflag:s16] =	ssyncset.done $0x0  }
0x1af: {  	[sflag:s16] =	ssyncadd.s32 $0xFFFFEC00  }
0x1b0: {  	[hbm4b:s14+s3] =	stream.linear.scatter [tilespmem:s15], [sflag:$0x3], $0x1400, $0x38;
	[tilespmem:$0x1DD80] =	vst v63  }
0x1b1: {  	_ =	swait.ge [sflag:s16], $0x1400  }
0x1b2: {  	s9 =	sand.u32 $0x3FFFFF80, s1;
	[sflag:s16] =	ssyncset.done $0x0  }
0x1b3: {  	s9 =	sadd.s32 s9, s2;
	[sflag:s16] =	ssyncadd.s32 $0xFFFFEC00  }
0x1b4: {  	[tilespmem:s15], [sflag:$0x3] =	stream.linear.gather [spmem:s9], $0x1400, $0x38;
	[tilespmem:$0x1DD80] =	vst v63  }
0x1b5: {  	s25 =	sadd.s32 s13, s1;
	_ =	swait.ge [sflag:s16], $0x1400  }
0x1b6: {  	s1 =	sshrl.u32 s25, $0x3;
	[sflag:s16] =	ssyncset.done $0x0  }
0x1b7: {  	s1 =	sadd.s32 s10, s1;
	[sflag:s16] =	ssyncadd.s32 $0xFFFFEC00  }
0x1b8: {  	[hbm4b:s1+s3] =	stream.linear.scatter [tilespmem:s15], [sflag:$0x3], $0x1400, $0x38;
	[tilespmem:$0x1DD80] =	vst v63  }
0x1b9: {  	_ =	swait.ge [sflag:s16], $0x1400  }
0x1ba: {  	s26 =	rddreg [dreg:$0x6]  }
0x1bb: {  	s28 =	rddreg [dreg:$0x5];
	s9 =	sadd.s32 $0x1, s26  }
0x1bc: {  	p0 =	sne.s32 s9, s28  }
.Ltmp5:
0x1bd: {  	_ = 	snop;
	(pc) =	sbr.rel @p0 .LBB2_1-.Ltmp5, $3  }
0x1be: {  	_ =	sdelay $0x1  }
0x1bf: {  	[sflag:s16] =	ssyncset.done $0x0  }
0x1c0: {  	[sflag:s16] =	ssyncadd.s32 $0xFFFFEC00  }
0x1c1: {  	_ =	sfence.sel $0x180000  }
0x1c2: {  	[bflag:$0x0] =	sbarrier.arrive $0xFFFF  }
0x1c3: {  	_ =	strace $0x9000004A  }
0x1c4: {  	s0 =	stileid.u32;
	[bflag:$0x2] =	sbarrier.arrive $0xFFFF  }
0x1c5: {  	p0 =	sne.s32 s0, $0x0;
	s0 =	rddreg [dreg:$0x3]  }
0x1c6: {  	s0 =	sadd.s32 @!p0 $0x100000, s0  }
0x1c7: {  	[sflag:s0] =	ssyncadd.tile.s32 @!p0 $0x1;
	_ =	shalt  }
.Lfunc_end2:
_tile_overlayer_lowered:
.L_overlay_start_2:
0x1c8: {  	(tag) =	ssettag $0x2  }
0x1c9: {  	s0 =	rddreg [dreg:$0x0];
	s2 =	stileid.u32  }
0x1ca: {  	s1 =	rddreg [dreg:$0x1];
	p0 =	sne.s32 s2, $0x0  }
0x1cb: {  	s3 =	rddreg [dreg:$0x2];
	[bflag:$0x3] =	sbarrier.arrive $0xFFFF;
	s2 =	simm.s32 @!p0 $0x1C03  }
0x1cc: {  	[timem:s3], [sflag:s2] =	dma.local @!p0 [hbm:s0], s1  }
0x1cd: {  	s0 =	simm.s32 @!p0 $0x3  }
0x1ce: {  	_ =	swait.ge @!p0 [sflag:s0], s1  }
0x1cf: {  	s1 =	ssub.s32 @!p0 $0x0, s1;
	[sflag:s0] =	ssyncset.done @!p0 $0x0  }
0x1d0: {  	[sflag:s0] =	ssyncadd.s32 @!p0 s1  }
0x1d1: {  	[bflag:$0x3] =	sbarrier.arrive $0xFFFF  }
0x1d2: {  	_ =	shalt  }

// kernel: kernel.7.cloned.1.call-start
scs
__scs_entry_jumppad:
0x0: {  	(pc) =	sbr.rel $0x88, $3  }
0x1: {  	(tag) =	ssettag $0x0;
	lr =	simm.s32 $0x1  }
0x2: {  	[smem:$0x3F9A] =	sst lr;
	_ =	strace $0xD0000000  }
0x3: {  	_ = 	snop  }
0x4: {  	_ = 	snop  }
0x5: {  	_ = 	snop  }
0x6: {  	_ = 	snop  }
0x7: {  	_ = 	snop  }
__scs_overlays_trampoline_lowered:
0x8: {  	[smem:$0x3FA9] =	sst s0  }
0x9: {  	[smem:$0x3FAA] =	sst s1  }
0xa: {  	[smem:$0x3FAB] =	sst s2  }
0xb: {  	[smem:$0x3FAC] =	sst s3  }
0xc: {  	[smem:$0x3FAD] =	sst s4  }
0xd: {  	[smem:$0x3FAE] =	sst s5  }
0xe: {  	[smem:$0x3FAF] =	sst s6  }
0xf: {  	[smem:$0x3FB0] =	sst s7  }
0x10: {  	[smem:$0x3FB1] =	sst s8  }
0x11: {  	[smem:$0x3FB2] =	sst s9;
	s0 =	simm.s32 @!p0 $0x0  }
0x12: {  	s1 =	sld [smem:$0x3F98];
	s0 =	simm.s32 @p0 $0x1  }
0x13: {  	[smem:$0x3FB3] =	sst s0;
	s0 =	simm.s32 @!p1 $0x0  }
0x14: {  	s2 =	sld [smem:$0x3F97];
	s0 =	simm.s32 @p1 $0x1  }
0x15: {  	[smem:$0x3FB4] =	sst s0;
	s0 =	simm.s32 @!p2 $0x0  }
0x16: {  	s3 =	sld [smem:$0x3FDB];
	s0 =	simm.s32 @p2 $0x1  }
0x17: {  	s4 =	simm.s32 $0x1BF5;
	[smem:$0x3FB6] =	sst s0  }
0x18: {  	s0 =	sld [smem:$0x3F99];
	_ =	swait.ge [sflag:s4], $0x0  }
0x19: {  	s7 =	sld [smem:$0x3F9A]  }
0x1a: {  	s8 =	sadd.s32 $0xFFFFE003, lr  }
0x1b: {  	s9 =	sadd.s32 $0xFFFFFEF7, lr;
	s5 =	simm.s32 $0xFFFFFFFF;
	p2 =	slt.u32 s8, $0xFFFFF086  }
0x1c: {  	p1 =	slt.u32 s9, $0xF7A;
	s5 =	simm.s32 @!p2 $0x0  }
0x1d: {  	s5 =	simm.s32 @p1 $0x1;
	p0 =	seq.s32 s7, s2  }
0x1e: {  	s7 =	smul.u32 @!p0 $0xF7A, s2;
	p2 =	seq.s32 @!p0 s5, $0x0  }
0x1f: {  	s9 =	smul.u32 $0xF7A, s1;
	s8 =	simm.s32 @!p0 $0x1BF5;
	p2 =	por !p2, p0  }
0x20: {  	[sflag:s8] =	ssyncset.s32 @!p0 $0xFFFFF086;
	s6 =	sadd.s32 @!p0 s3, s7;
	s7 =	simm.s32 @!p0 $0x108  }
0x21: {  	s3 =	sadd.s32 s3, s9;
	s6 =	sadd.s32 @!p0 $0x88, s6;
	s7 =	simm.s32 @p2 $0x1082  }
0x22: {  	[simem:s7], [sflag:s8] =	dma.local @!p0 [hbm:s6], $0xF7A  }
0x23: {  	s9 =	sor.u32 $0xD0000000, s2;
	s6 =	simm.s32 $0x108;
	_ =	swait.ge @!p0 [sflag:s8], $0x0  }
0x24: {  	s3 =	sadd.s32 $0x88, s3;
	s6 =	simm.s32 @!p1 $0x1082;
	[sflag:s4] =	ssyncset.s32 $0xFFFFF086  }
0x25: {  	[simem:s6], [sflag:s4] =	dma.local [hbm:s3], $0xF7A  }
0x26: {  	[smem:$0x3F9A] =	sst s1;
	(tag) =	ssettag s2;
	_ =	strace s9  }
0x27: {  	s1 =	sld [smem:$0x3FAA]  }
0x28: {  	s2 =	sld [smem:$0x3FAB]  }
0x29: {  	s4 =	sld [smem:$0x3FAD]  }
0x2a: {  	p0 =	seq.s32 s5, $0x0;
	s5 =	sld [smem:$0x3FAE]  }
0x2b: {  	s6 =	sld [smem:$0x3FAF]  }
0x2c: {  	s7 =	sld [smem:$0x3FB0]  }
0x2d: {  	s3 =	simm.s32 $0x108;
	s8 =	sld [smem:$0x3FB1]  }
0x2e: {  	s3 =	simm.s32 @!p0 $0x1082;
	s9 =	sld [smem:$0x3FB2]  }
0x2f: {  	lr =	sadd.s32 s0, s3;
	s0 =	sld [smem:$0x3FA9]  }
0x30: {  	s3 =	sld [smem:$0x3FAC]  }
0x31: {  	[smem:$0x3FB5] =	sst s10  }
0x32: {  	s10 =	sld [smem:$0x3FB3];
	_ =	sdelay $0x3  }
0x33: {  	p0 =	seq.s32 s10, $0x1;
	s10 =	sld [smem:$0x3FB5];
	_ =	sdelay $0x3  }
0x34: {  	[smem:$0x3FB5] =	sst s10  }
0x35: {  	s10 =	sld [smem:$0x3FB4];
	_ =	sdelay $0x3  }
0x36: {  	p1 =	seq.s32 s10, $0x1;
	s10 =	sld [smem:$0x3FB5];
	_ =	sdelay $0x3  }
0x37: {  	[smem:$0x3FB5] =	sst s10  }
0x38: {  	s10 =	sld [smem:$0x3FB6]  }
0x39: {  	_ = 	snop;
	(pc) =	sbr.ind lr, $3  }
0x3a: {  	_ = 	snop  }
0x3b: {  	_ = 	snop  }
0x3c: {  	p2 =	seq.s32 s10, $0x1;
	s10 =	sld [smem:$0x3FB5]  }
0x3d: {  	_ =	shalt  }
0x3e: {  	_ =	shalt  }
0x3f: {  	_ =	shalt  }
0x40: {  	_ =	shalt  }
0x41: {  	_ =	shalt  }
0x42: {  	_ =	shalt  }
0x43: {  	_ =	shalt  }
0x44: {  	_ =	shalt  }
0x45: {  	_ =	shalt  }
0x46: {  	_ =	shalt  }
0x47: {  	_ =	shalt  }
0x48: {  	_ =	shalt  }
0x49: {  	_ =	shalt  }
0x4a: {  	_ =	shalt  }
0x4b: {  	_ =	shalt  }
0x4c: {  	_ =	shalt  }
0x4d: {  	_ =	shalt  }
0x4e: {  	_ =	shalt  }
0x4f: {  	_ =	shalt  }
0x50: {  	_ =	shalt  }
0x51: {  	_ =	shalt  }
0x52: {  	_ =	shalt  }
0x53: {  	_ =	shalt  }
0x54: {  	_ =	shalt  }
0x55: {  	_ =	shalt  }
0x56: {  	_ =	shalt  }
0x57: {  	_ =	shalt  }
0x58: {  	_ =	shalt  }
0x59: {  	_ =	shalt  }
0x5a: {  	_ =	shalt  }
0x5b: {  	_ =	shalt  }
0x5c: {  	_ =	shalt  }
0x5d: {  	_ =	shalt  }
0x5e: {  	_ =	shalt  }
0x5f: {  	_ =	shalt  }
0x60: {  	_ =	shalt  }
0x61: {  	_ =	shalt  }
0x62: {  	_ =	shalt  }
0x63: {  	_ =	shalt  }
0x64: {  	_ =	shalt  }
0x65: {  	_ =	shalt  }
0x66: {  	_ =	shalt  }
0x67: {  	_ =	shalt  }
0x68: {  	_ =	shalt  }
0x69: {  	_ =	shalt  }
0x6a: {  	_ =	shalt  }
0x6b: {  	_ =	shalt  }
0x6c: {  	_ =	shalt  }
0x6d: {  	_ =	shalt  }
0x6e: {  	_ =	shalt  }
0x6f: {  	_ =	shalt  }
0x70: {  	_ =	shalt  }
0x71: {  	_ =	shalt  }
0x72: {  	_ =	shalt  }
0x73: {  	_ =	shalt  }
0x74: {  	_ =	shalt  }
0x75: {  	_ =	shalt  }
0x76: {  	_ =	shalt  }
0x77: {  	_ =	shalt  }
0x78: {  	_ =	shalt  }
0x79: {  	_ =	shalt  }
0x7a: {  	_ =	shalt  }
0x7b: {  	_ =	shalt  }
0x7c: {  	_ =	shalt  }
0x7d: {  	_ =	shalt  }
0x7e: {  	_ =	shalt  }
0x7f: {  	_ =	shalt  }
0x80: {  	_ =	shalt  }
0x81: {  	_ =	shalt  }
0x82: {  	_ =	shalt  }
0x83: {  	_ =	shalt  }
0x84: {  	_ =	shalt  }
0x85: {  	_ =	shalt  }
0x86: {  	_ =	shalt  }
0x87: {  	_ =	shalt  }
.Lfunc_end0:
.L_simem_size_0:
called_computation_lowered:
.L_overlay_start_0:
0x88: {  	s2 =	sld [smem:$0x3FD9]  }
0x89: {  	s3 =	sld [smem:$0x3FFE];
	_ =	sdelay $0x1  }
0x8a: {  	s1 =	srdreg.scid  }
0x8b: {  	s0 =	sand.u32 $0x1, s1  }
0x8c: {  	s17 =	sshll.u32 s0, $0xA;
	s2 =	sadd.s32 s3, s2  }
0x8d: {  	s2 =	sadd.s32 s2, s17  }
0x8e: {  	[smem:$0x3FC1] =	sst s2  }
0x8f: {  	_ = 	snop  }
0x90: {  	s2 =	sld [smem:$0x3FC9]  }
0x91: {  	s18 =	sld [smem:$0x3FC6]  }
0x92: {  	s4 =	sld [smem:$0x3FD0];
	(tm) =	ssettm $0x1  }
0x93: {  	s5 =	sld [smem:$0x3FFB];
	_ =	sdelay $0x3  }
0x94: {  	_ =	strace s5  }
0x95: {  	s5 =	sld [smem:$0x3FFC];
	_ =	sdelay $0x3  }
0x96: {  	_ =	strace s5  }
0x97: {  	s5 =	sld [smem:$0x3FFD];
	_ =	sdelay $0x3  }
0x98: {  	_ =	strace s5  }
0x99: {  	_ =	strace $0x8FFFFFFF  }
0x9a: {  	s19 =	sld [smem:$0x3FDB];
	_ =	sdelay $0x1  }
0x9b: {  	s6 =	simm.s32 $_scs_section_size  }
0x9c: {  	s7 =	simm.s32 $_size__tile_overlayer_lowered;
	s8 =	simm.s32 $_tile_overlayer_lowered  }
0x9d: {  	s22 =	simm.s32 $0x1BFF;
	s21 =	sshll.u32 s8, $0x1;
	s5 =	sadd.s32 s6, s19  }
0x9e: {  	s9 =	simm.s32 $0x0;
	s20 =	sshll.u32 s7, $0x1;
	s7 =	sadd.s32 s21, s5  }
0x9f: {  	[timem:s9], [sflag:s22] =	dma.local [hbm:s7], s20  }
0xa0: {  	_ =	swait.ge [sflag:s22], s20  }
0xa1: {  	s6 =	ssub.s32 $0x0, s20;
	[sflag:s22] =	ssyncset.done $0x0  }
0xa2: {  	[sflag:s22] =	ssyncadd.s32 s6;
	_ =	sdelay $0x1  }
0xa3: {  	s23 =	simm.s32 $0x1B8B  }
0xa4: {  	_ =	swait.ge [sflag:s23], $0x1  }
0xa5: {  	[sflag:s23] =	ssyncset.done $0x0  }
0xa6: {  	s25 =	simm.s32 $0x1B8E;
	s24 =	sld [smem:$0x3FFE];
	[sflag:s23] =	ssyncadd.s32 $0xFFFFFFFF  }
0xa7: {  	s26 =	simm.s32 $execute0_lowered;
	[smem:$0x3FD2] =	sst s25  }
0xa8: {  	s7 =	sshll.u32 s26, $0x1;
	_ =	strace $0x80000046;
	[dreg:$0x1] =	wrdreg $0xFFFFFFFF  }
0xa9: {  	s28 =	simm.s32 $_size_execute0_lowered;
	s5 =	sadd.s32 s5, s7;
	[dreg:$0x0] =	wrdreg $0x0  }
0xaa: {  	s7 =	sshll.u32 s28, $0x1;
	[dreg:$0x2] =	wrdreg s5  }
0xab: {  	[dreg:$0x3] =	wrdreg s7  }
0xac: {  	[dreg:$0x4] =	wrdreg $0xC0  }
0xad: {  	_ =	task [dreg:s9], $0x5FFFF  }
0xae: {  	[dreg:$0x1] =	wrdreg $0xFFFFFFFF  }
0xaf: {  	[dreg:$0x0] =	wrdreg $0x60  }
0xb0: {  	[dreg:$0x2] =	wrdreg s2  }
0xb1: {  	[dreg:$0x3] =	wrdreg s24  }
0xb2: {  	[dreg:$0x4] =	wrdreg s4  }
0xb3: {  	[dreg:$0x5] =	wrdreg s18  }
0xb4: {  	[dreg:$0x6] =	wrdreg $0x7D800  }
0xb5: {  	[dreg:$0x7] =	wrdreg $0x9  }
0xb6: {  	_ =	task.clear_ibuf [dreg:s9], $0x8FFFF;
	_ =	strace $0x90000046  }
0xb7: {  	s29 =	simm.s32 $0x9;
	_ =	strace $0x80000048  }
0xb8: {  	_ =	swait.ge [sflag:s29], $0x1  }
0xb9: {  	[sflag:s29] =	ssyncadd.s32 $0xFFFFFFFF  }
0xba: {  	_ =	strace $0x90000048  }
0xbb: {  	_ =	sfence  }
0xbc: {  	s30 =	sld [smem:$0x0];
	_ =	sdelay $0x2  }
0xbd: {  	s31 =	sshll.u32 s1, $0xD;
	s1 =	sshrl.u32 s1, $0x2  }
0xbe: {  	s3 =	sand.u32 $0x4000, s31;
	s1 =	sadd.s32 s1, s30  }
0xbf: {  	s0 =	sor.u32 s3, s0;
	s1 =	sshll.u32 s1, $0x11  }
0xc0: {  	s0 =	sor.u32 s1, s0  }
0xc1: {  	s0 =	sadd.s32 $0x8F2B, s0  }
0xc2: {  	[sflag:s0] =	ssyncadd.remote.s32 $0x1  }
0xc3: {  	_ =	sfence.sel $0xFFFF  }
0xc4: {  	[dreg:$0x0] =	wrdreg $0xFFFFFFFF;
	(pc) =	sbr.abs _section_cstart, $3  }
0xc5: {  	[dreg:$0x1] =	wrdreg $0xFFFFFFFF  }
0xc6: {  	_ =	task.clear_ibuf [dreg:s9], $0x2FFFF;
	_ =	strace $0x9FFFFFFF  }
0xc7: {  	(tm) =	ssettm $0x7FFFFFFF  }
tec
execute0_lowered:
.L_overlay_start_1:
0x0: {  	(tag) =	ssettag $0x1  }
0x1: {  	s1 =	rddreg [dreg:$0x0]  }
0x2: {  	s9 =	rddreg [dreg:$0x1]  }
0x3: {  	s2 =	rddreg [dreg:$0x2]  }
0x4: {  	s3 =	rddreg [dreg:$0x3]  }
0x5: {  	s4 =	rddreg [dreg:$0x4]  }
0x6: {  	s0 =	rddreg [dreg:$0x5];
	s5 =	simm.s32 $0x0;
	s6 =	srdreg.scid  }
0x7: {  	s15 =	simm.s32 $0x3;
	s16 =	simm.s32 $0x7900;
	s17 =	simm.s32 $0x7980  }
0x8: {  	s18 =	simm.s32 $0x80;
	s19 =	simm.s32 $0x1;
	s20 =	simm.s32 $0x2  }
0x9: {  	s21 =	simm.s32 $0x50;
	s22 =	simm.s32 $0x100;
	s23 =	simm.s32 $0x2900  }
0xa: {  	s24 =	simm.s32 $0x0;
	[smem:$0x7FF] =	sst s5;
	s12 =	sand.u32 $0x1, s6  }
0xb: {  	s7 =	sadd.s32 $0x200, s9;
	s6 =	stileid.u32;
	s8 =	sadd.s32 $0xA000, s9  }
0xc: {  	s9 =	sadd.s32 $0xA400, s9;
	s10 =	ssub.s32 $0x2, s12;
	s13 =	smul.u32 $0x278, s6  }
0xd: {  	p0 =	seq.s32 s12, $0x1;
	s12 =	smul.u32 $0x138800, s12;
	s11 =	sshrl.u32 s10, $0x1  }
0xe: {  	_ =	strace $0x80000047;
	s14 =	ssub.s32 s10, s11;
	s10 =	smul.u32 $0x4E20, s6  }
0xf: {  	v0 =	vimm.f32 $0.0e+00;
	s11 =	smin.u32 s13, $0x2498;
	s13 =	smax.u32 s14, $0x1;
	s14 =	simm.s32 $0x5100  }
.LBB2_1:
0x10: {  	s25 =	simm.s32 $0x0;
	s26 =	simm.s32 $0x200  }
.LBB2_2:
0x11: {  	p1 =	sne.s32 s26, $0x9E00;
	[tilespmem:s25+$0x5170] =	vst v0  }
0x12: {  	[tilespmem:s25+$0x5100] =	vst v0  }
0x13: {  	[tilespmem:s25+$0x5110] =	vst v0  }
.Ltmp0:
0x14: {  	[tilespmem:s25+$0x5120] =	vst v0;
	(pc) =	sbr.rel @p1 .LBB2_2-.Ltmp0, $4  }
0x15: {  	[tilespmem:s25+$0x5130] =	vst v0  }
0x16: {  	[tilespmem:s25+$0x5140] =	vst v0  }
0x17: {  	[tilespmem:s25+$0x5150] =	vst v0  }
0x18: {  	[tilespmem:s25+$0x5160] =	vst v0;
	s25 =	sshra.s32 s26, $0x2;
	s26 =	sadd.s32 $0x200, s26  }
0x19: {  	[tilespmem:s25+$0x5170] =	vst v0  }
0x1a: {  	[tilespmem:s25+$0x5100] =	vst v0  }
0x1b: {  	[tilespmem:s25+$0x5110] =	vst v0;
	s26 =	sadd.s32 $0x0, s11  }
0x1c: {  	[tilespmem:s25+$0x5120] =	vst v0;
	p1 =	slt.s32 s26, $0x26E8  }
0x1d: {  	[tilespmem:s25+$0x5130] =	vst v0;
	s26 =	simm.s32 @!p1 $0x26E8  }
0x1e: {  	[tilespmem:s25+$0x5140] =	vst v0;
	s28 =	sadd.s32 $0x28, s11;
	s26 =	sshll.u32 s26, $0x7  }
0x1f: {  	[tilespmem:s25+$0x5150] =	vst v0;
	p1 =	slt.s32 s28, $0x26E8;
	s26 =	sand.u32 $0x3FFFFF80, s26  }
0x20: {  	[tilespmem:s25+$0x5160] =	vst v0;
	s28 =	simm.s32 @!p1 $0x26E8;
	s31 =	sadd.s32 s26, s4  }
0x21: {  	[spmem:s31] =	stream.linear.scatter [tilespmem:s14], [sflag:$0x3], $0x1400, $0x38;
	[tilespmem:$0x1B600] =	vst v63  }
0x22: {  	s25 =	simm.s32 $0x50;
	s26 =	sshll.u32 s28, $0x7;
	_ =	swait.ge [sflag:s15], $0x1400  }
.LBB2_4:
0x23: {  	s28 =	sadd.s32 s25, s11  }
0x24: {  	s26 =	sand.u32 $0x3FFFFF80, s26;
	p1 =	slt.s32 s28, $0x26E8  }
0x25: {  	[sflag:s15] =	ssyncset.done $0x0;
	s28 =	simm.s32 @!p1 $0x26E8;
	p1 =	sne.s32 s25, $0x258  }
.Ltmp1:
0x26: {  	s26 =	sadd.s32 s26, s4;
	[sflag:s15] =	ssyncadd.s32 $0xFFFFEC00;
	(pc) =	sbr.rel @p1 .LBB2_4-.Ltmp1, $4  }
0x27: {  	[spmem:s26] =	stream.linear.scatter [tilespmem:s14], [sflag:$0x3], $0x1400, $0x38;
	[tilespmem:$0x1B600] =	vst v63  }
0x28: {  	_ = 	snop  }
0x29: {  	s26 =	sshll.u32 s28, $0x7  }
0x2a: {  	s25 =	sadd.s32 $0x28, s25;
	_ =	swait.ge [sflag:s15], $0x1400  }
0x2b: {  	s25 =	sand.u32 $0x3FFFFF80, s26;
	[sflag:s15] =	ssyncset.done $0x0  }
0x2c: {  	s25 =	sadd.s32 s25, s4;
	[sflag:s15] =	ssyncadd.s32 $0xFFFFEC00  }
0x2d: {  	[spmem:s25] =	stream.linear.scatter [tilespmem:s14], [sflag:$0x3], $0x1400, $0x38;
	[tilespmem:$0x1B600] =	vst v63  }
0x2e: {  	_ =	swait.ge [sflag:s15], $0x1400  }
0x2f: {  	[sflag:s15] =	ssyncset.done $0x0  }
0x30: {  	s25 =	simm.s32 $0x0;
	[sflag:s15] =	ssyncadd.s32 $0xFFFFEC00  }
0x31: {  	[tilespmem:s16], [sflag:$0x3] =	stream.linear.gather [hbm4b:s3+s25], $0x80, $0x38;
	[tilespmem:$0x1B600] =	vst v63  }
0x32: {  	_ =	swait.ge [sflag:s15], $0x80  }
0x33: {  	[sflag:s15] =	ssyncset.done $0x0  }
0x34: {  	[sflag:s15] =	ssyncadd.s32 $0xFFFFFF80  }
0x35: {  	[tilespmem:s17], [sflag:$0x3] =	stream.linear.gather [hbm4b:s8+s25], $0x400, $0x38;
	[tilespmem:$0x1B600] =	vst v63  }
0x36: {  	_ =	swait.ge [sflag:s15], $0x400  }
0x37: {  	[sflag:s15] =	ssyncset.done $0x0  }
0x38: {  	[sflag:s15] =	ssyncadd.s32 $0xFFFFFC00  }
0x39: {  	[bflag:$0x0] =	sbarrier.arrive $0xFFFF  }
0x3a: {  	v1 =	vld [tilespmem:$0x7900]  }
0x3b: {  	v2 =	vld [tilespmem:$0x7910]  }
0x3c: {  	v3 =	vld [tilespmem:$0x7920]  }
0x3d: {  	v13 =	vld [tilespmem:$0x7980]  }
0x3e: {  	v9 =	vld [tilespmem:$0x7A00]  }
0x3f: {  	v11 =	vld [tilespmem:$0x7A80]  }
0x40: {  	v12 =	vld [tilespmem:$0x7B00]  }
0x41: {  	v4 =	vld [tilespmem:$0x7930]  }
0x42: {  	v5 =	vld [tilespmem:$0x7940]  }
0x43: {  	v6 =	vld [tilespmem:$0x7950]  }
0x44: {  	v7 =	vld [tilespmem:$0x7960];
	v8 =	vand.u32 $0xF, v13;
	v9 =	vand.u32 $0xF, v9  }
0x45: {  	s26 =	simm.s32 $0x0;
	v10 =	vld [tilespmem:$0x7970];
	v11 =	vand.u32 $0xF, v11;
	v12 =	vand.u32 $0xF, v12;
	vm0 =	veq.s32 @p0 v13, $0x8  }
.LBB2_6:
0x46: {  	s28 =	smul.u32 $0x50, s26;
	_ =	sdelay $0x1  }
0x47: {  	s28 =	sadd.s32 s10, s28  }
0x48: {  	s28 =	sshrl.u32 s28, $0x3  }
0x49: {  	s29 =	sadd.s32 s7, s28  }
0x4a: {  	[tilespmem:s25], [sflag:$0x1] =	stream.linear.gather [hbm4b:s29+s25], $0x50, $0x38;
	[tilespmem:$0x1B600] =	vst v63  }
0x4b: {  	s28 =	sadd.s32 s2, s28  }
0x4c: {  	[tilespmem:s18], [sflag:$0x2] =	stream.linear.gather [hbm4b:s28+s25], $0x50, $0x38;
	[tilespmem:$0x1B600] =	vst v63  }
0x4d: {  	_ =	swait.ge [sflag:s19], $0x50  }
0x4e: {  	[sflag:s19] =	ssyncset.done $0x0  }
0x4f: {  	[sflag:s19] =	ssyncadd.s32 $0xFFFFFFB0  }
0x50: {  	_ =	swait.ge [sflag:s20], $0x50  }
0x51: {  	[sflag:s20] =	ssyncset.done $0x0  }
0x52: {  	[sflag:s20] =	ssyncadd.s32 $0xFFFFFFB0  }
0x53: {  	[tilespmem:s22], [sflag:$0x1] =	stream.indirect.gather [hbm4b:s1+s21], $0x80, s25, s21, $0xb8;
	[tilespmem:$0x1B600] =	vst v63  }
0x54: {  	_ = 	snop  }
0x55: {  	[tilespmem:s23], [sflag:$0x2] =	stream.indirect.gather [hbm4b:s1+s21], $0x80, s18, s21, $0xb8;
	[tilespmem:$0x1B600] =	vst v63  }
0x56: {  	_ =	swait.ge [sflag:s19], $0x2800  }
0x57: {  	[sflag:s19] =	ssyncset.done $0x0  }
0x58: {  	[sflag:s19] =	ssyncadd.s32 $0xFFFFD800  }
0x59: {  	_ =	swait.ge [sflag:s20], $0x2800  }
0x5a: {  	[sflag:s20] =	ssyncset.done $0x0  }
0x5b: {  	s29 =	simm.s32 $0x0;
	[sflag:s20] =	ssyncadd.s32 $0xFFFFD800  }
0x5c: {  	v13 =	vld [tilespmem:s29+$0x2900]  }
0x5d: {  	v14 =	vld [tilespmem:s29+$0x100]  }
0x5e: {  	v15 =	vld [tilespmem:s29+$0x110]  }
0x5f: {  	v16 =	vld [tilespmem:s29+$0x120]  }
0x60: {  	v17 =	vld [tilespmem:s29+$0x2910]  }
0x61: {  	v18 =	vld [tilespmem:s29+$0x130]  }
0x62: {  	v19 =	vld [tilespmem:s29+$0x2920]  }
0x63: {  	v21 =	vld [tilespmem:s29+$0x140];
	v20 =	vmul.f32 v14, v1;
	v15 =	vmul.f32 v15, v2  }
0x64: {  	v22 =	vld [tilespmem:s29+$0x2930];
	v16 =	vmul.f32 v16, v3  }
0x65: {  	v57 =	vld [tilespmem:s29+$0x150];
	v13 =	vmul.f32 v13, v20;
	v15 =	vmul.f32 v17, v15  }
0x66: {  	v58 =	vld [tilespmem:s29+$0x2940]  }
0x67: {  	v59 =	vld [tilespmem:s29+$0x160];
	v18 =	vmul.f32 v18, v4;
	v16 =	vmul.f32 v19, v16;
	v13 =	vadd.f32 v15, v13  }
0x68: {  	v15 =	vld [tilespmem:s29+$0x2950]  }
0x69: {  	v60 =	vld [tilespmem:s29+$0x170];
	v21 =	vmul.f32 v21, v5;
	v18 =	vmul.f32 v22, v18;
	v13 =	vadd.f32 v16, v13  }
0x6a: {  	v61 =	vld [tilespmem:s29+$0x2960]  }
0x6b: {  	v20 =	vmul.f32 v57, v6;
	v17 =	vmul.f32 v58, v21;
	v13 =	vadd.f32 v18, v13  }
0x6c: {  	v62 =	vld [tilespmem:s29+$0x2970]  }
0x6d: {  	v19 =	vmul.f32 v59, v7;
	v15 =	vmul.f32 v15, v20;
	v13 =	vadd.f32 v17, v13;
	_ =	sdelay $0x1  }
0x6e: {  	v63 =	vmul.f32 v60, v10;
	v16 =	vmul.f32 v61, v19;
	v13 =	vadd.f32 v15, v13;
	_ =	sdelay $0x1  }
0x6f: {  	v15 =	vmul.f32 v62, v63;
	v13 =	vadd.f32 v16, v13;
	_ =	sdelay $0x1  }
0x70: {  	v13 =	vadd.f32 v15, v13;
	_ =	sdelay $0x1  }
0x71: {  	v15 =	vperm.xlane v13, v8;
	_ =	sdelay $0x1  }
0x72: {  	v13 =	vadd.f32 v13, v15;
	_ =	sdelay $0x1  }
0x73: {  	v15 =	vperm.xlane v13, v9;
	_ =	sdelay $0x1  }
0x74: {  	v13 =	vadd.f32 v13, v15;
	_ =	sdelay $0x1  }
0x75: {  	v15 =	vperm.xlane v13, v11;
	_ =	sdelay $0x1  }
0x76: {  	v13 =	vadd.f32 v13, v15;
	_ =	sdelay $0x1  }
0x77: {  	v15 =	vperm.xlane v13, v12;
	_ =	sdelay $0x1  }
0x78: {  	v13 =	vadd.f32 v13, v15;
	_ =	sdelay $0x1  }
0x79: {  	v15 =	vmul.f32 $2.000000030e-01, v13  }
0x7a: {  	vm1 =	vge.f32 v13, $0.0e+00  }
0x7b: {  	v13 =	vsel vm1, v13, v15  }
0x7c: {  	v13 =	vmul.f32 $1.442695020e+00, v13;
	_ =	sdelay $0x1  }
0x7d: {  	(erf) = vpow2.f32 v13;
	_ =	sdelay $0x5  }
0x7e: {  	v15 =	vld @!p0 [tilespmem:s29+$0x110];
	_ =	sdelay $0x2  }
0x7f: {  	v13 =	vpop (erf)  }
0x80: {  	v16 =	vnsel @p0 vm0, $0x0, v13;
	v14 =	vmul.f32 @!p0 v13, v14  }
0x81: {  	v15 =	vmul.f32 @!p0 v15, v13;
	[tilespmem:s29+$0x5100] =	vst @p0 v16  }
0x82: {  	s31 =	simm.s32 @!p0 $0x0;
	[tilespmem:s29+$0x5100] =	vst @!p0 v14  }
0x83: {  	[tilespmem:s31+$0x5110] =	vst @!p0 v15  }
0x84: {  	v14 =	vld @!p0 [tilespmem:s29+$0x120];
	_ =	sdelay $0x4  }
0x85: {  	v14 =	vmul.f32 @!p0 v14, v13;
	_ =	sdelay $0x1  }
0x86: {  	v15 =	vld @!p0 [tilespmem:s31+$0x140];
	[tilespmem:s31+$0x5120] =	vst @!p0 v14  }
0x87: {  	v14 =	vld @!p0 [tilespmem:s29+$0x130];
	_ =	sdelay $0x3  }
0x88: {  	v15 =	vmul.f32 @!p0 v15, v13  }
0x89: {  	v14 =	vmul.f32 @!p0 v14, v13  }
0x8a: {  	[tilespmem:s31+$0x5140] =	vst @!p0 v15  }
0x8b: {  	[tilespmem:s31+$0x5130] =	vst @!p0 v14  }
0x8c: {  	v14 =	vld @!p0 [tilespmem:s29+$0x150];
	_ =	sdelay $0x4  }
0x8d: {  	v14 =	vmul.f32 @!p0 v14, v13;
	_ =	sdelay $0x1  }
0x8e: {  	[tilespmem:s31+$0x5150] =	vst @!p0 v14  }
0x8f: {  	v14 =	vld @!p0 [tilespmem:s29+$0x160];
	_ =	sdelay $0x4  }
0x90: {  	v14 =	vmul.f32 @!p0 v14, v13;
	_ =	sdelay $0x1  }
0x91: {  	[tilespmem:s31+$0x5160] =	vst @!p0 v14  }
0x92: {  	s28 =	simm.s32 $0x200;
	v14 =	vld @!p0 [tilespmem:s29+$0x170]  }
.LBB2_7:
0x93: {  	_ = 	snop  }
0x94: {  	s30 =	smov.u32 s28;
	s28 =	sadd.s32 $0x200, s28  }
0x95: {  	p1 =	sne.s32 s28, $0xA000;
	_ =	sdelay $0x1  }
0x96: {  	s29 =	sshra.s32 s30, $0x2;
	v13 =	vmul.f32 @!p0 v14, v13;
	_ =	sdelay $0x1  }
0x97: {  	[tilespmem:s31+$0x5170] =	vst @!p0 v13  }
0x98: {  	v13 =	vld [tilespmem:s29+$0x2900]  }
0x99: {  	v14 =	vld [tilespmem:s29+$0x120]  }
0x9a: {  	v15 =	vld [tilespmem:s29+$0x100]  }
0x9b: {  	v16 =	vld [tilespmem:s29+$0x110]  }
0x9c: {  	v17 =	vld [tilespmem:s29+$0x130]  }
0x9d: {  	v18 =	vld [tilespmem:s29+$0x2910]  }
0x9e: {  	v14 =	vmul.f32 v14, v3;
	v19 =	vld [tilespmem:s29+$0x2920]  }
0x9f: {  	v20 =	vmul.f32 v15, v1;
	v21 =	vld [tilespmem:s29+$0x140]  }
0xa0: {  	v16 =	vmul.f32 v16, v2;
	v22 =	vld [tilespmem:s29+$0x2930]  }
0xa1: {  	v13 =	vmul.f32 v13, v20;
	v17 =	vmul.f32 v17, v4;
	v20 =	vld [tilespmem:s29+$0x150]  }
0xa2: {  	v16 =	vmul.f32 v18, v16;
	v18 =	vld [tilespmem:s29+$0x2940]  }
0xa3: {  	v14 =	vmul.f32 v19, v14;
	v19 =	vld [tilespmem:s29+$0x160]  }
0xa4: {  	v13 =	vadd.f32 v16, v13;
	v16 =	vmul.f32 v21, v5;
	v21 =	vld [tilespmem:s29+$0x2950]  }
0xa5: {  	v17 =	vmul.f32 v22, v17;
	v22 =	vld [tilespmem:s29+$0x170]  }
0xa6: {  	v13 =	vadd.f32 v14, v13;
	v14 =	vmul.f32 v20, v6;
	v20 =	vld [tilespmem:s29+$0x2960]  }
0xa7: {  	v16 =	vmul.f32 v18, v16  }
0xa8: {  	v13 =	vadd.f32 v17, v13;
	v17 =	vmul.f32 v19, v7;
	v18 =	vld [tilespmem:s29+$0x2970]  }
0xa9: {  	v14 =	vmul.f32 v21, v14  }
0xaa: {  	v13 =	vadd.f32 v16, v13;
	v16 =	vmul.f32 v22, v10  }
0xab: {  	v17 =	vmul.f32 v20, v17  }
0xac: {  	v13 =	vadd.f32 v14, v13  }
0xad: {  	v14 =	vmul.f32 v18, v16  }
0xae: {  	v13 =	vadd.f32 v17, v13;
	_ =	sdelay $0x1  }
0xaf: {  	v13 =	vadd.f32 v14, v13;
	_ =	sdelay $0x1  }
0xb0: {  	v14 =	vperm.xlane v13, v8;
	_ =	sdelay $0x1  }
0xb1: {  	v13 =	vadd.f32 v13, v14;
	_ =	sdelay $0x1  }
0xb2: {  	v14 =	vperm.xlane v13, v9;
	_ =	sdelay $0x1  }
0xb3: {  	v13 =	vadd.f32 v13, v14;
	_ =	sdelay $0x1  }
0xb4: {  	v14 =	vperm.xlane v13, v11;
	_ =	sdelay $0x1  }
0xb5: {  	v13 =	vadd.f32 v13, v14;
	_ =	sdelay $0x1  }
0xb6: {  	v14 =	vperm.xlane v13, v12;
	_ =	sdelay $0x1  }
0xb7: {  	v13 =	vadd.f32 v13, v14;
	_ =	sdelay $0x1  }
0xb8: {  	vm1 =	vge.f32 v13, $0.0e+00;
	v14 =	vmul.f32 $2.000000030e-01, v13;
	_ =	sdelay $0x1  }
0xb9: {  	v13 =	vsel vm1, v13, v14  }
0xba: {  	v13 =	vmul.f32 $1.442695020e+00, v13;
	_ =	sdelay $0x1  }
0xbb: {  	(erf) = vpow2.f32 v13;
	_ =	sdelay $0x4  }
0xbc: {  	v14 =	vld @!p0 [tilespmem:s29+$0x110];
	_ =	sdelay $0x3  }
0xbd: {  	v13 =	vpop (erf)  }
0xbe: {  	v16 =	vnsel @p0 vm0, $0x0, v13;
	v15 =	vmul.f32 @!p0 v13, v15;
	v14 =	vmul.f32 @!p0 v14, v13  }
0xbf: {  	s31 =	sshra.s32 @!p0 s30, $0x2;
	[tilespmem:s29+$0x5100] =	vst @p0 v16  }
0xc0: {  	[tilespmem:s29+$0x5100] =	vst @!p0 v15  }
0xc1: {  	[tilespmem:s31+$0x5110] =	vst @!p0 v14;
	v14 =	vld @!p0 [tilespmem:s31+$0x140]  }
0xc2: {  	v15 =	vld @!p0 [tilespmem:s29+$0x120];
	_ =	sdelay $0x3  }
0xc3: {  	v14 =	vmul.f32 @!p0 v14, v13  }
0xc4: {  	v15 =	vmul.f32 @!p0 v15, v13;
	_ =	sdelay $0x1  }
0xc5: {  	[tilespmem:s31+$0x5120] =	vst @!p0 v15  }
0xc6: {  	v15 =	vld @!p0 [tilespmem:s29+$0x130]  }
0xc7: {  	[tilespmem:s31+$0x5140] =	vst @!p0 v14;
	_ =	sdelay $0x3  }
0xc8: {  	v14 =	vmul.f32 @!p0 v15, v13;
	_ =	sdelay $0x1  }
0xc9: {  	[tilespmem:s31+$0x5130] =	vst @!p0 v14  }
0xca: {  	v14 =	vld @!p0 [tilespmem:s29+$0x150];
	_ =	sdelay $0x4  }
0xcb: {  	v14 =	vmul.f32 @!p0 v14, v13;
	_ =	sdelay $0x1  }
0xcc: {  	[tilespmem:s31+$0x5150] =	vst @!p0 v14  }
0xcd: {  	v14 =	vld @!p0 [tilespmem:s29+$0x160];
	_ =	sdelay $0x3  }
.Ltmp2:
0xce: {  	(pc) =	sbr.rel @p1 .LBB2_7-.Ltmp2, $3  }
0xcf: {  	v14 =	vmul.f32 @!p0 v14, v13;
	_ =	sdelay $0x1  }
0xd0: {  	[tilespmem:s31+$0x5160] =	vst @!p0 v14  }
0xd1: {  	v14 =	vld @!p0 [tilespmem:s29+$0x170]  }
0xd2: {  	_ =	sdelay $0x3  }
0xd3: {  	s26 =	sadd.s32 $0x1, s26;
	v13 =	vmul.f32 @!p0 v14, v13  }
0xd4: {  	p1 =	sne.s32 s26, $0xFA  }
.Ltmp3:
0xd5: {  	[tilespmem:s31+$0x5170] =	vst @!p0 v13;
	(pc) =	sbr.rel @p1 .LBB2_6-.Ltmp3, $4  }
0xd6: {  	[spmem:s4] =	stream.indirect.scatter.add.f32 [tilespmem:s14], [sflag:$0x3], $0x80, s18, s21, $0xb8;
	[tilespmem:$0x1B600] =	vst v63  }
0xd7: {  	_ =	swait.ge [sflag:s15], $0x2800  }
0xd8: {  	[sflag:s15] =	ssyncset.done $0x0  }
0xd9: {  	[sflag:s15] =	ssyncadd.s32 $0xFFFFD800  }
0xda: {  	s25 =	sadd.s32 $0x0, s11  }
0xdb: {  	p1 =	slt.s32 s25, $0x26E8  }
0xdc: {  	s25 =	simm.s32 @!p1 $0x26E8  }
0xdd: {  	s28 =	sadd.s32 $0x28, s11;
	s25 =	sshll.u32 s25, $0x7  }
0xde: {  	[bflag:$0x0] =	sbarrier.arrive $0xFFFF;
	p1 =	slt.s32 s28, $0x26E8;
	s26 =	sand.u32 $0x3FFFFF80, s25  }
0xdf: {  	s28 =	simm.s32 @!p1 $0x26E8;
	s25 =	sadd.s32 s12, s25;
	s26 =	sadd.s32 s26, s4  }
0xe0: {  	[tilespmem:s14], [sflag:$0x3] =	stream.linear.gather [spmem:s26], $0x1400, $0x38;
	[tilespmem:$0x1B600] =	vst v63  }
0xe1: {  	s29 =	sshrl.u32 s25, $0x3;
	s25 =	sshll.u32 s28, $0x7;
	_ =	swait.ge [sflag:s15], $0x1400  }
0xe2: {  	s26 =	simm.s32 $0x50;
	s28 =	sadd.s32 s9, s29;
	[sflag:s15] =	ssyncset.done $0x0  }
.LBB2_10:
0xe3: {  	s29 =	sand.u32 $0x3FFFFF80, s25  }
0xe4: {  	[sflag:s15] =	ssyncadd.s32 $0xFFFFEC00;
	s30 =	smov.u32 s26;
	s31 =	sadd.s32 $0x28, s26  }
0xe5: {  	[hbm4b:s28+s5] =	stream.linear.scatter [tilespmem:s14], [sflag:$0x3], $0x1400, $0x38;
	[tilespmem:$0x1B600] =	vst v63  }
0xe6: {  	p1 =	sne.s32 s26, $0x258;
	_ =	swait.ge [sflag:s15], $0x1400  }
0xe7: {  	s26 =	sadd.s32 s30, s11;
	s28 =	sadd.s32 s29, s4;
	[sflag:s15] =	ssyncset.done $0x0  }
.Ltmp4:
0xe8: {  	p2 =	slt.s32 s26, $0x26E8;
	[sflag:s15] =	ssyncadd.s32 $0xFFFFEC00;
	(pc) =	sbr.rel @p1 .LBB2_10-.Ltmp4, $4  }
0xe9: {  	[tilespmem:s14], [sflag:$0x3] =	stream.linear.gather [spmem:s28], $0x1400, $0x38;
	[tilespmem:$0x1B600] =	vst v63  }
0xea: {  	s25 =	sadd.s32 s12, s25;
	s26 =	simm.s32 @!p2 $0x26E8  }
0xeb: {  	s28 =	sshrl.u32 s25, $0x3;
	s25 =	sshll.u32 s26, $0x7;
	_ =	swait.ge [sflag:s15], $0x1400  }
0xec: {  	s26 =	smov.u32 s31;
	s28 =	sadd.s32 s9, s28;
	[sflag:s15] =	ssyncset.done $0x0  }
0xed: {  	[sflag:s15] =	ssyncadd.s32 $0xFFFFEC00  }
0xee: {  	[hbm4b:s28+s5] =	stream.linear.scatter [tilespmem:s14], [sflag:$0x3], $0x1400, $0x38;
	[tilespmem:$0x1B600] =	vst v63  }
0xef: {  	_ =	swait.ge [sflag:s15], $0x1400  }
0xf0: {  	s26 =	sand.u32 $0x3FFFFF80, s25;
	[sflag:s15] =	ssyncset.done $0x0  }
0xf1: {  	s26 =	sadd.s32 s26, s4;
	[sflag:s15] =	ssyncadd.s32 $0xFFFFEC00  }
0xf2: {  	[tilespmem:s14], [sflag:$0x3] =	stream.linear.gather [spmem:s26], $0x1400, $0x38;
	[tilespmem:$0x1B600] =	vst v63  }
0xf3: {  	s31 =	sadd.s32 s12, s25;
	s24 =	sadd.s32 $0x1, s24;
	_ =	swait.ge [sflag:s15], $0x1400  }
0xf4: {  	s25 =	sshrl.u32 s31, $0x3;
	p1 =	sne.s32 s24, s13;
	[sflag:s15] =	ssyncset.done $0x0  }
.Ltmp5:
0xf5: {  	s25 =	sadd.s32 s9, s25;
	[sflag:s15] =	ssyncadd.s32 $0xFFFFEC00;
	(pc) =	sbr.rel @p1 .LBB2_1-.Ltmp5, $4  }
0xf6: {  	[hbm4b:s25+s5] =	stream.linear.scatter [tilespmem:s14], [sflag:$0x3], $0x1400, $0x38;
	[tilespmem:$0x1B600] =	vst v63  }
0xf7: {  	_ =	swait.ge [sflag:s15], $0x1400  }
0xf8: {  	[sflag:s15] =	ssyncset.done $0x0  }
0xf9: {  	[sflag:s15] =	ssyncadd.s32 $0xFFFFEC00  }
0xfa: {  	_ =	sfence.sel $0x180000  }
0xfb: {  	[bflag:$0x0] =	sbarrier.arrive $0xFFFF  }
0xfc: {  	p0 =	sne.s32 s6, $0x0;
	_ =	strace $0x90000047  }
0xfd: {  	s0 =	sadd.s32 @!p0 $0x100000, s0;
	[bflag:$0x2] =	sbarrier.arrive $0xFFFF  }
0xfe: {  	[sflag:s0] =	ssyncadd.tile.s32 @!p0 $0x1;
	_ =	shalt  }
.Lfunc_end2:
_tile_overlayer_lowered:
.L_overlay_start_2:
0xff: {  	(tag) =	ssettag $0x2  }
0x100: {  	s0 =	rddreg [dreg:$0x0];
	s2 =	stileid.u32  }
0x101: {  	s1 =	rddreg [dreg:$0x1];
	p0 =	sne.s32 s2, $0x0  }
0x102: {  	s3 =	rddreg [dreg:$0x2];
	[bflag:$0x3] =	sbarrier.arrive $0xFFFF;
	s2 =	simm.s32 @!p0 $0x1C03  }
0x103: {  	[timem:s3], [sflag:s2] =	dma.local @!p0 [hbm:s0], s1  }
0x104: {  	s0 =	simm.s32 @!p0 $0x3  }
0x105: {  	_ =	swait.ge @!p0 [sflag:s0], s1  }
0x106: {  	s1 =	ssub.s32 @!p0 $0x0, s1;
	[sflag:s0] =	ssyncset.done @!p0 $0x0  }
0x107: {  	[sflag:s0] =	ssyncadd.s32 @!p0 s1  }
0x108: {  	[bflag:$0x3] =	sbarrier.arrive $0xFFFF  }
0x109: {  	_ =	shalt  }

</sc_bundles>
